<compile_context>
chip_gen: v7x
topology: tpu7x:2x2x1
jax: 0.10.2.dev20260603
libtpu: 0.0.44.dev20260713+nightly
codegen_flags: <defaults>
</compile_context>

<pallas_src>
import jax
import jax.numpy as jnp
from jax import lax
from jax.experimental import pallas as pl
from jax.experimental.pallas import tpu as pltpu
from jax.experimental.pallas import tpu_sc as plsc

N_NODES = 10000
D_FEAT = 128
N_EDGES = 320000

NC = 2
NS = 16
NW = NC * NS

CHUNK = 128
N_CHUNKS = 2560
E_PAD = N_CHUNKS * CHUNK
CPT = N_CHUNKS // NW
DUMMY = N_NODES
NPAD = 10240
ROWS_PER_TILE = NPAD // NS
N_DUMMY = NPAD - N_NODES

PACK_SHIFT = 14
PACK_MASK = (1 << PACK_SHIFT) - 1

NB = 2
DEG_BATCH = 4

_mesh = plsc.VectorSubcoreMesh(core_axis_name="c", subcore_axis_name="s")


def _unpack_chunk(packed_v, t, si_row, ti_row):
    for k in range(CHUNK // 16):
        v = packed_v[t, pl.ds(k * 16, 16)]
        si_row[pl.ds(k * 16, 16)] = jax.lax.shift_right_logical(
            v, jnp.full((16,), PACK_SHIFT, jnp.int32))
        ti_row[pl.ds(k * 16, 16)] = jax.lax.bitwise_and(
            v, jnp.full((16,), PACK_MASK, jnp.int32))


def _degree_body(packed_hbm, din_hbm, dout_hbm,
                 packed_v, si_v, ti_v, ones_v, din_sp, dout_sp):
    c = lax.axis_index("c")
    s = lax.axis_index("s")
    wid = c * NS + s
    start = wid * CPT

    def fill(i, carry):
        ones_v[pl.ds(i * 16, 16)] = jnp.zeros((16,), jnp.float32)
        return carry
    lax.fori_loop(0, DEG_BATCH * CHUNK // 16, fill, None)
    zbase = s * ROWS_PER_TILE
    for k in range(ROWS_PER_TILE // CHUNK):
        pltpu.sync_copy(ones_v.at[pl.ds(0, CHUNK)],
                        din_sp.at[pl.ds(zbase + k * CHUNK, CHUNK)])
        pltpu.sync_copy(ones_v.at[pl.ds(0, CHUNK)],
                        dout_sp.at[pl.ds(zbase + k * CHUNK, CHUNK)])

    def fill1(i, carry):
        ones_v[pl.ds(i * 16, 16)] = jnp.ones((16,), jnp.float32)
        return carry
    lax.fori_loop(0, DEG_BATCH * CHUNK // 16, fill1, None)

    pltpu.sync_copy(packed_hbm.at[pl.ds(start, CPT)], packed_v)
    plsc.subcore_barrier()

    def step(g, carry):
        for j in range(DEG_BATCH):
            t = g * DEG_BATCH + j
            for k in range(CHUNK // 16):
                v = packed_v[t, pl.ds(k * 16, 16)]
                si_v[pl.ds(j * CHUNK + k * 16, 16)] = (
                    jax.lax.shift_right_logical(
                        v, jnp.full((16,), PACK_SHIFT, jnp.int32)))
                ti_v[pl.ds(j * CHUNK + k * 16, 16)] = jax.lax.bitwise_and(
                    v, jnp.full((16,), PACK_MASK, jnp.int32))
        pltpu.sync_copy(ones_v, din_sp.at[ti_v], add=True)
        pltpu.sync_copy(ones_v, dout_sp.at[si_v], add=True)
        return carry
    lax.fori_loop(0, CPT // DEG_BATCH, step, None)
    plsc.subcore_barrier()

    base = s * ROWS_PER_TILE
    pltpu.sync_copy(din_sp.at[pl.ds(base, ROWS_PER_TILE)],
                    din_hbm.at[pl.ds(c * NPAD + base, ROWS_PER_TILE)])
    pltpu.sync_copy(dout_sp.at[pl.ds(base, ROWS_PER_TILE)],
                    dout_hbm.at[pl.ds(c * NPAD + base, ROWS_PER_TILE)])


_degree_kernel = pl.kernel(
    _degree_body,
    out_type=(jax.ShapeDtypeStruct((NC * NPAD,), jnp.float32),
              jax.ShapeDtypeStruct((NC * NPAD,), jnp.float32)),
    mesh=_mesh,
    scratch_types=[
        pltpu.VMEM((CPT, CHUNK), jnp.int32),
        pltpu.VMEM((DEG_BATCH * CHUNK,), jnp.int32),
        pltpu.VMEM((DEG_BATCH * CHUNK,), jnp.int32),
        pltpu.VMEM((DEG_BATCH * CHUNK,), jnp.float32),
        pltpu.VMEM_SHARED((NPAD,), jnp.float32),
        pltpu.VMEM_SHARED((NPAD,), jnp.float32),
    ],
)


def _prescale_body(emb_ref, doutT_ref, emb2_ref):
    do = doutT_ref[...]
    b = lax.rsqrt(jnp.maximum(do[:, 0:1] + do[:, 1:2], 1.0))
    emb2_ref[pl.ds(0, N_NODES), :] = emb_ref[...] * b[0:N_NODES, :]
    emb2_ref[pl.ds(N_NODES, NPAD - N_NODES), :] = jnp.zeros(
        (NPAD - N_NODES, D_FEAT), jnp.float32)


_prescale_kernel = pl.pallas_call(
    _prescale_body,
    out_shape=jax.ShapeDtypeStruct((NPAD, D_FEAT), jnp.float32),
)


def _aggregate_body(emb2_hbm, packed_hbm, p_hbm,
                    packed_v, si_v, ti_v, rows_v, out_sp, gsem):
    c = lax.axis_index("c")
    s = lax.axis_index("s")
    wid = c * NS + s
    start = wid * CPT

    def zrow(i, carry):
        for k in range(D_FEAT // 16):
            rows_v[0, i, pl.ds(k * 16, 16)] = jnp.zeros((16,), jnp.float32)
        return carry
    lax.fori_loop(0, CHUNK, zrow, None)
    zbase = s * ROWS_PER_TILE
    for k in range(ROWS_PER_TILE // CHUNK):
        pltpu.sync_copy(rows_v.at[0], out_sp.at[pl.ds(zbase + k * CHUNK, CHUNK)])

    pltpu.sync_copy(packed_hbm.at[pl.ds(start, CPT)], packed_v)
    plsc.subcore_barrier()

    _unpack_chunk(packed_v, 0, si_v.at[0], ti_v.at[0])
    pltpu.async_copy(emb2_hbm.at[si_v.at[0]], rows_v.at[0], gsem.at[0])

    def step(g, carry):
        for u in range(NB):
            t = g * NB + u
            u2 = (u + 1) % NB
            @pl.when(t + 1 < CPT)
            def _():
                _unpack_chunk(packed_v, t + 1, si_v.at[u2], ti_v.at[u2])
                pltpu.async_copy(emb2_hbm.at[si_v.at[u2]], rows_v.at[u2],
                                 gsem.at[u2])
            pltpu.make_async_copy(emb2_hbm.at[si_v.at[u]], rows_v.at[u],
                                  gsem.at[u]).wait()
            pltpu.sync_copy(rows_v.at[u], out_sp.at[ti_v.at[u]], add=True)
        return carry
    lax.fori_loop(0, CPT // NB, step, None)
    plsc.subcore_barrier()

    base = s * ROWS_PER_TILE
    pltpu.sync_copy(out_sp.at[pl.ds(base, ROWS_PER_TILE)],
                    p_hbm.at[c, pl.ds(base, ROWS_PER_TILE)])


_aggregate_kernel = pl.kernel(
    _aggregate_body,
    out_type=jax.ShapeDtypeStruct((NC, NPAD, D_FEAT), jnp.float32),
    mesh=_mesh,
    scratch_types=[
        pltpu.VMEM((CPT, CHUNK), jnp.int32),
        pltpu.VMEM((NB, CHUNK), jnp.int32),
        pltpu.VMEM((NB, CHUNK), jnp.int32),
        pltpu.VMEM((NB, CHUNK, D_FEAT), jnp.float32),
        pltpu.VMEM_SHARED((NPAD, D_FEAT), jnp.float32),
        pltpu.SemaphoreType.DMA((NB,)),
    ],
)


def _postscale_body(p_ref, dinT_ref, out_ref):
    d = dinT_ref[...]
    a = lax.rsqrt(jnp.maximum(d[:, 0:1] + d[:, 1:2], 1.0))[0:N_NODES]
    tot = p_ref[0] + p_ref[1]
    out_ref[...] = a * tot[0:N_NODES, :]


_postscale_kernel = pl.pallas_call(
    _postscale_body,
    out_shape=jax.ShapeDtypeStruct((N_NODES, D_FEAT), jnp.float32),
)


def kernel(node_embeddings, adjacency_list):
    adj = adjacency_list.astype(jnp.int32)
    pad = DUMMY + (jnp.arange(E_PAD - N_EDGES, dtype=jnp.int32) % N_DUMMY)
    src = jnp.concatenate([adj[:, 0], pad])
    tgt = jnp.concatenate([adj[:, 1], pad])
    packed = ((src << PACK_SHIFT) | tgt).reshape(N_CHUNKS, CHUNK)

    din_p, dout_p = _degree_kernel(packed)
    emb2 = _prescale_kernel(node_embeddings, dout_p.reshape(NC, NPAD).T)
    p = _aggregate_kernel(emb2, packed)
    out = _postscale_kernel(p, din_p.reshape(NC, NPAD).T)
    return out

# --- scband reference (transcript-rebuilt; emitter-appended) ---
"""Pipeline reference for scband-message-passing-56530359550245 (READ-ONLY COPY).

The authoritative reference and input builder live on the scoring server;
editing this copy changes nothing except your own understanding.
"""

import jax, jax.numpy as jnp
import numpy as np

N_NODES = 10000
N_EDGES = 320000
D_FEAT = 128


def setup_inputs(seed: int = 0) -> dict:
    key = jax.random.key(seed)
    k1, k2 = jax.random.split(key)
    node_embeddings = jax.random.normal(k1, (N_NODES, D_FEAT), dtype=jnp.float32)
    adjacency_list = jax.random.randint(k2, (N_EDGES, 2), 0, N_NODES, dtype=jnp.int64)
    return {"node_embeddings": node_embeddings, "adjacency_list": adjacency_list}


def reference(node_embeddings, adjacency_list):
    # Single edge type; adjacency_lists = [adjacency_list].
    num_nodes = node_embeddings.shape[0]
    src = adjacency_list[:, 0]
    tgt = adjacency_list[:, 1]

    # _calculate_type_to_incoming_edges_num: scatter-add of ones (tf.scatter_nd)
    incoming_edges_num = jnp.zeros((num_nodes,), dtype=jnp.float32).at[tgt].add(1.0)
    outing_edges_num = jnp.zeros((num_nodes,), dtype=jnp.float32).at[src].add(1.0)

    # _calculate_messages_all_type: gathers
    edge_source_states = jnp.take(node_embeddings, src, axis=0)
    num_incoming_to_node_per_message = jnp.take(incoming_edges_num, tgt, axis=0)
    num_outing_to_node_per_message = jnp.take(outing_edges_num, src, axis=0)

    # Concrete message_function (GCN-style symmetric degree normalization of
    # the source states; base class leaves this abstract)
    norm = jnp.sqrt(jnp.maximum(num_incoming_to_node_per_message, 1.0) *
                    jnp.maximum(num_outing_to_node_per_message, 1.0))
    messages = edge_source_states / norm[:, None]

    # _aggregate_function with aggr='sum' -> unsorted_segment_sum
    aggregated = jax.ops.segment_sum(messages, tgt, num_segments=num_nodes)
    return aggregated

if __name__ == "__main__":
    import jax
    _d = setup_inputs()
    print(jax.jit(kernel)(*tuple(_d.values())))

</pallas_src>

<mosaic_0001>
#map = affine_map<(d0, d1) -> (0, 0)>
#map1 = affine_map<(d0, d1) -> (0)>
module attributes {stable_mosaic.version = 14 : i64} {
  func.func @_degree_body(%arg0: i32, %arg1: i32, %arg2: memref<2560x128xi32, #tpu.memory_space<hbm>>, %arg3: memref<20480xf32, #tpu.memory_space<hbm>>, %arg4: memref<20480xf32, #tpu.memory_space<hbm>>, %arg5: memref<80x128xi32, #tpu.memory_space<vmem>>, %arg6: memref<512xi32, #tpu.memory_space<vmem>>, %arg7: memref<512xi32, #tpu.memory_space<vmem>>, %arg8: memref<512xf32, #tpu.memory_space<vmem>>, %arg9: memref<10240xf32, #tpu.memory_space<vmem_shared>>, %arg10: memref<10240xf32, #tpu.memory_space<vmem_shared>>) attributes {dimension_semantics = [#tpu.dimension_semantics<core_parallel>, #tpu.dimension_semantics<subcore_parallel>], iteration_bounds = array<i64: 2, 16>, scalar_prefetch = 0 : i64, scratch_operands = 6 : i64, tpu.core_type = #tpu.core_type<sc_vector_subcore>, window_params = [{transform_indices = #map}, {transform_indices = #map1}, {transform_indices = #map1}]} {
    %mul3A = arith.constant 16 : i32
    %mul3A_0 = arith.muli %arg0, %mul3A : i32
    %add3A = arith.addi %mul3A_0, %arg1 : i32
    %mul3A_1 = arith.constant 80 : i32
    %mul3A_2 = arith.muli %add3A, %mul3A_1 : i32
    %scan3A = arith.constant 0 : i32
    %scan3A_3 = arith.constant 32 : i32
    %scan3A_4 = arith.addi %scan3A, %scan3A_3 : i32
    %scan3A_5 = arith.constant 1 : i32
    scf.for %scan3A_48 = %scan3A to %scan3A_4 step %scan3A_5  : i32 {
      %broadcast_in_dim3A = arith.constant 0.000000e+00 : f32
      %broadcast_in_dim3A_49 = vector.broadcast %broadcast_in_dim3A : f32 to vector<16xf32>
      %mul3A_50 = arith.constant 16 : i32
      %mul3A_51 = arith.muli %scan3A_48, %mul3A_50 : i32
      %swap3A = arith.index_cast %mul3A_51 : i32 to index
      %swap3A_52 = tpu.vector_load %arg8[%swap3A] {strides = array<i32>} : memref<512xf32, #tpu.memory_space<vmem>>, vector<16xf32>,
      %swap3A_53 = vector.shape_cast %swap3A_52 : vector<16xf32> to vector<16xf32>
      %swap3A_54 = vector.shape_cast %broadcast_in_dim3A_49 : vector<16xf32> to vector<16xf32>
      tpu.vector_store %arg8[%swap3A], %swap3A_54 {strides = array<i32>} : memref<512xf32, #tpu.memory_space<vmem>>, vector<16xf32>,
    }
    %scan3A_6 = arith.constant 32 : i32
    %mul3A_7 = arith.constant 640 : i32
    %mul3A_8 = arith.muli %arg1, %mul3A_7 : i32
    %add3A_9 = arith.constant 0 : i32
    %add3A_10 = arith.addi %mul3A_8, %add3A_9 : i32
    "tpu.region"() ({
      %run_scoped3A = tpu.sem_alloc : memref<!tpu.dma_semaphore, #tpu.memory_space<semaphore_mem>>
      %dma_start3A = arith.constant 0 : i32
      %dma_start3A_48 = tpu.memref_slice %arg8[%dma_start3A] : memref<512xf32, #tpu.memory_space<vmem>> -> memref<128xf32, #tpu.memory_space<vmem>>
      %dma_start3A_49 = tpu.memref_slice %arg9[%add3A_10] : memref<10240xf32, #tpu.memory_space<vmem_shared>> -> memref<128xf32, #tpu.memory_space<vmem_shared>>
      %dma_start3A_50 = tpu.memref_slice %arg9[%add3A_10] : memref<10240xf32, #tpu.memory_space<vmem_shared>> -> memref<128xf32, #tpu.memory_space<vmem_shared>>
      %dma_start3A_51 = arith.constant 0 : i32
      %dma_start3A_52 = tpu.memref_slice %arg8[%dma_start3A_51] : memref<512xf32, #tpu.memory_space<vmem>> -> memref<128xf32, #tpu.memory_space<vmem>>
      tpu.enqueue_dma source(%dma_start3A_52 : memref<128xf32, #tpu.memory_space<vmem>>) target(%dma_start3A_50 : memref<128xf32, #tpu.memory_space<vmem_shared>>) target_semaphore(%run_scoped3A : memref<!tpu.dma_semaphore, #tpu.memory_space<semaphore_mem>>)
      %dma_wait3A = arith.constant 0 : i32
      %dma_wait3A_53 = tpu.memref_slice %arg8[%dma_wait3A] : memref<512xf32, #tpu.memory_space<vmem>> -> memref<128xf32, #tpu.memory_space<vmem>>
      %dma_wait3A_54 = tpu.memref_slice %arg9[%add3A_10] : memref<10240xf32, #tpu.memory_space<vmem_shared>> -> memref<128xf32, #tpu.memory_space<vmem_shared>>
      %dma_wait3A_55 = tpu.memref_slice %arg9[%add3A_10] : memref<10240xf32, #tpu.memory_space<vmem_shared>> -> memref<128xf32, #tpu.memory_space<vmem_shared>>
      %dma_wait3A_56 = arith.constant 0 : i32
      %dma_wait3A_57 = tpu.memref_slice %arg8[%dma_wait3A_56] : memref<512xf32, #tpu.memory_space<vmem>> -> memref<128xf32, #tpu.memory_space<vmem>>
      tpu.wait_dma2 semaphore(%run_scoped3A : memref<!tpu.dma_semaphore, #tpu.memory_space<semaphore_mem>>) src(%dma_wait3A_57 : memref<128xf32, #tpu.memory_space<vmem>>) dst(%dma_wait3A_55 : memref<128xf32, #tpu.memory_space<vmem_shared>>)
      tpu.yield
    }) : () -> ()
    %add3A_11 = arith.constant 0 : i32
    %add3A_12 = arith.addi %mul3A_8, %add3A_11 : i32
    "tpu.region"() ({
      %run_scoped3A = tpu.sem_alloc : memref<!tpu.dma_semaphore, #tpu.memory_space<semaphore_mem>>
      %dma_start3A = arith.constant 0 : i32
      %dma_start3A_48 = tpu.memref_slice %arg8[%dma_start3A] : memref<512xf32, #tpu.memory_space<vmem>> -> memref<128xf32, #tpu.memory_space<vmem>>
      %dma_start3A_49 = tpu.memref_slice %arg10[%add3A_12] : memref<10240xf32, #tpu.memory_space<vmem_shared>> -> memref<128xf32, #tpu.memory_space<vmem_shared>>
      %dma_start3A_50 = tpu.memref_slice %arg10[%add3A_12] : memref<10240xf32, #tpu.memory_space<vmem_shared>> -> memref<128xf32, #tpu.memory_space<vmem_shared>>
      %dma_start3A_51 = arith.constant 0 : i32
      %dma_start3A_52 = tpu.memref_slice %arg8[%dma_start3A_51] : memref<512xf32, #tpu.memory_space<vmem>> -> memref<128xf32, #tpu.memory_space<vmem>>
      tpu.enqueue_dma source(%dma_start3A_52 : memref<128xf32, #tpu.memory_space<vmem>>) target(%dma_start3A_50 : memref<128xf32, #tpu.memory_space<vmem_shared>>) target_semaphore(%run_scoped3A : memref<!tpu.dma_semaphore, #tpu.memory_space<semaphore_mem>>)
      %dma_wait3A = arith.constant 0 : i32
      %dma_wait3A_53 = tpu.memref_slice %arg8[%dma_wait3A] : memref<512xf32, #tpu.memory_space<vmem>> -> memref<128xf32, #tpu.memory_space<vmem>>
      %dma_wait3A_54 = tpu.memref_slice %arg10[%add3A_12] : memref<10240xf32, #tpu.memory_space<vmem_shared>> -> memref<128xf32, #tpu.memory_space<vmem_shared>>
      %dma_wait3A_55 = tpu.memref_slice %arg10[%add3A_12] : memref<10240xf32, #tpu.memory_space<vmem_shared>> -> memref<128xf32, #tpu.memory_space<vmem_shared>>
      %dma_wait3A_56 = arith.constant 0 : i32
      %dma_wait3A_57 = tpu.memref_slice %arg8[%dma_wait3A_56] : memref<512xf32, #tpu.memory_space<vmem>> -> memref<128xf32, #tpu.memory_space<vmem>>
      tpu.wait_dma2 semaphore(%run_scoped3A : memref<!tpu.dma_semaphore, #tpu.memory_space<semaphore_mem>>) src(%dma_wait3A_57 : memref<128xf32, #tpu.memory_space<vmem>>) dst(%dma_wait3A_55 : memref<128xf32, #tpu.memory_space<vmem_shared>>)
      tpu.yield
    }) : () -> ()
    %add3A_13 = arith.constant 128 : i32
    %add3A_14 = arith.addi %mul3A_8, %add3A_13 : i32
    "tpu.region"() ({
      %run_scoped3A = tpu.sem_alloc : memref<!tpu.dma_semaphore, #tpu.memory_space<semaphore_mem>>
      %dma_start3A = arith.constant 0 : i32
      %dma_start3A_48 = tpu.memref_slice %arg8[%dma_start3A] : memref<512xf32, #tpu.memory_space<vmem>> -> memref<128xf32, #tpu.memory_space<vmem>>
      %dma_start3A_49 = tpu.memref_slice %arg9[%add3A_14] : memref<10240xf32, #tpu.memory_space<vmem_shared>> -> memref<128xf32, #tpu.memory_space<vmem_shared>>
      %dma_start3A_50 = tpu.memref_slice %arg9[%add3A_14] : memref<10240xf32, #tpu.memory_space<vmem_shared>> -> memref<128xf32, #tpu.memory_space<vmem_shared>>
      %dma_start3A_51 = arith.constant 0 : i32
      %dma_start3A_52 = tpu.memref_slice %arg8[%dma_start3A_51] : memref<512xf32, #tpu.memory_space<vmem>> -> memref<128xf32, #tpu.memory_space<vmem>>
      tpu.enqueue_dma source(%dma_start3A_52 : memref<128xf32, #tpu.memory_space<vmem>>) target(%dma_start3A_50 : memref<128xf32, #tpu.memory_space<vmem_shared>>) target_semaphore(%run_scoped3A : memref<!tpu.dma_semaphore, #tpu.memory_space<semaphore_mem>>)
      %dma_wait3A = arith.constant 0 : i32
      %dma_wait3A_53 = tpu.memref_slice %arg8[%dma_wait3A] : memref<512xf32, #tpu.memory_space<vmem>> -> memref<128xf32, #tpu.memory_space<vmem>>
      %dma_wait3A_54 = tpu.memref_slice %arg9[%add3A_14] : memref<10240xf32, #tpu.memory_space<vmem_shared>> -> memref<128xf32, #tpu.memory_space<vmem_shared>>
      %dma_wait3A_55 = tpu.memref_slice %arg9[%add3A_14] : memref<10240xf32, #tpu.memory_space<vmem_shared>> -> memref<128xf32, #tpu.memory_space<vmem_shared>>
      %dma_wait3A_56 = arith.constant 0 : i32
      %dma_wait3A_57 = tpu.memref_slice %arg8[%dma_wait3A_56] : memref<512xf32, #tpu.memory_space<vmem>> -> memref<128xf32, #tpu.memory_space<vmem>>
      tpu.wait_dma2 semaphore(%run_scoped3A : memref<!tpu.dma_semaphore, #tpu.memory_space<semaphore_mem>>) src(%dma_wait3A_57 : memref<128xf32, #tpu.memory_space<vmem>>) dst(%dma_wait3A_55 : memref<128xf32, #tpu.memory_space<vmem_shared>>)
      tpu.yield
    }) : () -> ()
    %add3A_15 = arith.constant 128 : i32
    %add3A_16 = arith.addi %mul3A_8, %add3A_15 : i32
    "tpu.region"() ({
      %run_scoped3A = tpu.sem_alloc : memref<!tpu.dma_semaphore, #tpu.memory_space<semaphore_mem>>
      %dma_start3A = arith.constant 0 : i32
      %dma_start3A_48 = tpu.memref_slice %arg8[%dma_start3A] : memref<512xf32, #tpu.memory_space<vmem>> -> memref<128xf32, #tpu.memory_space<vmem>>
      %dma_start3A_49 = tpu.memref_slice %arg10[%add3A_16] : memref<10240xf32, #tpu.memory_space<vmem_shared>> -> memref<128xf32, #tpu.memory_space<vmem_shared>>
      %dma_start3A_50 = tpu.memref_slice %arg10[%add3A_16] : memref<10240xf32, #tpu.memory_space<vmem_shared>> -> memref<128xf32, #tpu.memory_space<vmem_shared>>
      %dma_start3A_51 = arith.constant 0 : i32
      %dma_start3A_52 = tpu.memref_slice %arg8[%dma_start3A_51] : memref<512xf32, #tpu.memory_space<vmem>> -> memref<128xf32, #tpu.memory_space<vmem>>
      tpu.enqueue_dma source(%dma_start3A_52 : memref<128xf32, #tpu.memory_space<vmem>>) target(%dma_start3A_50 : memref<128xf32, #tpu.memory_space<vmem_shared>>) target_semaphore(%run_scoped3A : memref<!tpu.dma_semaphore, #tpu.memory_space<semaphore_mem>>)
      %dma_wait3A = arith.constant 0 : i32
      %dma_wait3A_53 = tpu.memref_slice %arg8[%dma_wait3A] : memref<512xf32, #tpu.memory_space<vmem>> -> memref<128xf32, #tpu.memory_space<vmem>>
      %dma_wait3A_54 = tpu.memref_slice %arg10[%add3A_16] : memref<10240xf32, #tpu.memory_space<vmem_shared>> -> memref<128xf32, #tpu.memory_space<vmem_shared>>
      %dma_wait3A_55 = tpu.memref_slice %arg10[%add3A_16] : memref<10240xf32, #tpu.memory_space<vmem_shared>> -> memref<128xf32, #tpu.memory_space<vmem_shared>>
      %dma_wait3A_56 = arith.constant 0 : i32
      %dma_wait3A_57 = tpu.memref_slice %arg8[%dma_wait3A_56] : memref<512xf32, #tpu.memory_space<vmem>> -> memref<128xf32, #tpu.memory_space<vmem>>
      tpu.wait_dma2 semaphore(%run_scoped3A : memref<!tpu.dma_semaphore, #tpu.memory_space<semaphore_mem>>) src(%dma_wait3A_57 : memref<128xf32, #tpu.memory_space<vmem>>) dst(%dma_wait3A_55 : memref<128xf32, #tpu.memory_space<vmem_shared>>)
      tpu.yield
    }) : () -> ()
    %add3A_17 = arith.constant 256 : i32
    %add3A_18 = arith.addi %mul3A_8, %add3A_17 : i32
    "tpu.region"() ({
      %run_scoped3A = tpu.sem_alloc : memref<!tpu.dma_semaphore, #tpu.memory_space<semaphore_mem>>
      %dma_start3A = arith.constant 0 : i32
      %dma_start3A_48 = tpu.memref_slice %arg8[%dma_start3A] : memref<512xf32, #tpu.memory_space<vmem>> -> memref<128xf32, #tpu.memory_space<vmem>>
      %dma_start3A_49 = tpu.memref_slice %arg9[%add3A_18] : memref<10240xf32, #tpu.memory_space<vmem_shared>> -> memref<128xf32, #tpu.memory_space<vmem_shared>>
      %dma_start3A_50 = tpu.memref_slice %arg9[%add3A_18] : memref<10240xf32, #tpu.memory_space<vmem_shared>> -> memref<128xf32, #tpu.memory_space<vmem_shared>>
      %dma_start3A_51 = arith.constant 0 : i32
      %dma_start3A_52 = tpu.memref_slice %arg8[%dma_start3A_51] : memref<512xf32, #tpu.memory_space<vmem>> -> memref<128xf32, #tpu.memory_space<vmem>>
      tpu.enqueue_dma source(%dma_start3A_52 : memref<128xf32, #tpu.memory_space<vmem>>) target(%dma_start3A_50 : memref<128xf32, #tpu.memory_space<vmem_shared>>) target_semaphore(%run_scoped3A : memref<!tpu.dma_semaphore, #tpu.memory_space<semaphore_mem>>)
      %dma_wait3A = arith.constant 0 : i32
      %dma_wait3A_53 = tpu.memref_slice %arg8[%dma_wait3A] : memref<512xf32, #tpu.memory_space<vmem>> -> memref<128xf32, #tpu.memory_space<vmem>>
      %dma_wait3A_54 = tpu.memref_slice %arg9[%add3A_18] : memref<10240xf32, #tpu.memory_space<vmem_shared>> -> memref<128xf32, #tpu.memory_space<vmem_shared>>
      %dma_wait3A_55 = tpu.memref_slice %arg9[%add3A_18] : memref<10240xf32, #tpu.memory_space<vmem_shared>> -> memref<128xf32, #tpu.memory_space<vmem_shared>>
      %dma_wait3A_56 = arith.constant 0 : i32
      %dma_wait3A_57 = tpu.memref_slice %arg8[%dma_wait3A_56] : memref<512xf32, #tpu.memory_space<vmem>> -> memref<128xf32, #tpu.memory_space<vmem>>
      tpu.wait_dma2 semaphore(%run_scoped3A : memref<!tpu.dma_semaphore, #tpu.memory_space<semaphore_mem>>) src(%dma_wait3A_57 : memref<128xf32, #tpu.memory_space<vmem>>) dst(%dma_wait3A_55 : memref<128xf32, #tpu.memory_space<vmem_shared>>)
      tpu.yield
    }) : () -> ()
    %add3A_19 = arith.constant 256 : i32
    %add3A_20 = arith.addi %mul3A_8, %add3A_19 : i32
    "tpu.region"() ({
      %run_scoped3A = tpu.sem_alloc : memref<!tpu.dma_semaphore, #tpu.memory_space<semaphore_mem>>
      %dma_start3A = arith.constant 0 : i32
      %dma_start3A_48 = tpu.memref_slice %arg8[%dma_start3A] : memref<512xf32, #tpu.memory_space<vmem>> -> memref<128xf32, #tpu.memory_space<vmem>>
      %dma_start3A_49 = tpu.memref_slice %arg10[%add3A_20] : memref<10240xf32, #tpu.memory_space<vmem_shared>> -> memref<128xf32, #tpu.memory_space<vmem_shared>>
      %dma_start3A_50 = tpu.memref_slice %arg10[%add3A_20] : memref<10240xf32, #tpu.memory_space<vmem_shared>> -> memref<128xf32, #tpu.memory_space<vmem_shared>>
      %dma_start3A_51 = arith.constant 0 : i32
      %dma_start3A_52 = tpu.memref_slice %arg8[%dma_start3A_51] : memref<512xf32, #tpu.memory_space<vmem>> -> memref<128xf32, #tpu.memory_space<vmem>>
      tpu.enqueue_dma source(%dma_start3A_52 : memref<128xf32, #tpu.memory_space<vmem>>) target(%dma_start3A_50 : memref<128xf32, #tpu.memory_space<vmem_shared>>) target_semaphore(%run_scoped3A : memref<!tpu.dma_semaphore, #tpu.memory_space<semaphore_mem>>)
      %dma_wait3A = arith.constant 0 : i32
      %dma_wait3A_53 = tpu.memref_slice %arg8[%dma_wait3A] : memref<512xf32, #tpu.memory_space<vmem>> -> memref<128xf32, #tpu.memory_space<vmem>>
      %dma_wait3A_54 = tpu.memref_slice %arg10[%add3A_20] : memref<10240xf32, #tpu.memory_space<vmem_shared>> -> memref<128xf32, #tpu.memory_space<vmem_shared>>
      %dma_wait3A_55 = tpu.memref_slice %arg10[%add3A_20] : memref<10240xf32, #tpu.memory_space<vmem_shared>> -> memref<128xf32, #tpu.memory_space<vmem_shared>>
      %dma_wait3A_56 = arith.constant 0 : i32
      %dma_wait3A_57 = tpu.memref_slice %arg8[%dma_wait3A_56] : memref<512xf32, #tpu.memory_space<vmem>> -> memref<128xf32, #tpu.memory_space<vmem>>
      tpu.wait_dma2 semaphore(%run_scoped3A : memref<!tpu.dma_semaphore, #tpu.memory_space<semaphore_mem>>) src(%dma_wait3A_57 : memref<128xf32, #tpu.memory_space<vmem>>) dst(%dma_wait3A_55 : memref<128xf32, #tpu.memory_space<vmem_shared>>)
      tpu.yield
    }) : () -> ()
    %add3A_21 = arith.constant 384 : i32
    %add3A_22 = arith.addi %mul3A_8, %add3A_21 : i32
    "tpu.region"() ({
      %run_scoped3A = tpu.sem_alloc : memref<!tpu.dma_semaphore, #tpu.memory_space<semaphore_mem>>
      %dma_start3A = arith.constant 0 : i32
      %dma_start3A_48 = tpu.memref_slice %arg8[%dma_start3A] : memref<512xf32, #tpu.memory_space<vmem>> -> memref<128xf32, #tpu.memory_space<vmem>>
      %dma_start3A_49 = tpu.memref_slice %arg9[%add3A_22] : memref<10240xf32, #tpu.memory_space<vmem_shared>> -> memref<128xf32, #tpu.memory_space<vmem_shared>>
      %dma_start3A_50 = tpu.memref_slice %arg9[%add3A_22] : memref<10240xf32, #tpu.memory_space<vmem_shared>> -> memref<128xf32, #tpu.memory_space<vmem_shared>>
      %dma_start3A_51 = arith.constant 0 : i32
      %dma_start3A_52 = tpu.memref_slice %arg8[%dma_start3A_51] : memref<512xf32, #tpu.memory_space<vmem>> -> memref<128xf32, #tpu.memory_space<vmem>>
      tpu.enqueue_dma source(%dma_start3A_52 : memref<128xf32, #tpu.memory_space<vmem>>) target(%dma_start3A_50 : memref<128xf32, #tpu.memory_space<vmem_shared>>) target_semaphore(%run_scoped3A : memref<!tpu.dma_semaphore, #tpu.memory_space<semaphore_mem>>)
      %dma_wait3A = arith.constant 0 : i32
      %dma_wait3A_53 = tpu.memref_slice %arg8[%dma_wait3A] : memref<512xf32, #tpu.memory_space<vmem>> -> memref<128xf32, #tpu.memory_space<vmem>>
      %dma_wait3A_54 = tpu.memref_slice %arg9[%add3A_22] : memref<10240xf32, #tpu.memory_space<vmem_shared>> -> memref<128xf32, #tpu.memory_space<vmem_shared>>
      %dma_wait3A_55 = tpu.memref_slice %arg9[%add3A_22] : memref<10240xf32, #tpu.memory_space<vmem_shared>> -> memref<128xf32, #tpu.memory_space<vmem_shared>>
      %dma_wait3A_56 = arith.constant 0 : i32
      %dma_wait3A_57 = tpu.memref_slice %arg8[%dma_wait3A_56] : memref<512xf32, #tpu.memory_space<vmem>> -> memref<128xf32, #tpu.memory_space<vmem>>
      tpu.wait_dma2 semaphore(%run_scoped3A : memref<!tpu.dma_semaphore, #tpu.memory_space<semaphore_mem>>) src(%dma_wait3A_57 : memref<128xf32, #tpu.memory_space<vmem>>) dst(%dma_wait3A_55 : memref<128xf32, #tpu.memory_space<vmem_shared>>)
      tpu.yield
    }) : () -> ()
    %add3A_23 = arith.constant 384 : i32
    %add3A_24 = arith.addi %mul3A_8, %add3A_23 : i32
    "tpu.region"() ({
      %run_scoped3A = tpu.sem_alloc : memref<!tpu.dma_semaphore, #tpu.memory_space<semaphore_mem>>
      %dma_start3A = arith.constant 0 : i32
      %dma_start3A_48 = tpu.memref_slice %arg8[%dma_start3A] : memref<512xf32, #tpu.memory_space<vmem>> -> memref<128xf32, #tpu.memory_space<vmem>>
      %dma_start3A_49 = tpu.memref_slice %arg10[%add3A_24] : memref<10240xf32, #tpu.memory_space<vmem_shared>> -> memref<128xf32, #tpu.memory_space<vmem_shared>>
      %dma_start3A_50 = tpu.memref_slice %arg10[%add3A_24] : memref<10240xf32, #tpu.memory_space<vmem_shared>> -> memref<128xf32, #tpu.memory_space<vmem_shared>>
      %dma_start3A_51 = arith.constant 0 : i32
      %dma_start3A_52 = tpu.memref_slice %arg8[%dma_start3A_51] : memref<512xf32, #tpu.memory_space<vmem>> -> memref<128xf32, #tpu.memory_space<vmem>>
      tpu.enqueue_dma source(%dma_start3A_52 : memref<128xf32, #tpu.memory_space<vmem>>) target(%dma_start3A_50 : memref<128xf32, #tpu.memory_space<vmem_shared>>) target_semaphore(%run_scoped3A : memref<!tpu.dma_semaphore, #tpu.memory_space<semaphore_mem>>)
      %dma_wait3A = arith.constant 0 : i32
      %dma_wait3A_53 = tpu.memref_slice %arg8[%dma_wait3A] : memref<512xf32, #tpu.memory_space<vmem>> -> memref<128xf32, #tpu.memory_space<vmem>>
      %dma_wait3A_54 = tpu.memref_slice %arg10[%add3A_24] : memref<10240xf32, #tpu.memory_space<vmem_shared>> -> memref<128xf32, #tpu.memory_space<vmem_shared>>
      %dma_wait3A_55 = tpu.memref_slice %arg10[%add3A_24] : memref<10240xf32, #tpu.memory_space<vmem_shared>> -> memref<128xf32, #tpu.memory_space<vmem_shared>>
      %dma_wait3A_56 = arith.constant 0 : i32
      %dma_wait3A_57 = tpu.memref_slice %arg8[%dma_wait3A_56] : memref<512xf32, #tpu.memory_space<vmem>> -> memref<128xf32, #tpu.memory_space<vmem>>
      tpu.wait_dma2 semaphore(%run_scoped3A : memref<!tpu.dma_semaphore, #tpu.memory_space<semaphore_mem>>) src(%dma_wait3A_57 : memref<128xf32, #tpu.memory_space<vmem>>) dst(%dma_wait3A_55 : memref<128xf32, #tpu.memory_space<vmem_shared>>)
      tpu.yield
    }) : () -> ()
    %add3A_25 = arith.constant 512 : i32
    %add3A_26 = arith.addi %mul3A_8, %add3A_25 : i32
    "tpu.region"() ({
      %run_scoped3A = tpu.sem_alloc : memref<!tpu.dma_semaphore, #tpu.memory_space<semaphore_mem>>
      %dma_start3A = arith.constant 0 : i32
      %dma_start3A_48 = tpu.memref_slice %arg8[%dma_start3A] : memref<512xf32, #tpu.memory_space<vmem>> -> memref<128xf32, #tpu.memory_space<vmem>>
      %dma_start3A_49 = tpu.memref_slice %arg9[%add3A_26] : memref<10240xf32, #tpu.memory_space<vmem_shared>> -> memref<128xf32, #tpu.memory_space<vmem_shared>>
      %dma_start3A_50 = tpu.memref_slice %arg9[%add3A_26] : memref<10240xf32, #tpu.memory_space<vmem_shared>> -> memref<128xf32, #tpu.memory_space<vmem_shared>>
      %dma_start3A_51 = arith.constant 0 : i32
      %dma_start3A_52 = tpu.memref_slice %arg8[%dma_start3A_51] : memref<512xf32, #tpu.memory_space<vmem>> -> memref<128xf32, #tpu.memory_space<vmem>>
      tpu.enqueue_dma source(%dma_start3A_52 : memref<128xf32, #tpu.memory_space<vmem>>) target(%dma_start3A_50 : memref<128xf32, #tpu.memory_space<vmem_shared>>) target_semaphore(%run_scoped3A : memref<!tpu.dma_semaphore, #tpu.memory_space<semaphore_mem>>)
      %dma_wait3A = arith.constant 0 : i32
      %dma_wait3A_53 = tpu.memref_slice %arg8[%dma_wait3A] : memref<512xf32, #tpu.memory_space<vmem>> -> memref<128xf32, #tpu.memory_space<vmem>>
      %dma_wait3A_54 = tpu.memref_slice %arg9[%add3A_26] : memref<10240xf32, #tpu.memory_space<vmem_shared>> -> memref<128xf32, #tpu.memory_space<vmem_shared>>
      %dma_wait3A_55 = tpu.memref_slice %arg9[%add3A_26] : memref<10240xf32, #tpu.memory_space<vmem_shared>> -> memref<128xf32, #tpu.memory_space<vmem_shared>>
      %dma_wait3A_56 = arith.constant 0 : i32
      %dma_wait3A_57 = tpu.memref_slice %arg8[%dma_wait3A_56] : memref<512xf32, #tpu.memory_space<vmem>> -> memref<128xf32, #tpu.memory_space<vmem>>
      tpu.wait_dma2 semaphore(%run_scoped3A : memref<!tpu.dma_semaphore, #tpu.memory_space<semaphore_mem>>) src(%dma_wait3A_57 : memref<128xf32, #tpu.memory_space<vmem>>) dst(%dma_wait3A_55 : memref<128xf32, #tpu.memory_space<vmem_shared>>)
      tpu.yield
    }) : () -> ()
    %add3A_27 = arith.constant 512 : i32
    %add3A_28 = arith.addi %mul3A_8, %add3A_27 : i32
    "tpu.region"() ({
      %run_scoped3A = tpu.sem_alloc : memref<!tpu.dma_semaphore, #tpu.memory_space<semaphore_mem>>
      %dma_start3A = arith.constant 0 : i32
      %dma_start3A_48 = tpu.memref_slice %arg8[%dma_start3A] : memref<512xf32, #tpu.memory_space<vmem>> -> memref<128xf32, #tpu.memory_space<vmem>>
      %dma_start3A_49 = tpu.memref_slice %arg10[%add3A_28] : memref<10240xf32, #tpu.memory_space<vmem_shared>> -> memref<128xf32, #tpu.memory_space<vmem_shared>>
      %dma_start3A_50 = tpu.memref_slice %arg10[%add3A_28] : memref<10240xf32, #tpu.memory_space<vmem_shared>> -> memref<128xf32, #tpu.memory_space<vmem_shared>>
      %dma_start3A_51 = arith.constant 0 : i32
      %dma_start3A_52 = tpu.memref_slice %arg8[%dma_start3A_51] : memref<512xf32, #tpu.memory_space<vmem>> -> memref<128xf32, #tpu.memory_space<vmem>>
      tpu.enqueue_dma source(%dma_start3A_52 : memref<128xf32, #tpu.memory_space<vmem>>) target(%dma_start3A_50 : memref<128xf32, #tpu.memory_space<vmem_shared>>) target_semaphore(%run_scoped3A : memref<!tpu.dma_semaphore, #tpu.memory_space<semaphore_mem>>)
      %dma_wait3A = arith.constant 0 : i32
      %dma_wait3A_53 = tpu.memref_slice %arg8[%dma_wait3A] : memref<512xf32, #tpu.memory_space<vmem>> -> memref<128xf32, #tpu.memory_space<vmem>>
      %dma_wait3A_54 = tpu.memref_slice %arg10[%add3A_28] : memref<10240xf32, #tpu.memory_space<vmem_shared>> -> memref<128xf32, #tpu.memory_space<vmem_shared>>
      %dma_wait3A_55 = tpu.memref_slice %arg10[%add3A_28] : memref<10240xf32, #tpu.memory_space<vmem_shared>> -> memref<128xf32, #tpu.memory_space<vmem_shared>>
      %dma_wait3A_56 = arith.constant 0 : i32
      %dma_wait3A_57 = tpu.memref_slice %arg8[%dma_wait3A_56] : memref<512xf32, #tpu.memory_space<vmem>> -> memref<128xf32, #tpu.memory_space<vmem>>
      tpu.wait_dma2 semaphore(%run_scoped3A : memref<!tpu.dma_semaphore, #tpu.memory_space<semaphore_mem>>) src(%dma_wait3A_57 : memref<128xf32, #tpu.memory_space<vmem>>) dst(%dma_wait3A_55 : memref<128xf32, #tpu.memory_space<vmem_shared>>)
      tpu.yield
    }) : () -> ()
    %scan3A_29 = arith.constant 0 : i32
    %scan3A_30 = arith.constant 32 : i32
    %scan3A_31 = arith.addi %scan3A_29, %scan3A_30 : i32
    %scan3A_32 = arith.constant 1 : i32
    scf.for %scan3A_48 = %scan3A_29 to %scan3A_31 step %scan3A_32  : i32 {
      %broadcast_in_dim3A = arith.constant 1.000000e+00 : f32
      %broadcast_in_dim3A_49 = vector.broadcast %broadcast_in_dim3A : f32 to vector<16xf32>
      %mul3A_50 = arith.constant 16 : i32
      %mul3A_51 = arith.muli %scan3A_48, %mul3A_50 : i32
      %swap3A = arith.index_cast %mul3A_51 : i32 to index
      %swap3A_52 = tpu.vector_load %arg8[%swap3A] {strides = array<i32>} : memref<512xf32, #tpu.memory_space<vmem>>, vector<16xf32>,
      %swap3A_53 = vector.shape_cast %swap3A_52 : vector<16xf32> to vector<16xf32>
      %swap3A_54 = vector.shape_cast %broadcast_in_dim3A_49 : vector<16xf32> to vector<16xf32>
      tpu.vector_store %arg8[%swap3A], %swap3A_54 {strides = array<i32>} : memref<512xf32, #tpu.memory_space<vmem>>, vector<16xf32>,
    }
    %scan3A_33 = arith.constant 32 : i32
    "tpu.region"() ({
      %run_scoped3A = tpu.sem_alloc : memref<!tpu.dma_semaphore, #tpu.memory_space<semaphore_mem>>
      %dma_start3A = arith.constant 0 : i32
      %dma_start3A_48 = tpu.memref_slice %arg2[%mul3A_2, %dma_start3A] : memref<2560x128xi32, #tpu.memory_space<hbm>> -> memref<80x128xi32, #tpu.memory_space<hbm>>
      %dma_start3A_49 = arith.constant 0 : i32
      %dma_start3A_50 = tpu.memref_slice %arg2[%mul3A_2, %dma_start3A_49] : memref<2560x128xi32, #tpu.memory_space<hbm>> -> memref<80x128xi32, #tpu.memory_space<hbm>>
      tpu.enqueue_dma source(%dma_start3A_50 : memref<80x128xi32, #tpu.memory_space<hbm>>) target(%arg5 : memref<80x128xi32, #tpu.memory_space<vmem>>) target_semaphore(%run_scoped3A : memref<!tpu.dma_semaphore, #tpu.memory_space<semaphore_mem>>)
      %dma_wait3A = arith.constant 0 : i32
      %dma_wait3A_51 = tpu.memref_slice %arg2[%mul3A_2, %dma_wait3A] : memref<2560x128xi32, #tpu.memory_space<hbm>> -> memref<80x128xi32, #tpu.memory_space<hbm>>
      %dma_wait3A_52 = arith.constant 0 : i32
      %dma_wait3A_53 = tpu.memref_slice %arg2[%mul3A_2, %dma_wait3A_52] : memref<2560x128xi32, #tpu.memory_space<hbm>> -> memref<80x128xi32, #tpu.memory_space<hbm>>
      tpu.wait_dma2 semaphore(%run_scoped3A : memref<!tpu.dma_semaphore, #tpu.memory_space<semaphore_mem>>) src(%dma_wait3A_53 : memref<80x128xi32, #tpu.memory_space<hbm>>) dst(%arg5 : memref<80x128xi32, #tpu.memory_space<vmem>>)
      tpu.yield
    }) : () -> ()
    %barrier3A = arith.constant 0 : index
    tpu.barrier barrier_id(%barrier3A)
    %scan3A_34 = arith.constant 0 : i32
    %scan3A_35 = arith.constant 20 : i32
    %scan3A_36 = arith.addi %scan3A_34, %scan3A_35 : i32
    %scan3A_37 = arith.constant 1 : i32
    scf.for %scan3A_48 = %scan3A_34 to %scan3A_36 step %scan3A_37  : i32 {
      %mul3A_49 = arith.constant 4 : i32
      %mul3A_50 = arith.muli %scan3A_48, %mul3A_49 : i32
      %add3A_51 = arith.constant 0 : i32
      %add3A_52 = arith.addi %mul3A_50, %add3A_51 : i32
      %get3A = arith.index_cast %add3A_52 : i32 to index
      %get3A_53 = arith.constant 0 : index
      %get3A_54 = tpu.vector_load %arg5[%get3A, %get3A_53] {strides = array<i32>} : memref<80x128xi32, #tpu.memory_space<vmem>>, vector<1x16xi32>,
      %get3A_55 = vector.shape_cast %get3A_54 : vector<1x16xi32> to vector<16xi32>
      %broadcast_in_dim3A = arith.constant 14 : i32
      %broadcast_in_dim3A_56 = vector.broadcast %broadcast_in_dim3A : i32 to vector<16xi32>
      %shift_right_logical3A = arith.shrui %get3A_55, %broadcast_in_dim3A_56 : vector<16xi32>
      %swap3A = arith.constant 0 : index
      %swap3A_57 = tpu.vector_load %arg6[%swap3A] {strides = array<i32>} : memref<512xi32, #tpu.memory_space<vmem>>, vector<16xi32>,
      %swap3A_58 = vector.shape_cast %swap3A_57 : vector<16xi32> to vector<16xi32>
      %swap3A_59 = vector.shape_cast %shift_right_logical3A : vector<16xi32> to vector<16xi32>
      tpu.vector_store %arg6[%swap3A], %swap3A_59 {strides = array<i32>} : memref<512xi32, #tpu.memory_space<vmem>>, vector<16xi32>,
      %broadcast_in_dim3A_60 = arith.constant 16383 : i32
      %broadcast_in_dim3A_61 = vector.broadcast %broadcast_in_dim3A_60 : i32 to vector<16xi32>
      %and3A = arith.andi %get3A_55, %broadcast_in_dim3A_61 : vector<16xi32>
      %swap3A_62 = arith.constant 0 : index
      %swap3A_63 = tpu.vector_load %arg7[%swap3A_62] {strides = array<i32>} : memref<512xi32, #tpu.memory_space<vmem>>, vector<16xi32>,
      %swap3A_64 = vector.shape_cast %swap3A_63 : vector<16xi32> to vector<16xi32>
      %swap3A_65 = vector.shape_cast %and3A : vector<16xi32> to vector<16xi32>
      tpu.vector_store %arg7[%swap3A_62], %swap3A_65 {strides = array<i32>} : memref<512xi32, #tpu.memory_space<vmem>>, vector<16xi32>,
      %get3A_66 = arith.index_cast %add3A_52 : i32 to index
      %get3A_67 = arith.constant 16 : index
      %get3A_68 = tpu.vector_load %arg5[%get3A_66, %get3A_67] {strides = array<i32>} : memref<80x128xi32, #tpu.memory_space<vmem>>, vector<1x16xi32>,
      %get3A_69 = vector.shape_cast %get3A_68 : vector<1x16xi32> to vector<16xi32>
      %broadcast_in_dim3A_70 = arith.constant 14 : i32
      %broadcast_in_dim3A_71 = vector.broadcast %broadcast_in_dim3A_70 : i32 to vector<16xi32>
      %shift_right_logical3A_72 = arith.shrui %get3A_69, %broadcast_in_dim3A_71 : vector<16xi32>
      %swap3A_73 = arith.constant 16 : index
      %swap3A_74 = tpu.vector_load %arg6[%swap3A_73] {strides = array<i32>} : memref<512xi32, #tpu.memory_space<vmem>>, vector<16xi32>,
      %swap3A_75 = vector.shape_cast %swap3A_74 : vector<16xi32> to vector<16xi32>
      %swap3A_76 = vector.shape_cast %shift_right_logical3A_72 : vector<16xi32> to vector<16xi32>
      tpu.vector_store %arg6[%swap3A_73], %swap3A_76 {strides = array<i32>} : memref<512xi32, #tpu.memory_space<vmem>>, vector<16xi32>,
      %broadcast_in_dim3A_77 = arith.constant 16383 : i32
      %broadcast_in_dim3A_78 = vector.broadcast %broadcast_in_dim3A_77 : i32 to vector<16xi32>
      %and3A_79 = arith.andi %get3A_69, %broadcast_in_dim3A_78 : vector<16xi32>
      %swap3A_80 = arith.constant 16 : index
      %swap3A_81 = tpu.vector_load %arg7[%swap3A_80] {strides = array<i32>} : memref<512xi32, #tpu.memory_space<vmem>>, vector<16xi32>,
      %swap3A_82 = vector.shape_cast %swap3A_81 : vector<16xi32> to vector<16xi32>
      %swap3A_83 = vector.shape_cast %and3A_79 : vector<16xi32> to vector<16xi32>
      tpu.vector_store %arg7[%swap3A_80], %swap3A_83 {strides = array<i32>} : memref<512xi32, #tpu.memory_space<vmem>>, vector<16xi32>,
      %get3A_84 = arith.index_cast %add3A_52 : i32 to index
      %get3A_85 = arith.constant 32 : index
      %get3A_86 = tpu.vector_load %arg5[%get3A_84, %get3A_85] {strides = array<i32>} : memref<80x128xi32, #tpu.memory_space<vmem>>, vector<1x16xi32>,
      %get3A_87 = vector.shape_cast %get3A_86 : vector<1x16xi32> to vector<16xi32>
      %broadcast_in_dim3A_88 = arith.constant 14 : i32
      %broadcast_in_dim3A_89 = vector.broadcast %broadcast_in_dim3A_88 : i32 to vector<16xi32>
      %shift_right_logical3A_90 = arith.shrui %get3A_87, %broadcast_in_dim3A_89 : vector<16xi32>
      %swap3A_91 = arith.constant 32 : index
      %swap3A_92 = tpu.vector_load %arg6[%swap3A_91] {strides = array<i32>} : memref<512xi32, #tpu.memory_space<vmem>>, vector<16xi32>,
      %swap3A_93 = vector.shape_cast %swap3A_92 : vector<16xi32> to vector<16xi32>
      %swap3A_94 = vector.shape_cast %shift_right_logical3A_90 : vector<16xi32> to vector<16xi32>
      tpu.vector_store %arg6[%swap3A_91], %swap3A_94 {strides = array<i32>} : memref<512xi32, #tpu.memory_space<vmem>>, vector<16xi32>,
      %broadcast_in_dim3A_95 = arith.constant 16383 : i32
      %broadcast_in_dim3A_96 = vector.broadcast %broadcast_in_dim3A_95 : i32 to vector<16xi32>
      %and3A_97 = arith.andi %get3A_87, %broadcast_in_dim3A_96 : vector<16xi32>
      %swap3A_98 = arith.constant 32 : index
      %swap3A_99 = tpu.vector_load %arg7[%swap3A_98] {strides = array<i32>} : memref<512xi32, #tpu.memory_space<vmem>>, vector<16xi32>,
      %swap3A_100 = vector.shape_cast %swap3A_99 : vector<16xi32> to vector<16xi32>
      %swap3A_101 = vector.shape_cast %and3A_97 : vector<16xi32> to vector<16xi32>
      tpu.vector_store %arg7[%swap3A_98], %swap3A_101 {strides = array<i32>} : memref<512xi32, #tpu.memory_space<vmem>>, vector<16xi32>,
      %get3A_102 = arith.index_cast %add3A_52 : i32 to index
      %get3A_103 = arith.constant 48 : index
      %get3A_104 = tpu.vector_load %arg5[%get3A_102, %get3A_103] {strides = array<i32>} : memref<80x128xi32, #tpu.memory_space<vmem>>, vector<1x16xi32>,
      %get3A_105 = vector.shape_cast %get3A_104 : vector<1x16xi32> to vector<16xi32>
      %broadcast_in_dim3A_106 = arith.constant 14 : i32
      %broadcast_in_dim3A_107 = vector.broadcast %broadcast_in_dim3A_106 : i32 to vector<16xi32>
      %shift_right_logical3A_108 = arith.shrui %get3A_105, %broadcast_in_dim3A_107 : vector<16xi32>
      %swap3A_109 = arith.constant 48 : index
      %swap3A_110 = tpu.vector_load %arg6[%swap3A_109] {strides = array<i32>} : memref<512xi32, #tpu.memory_space<vmem>>, vector<16xi32>,
      %swap3A_111 = vector.shape_cast %swap3A_110 : vector<16xi32> to vector<16xi32>
      %swap3A_112 = vector.shape_cast %shift_right_logical3A_108 : vector<16xi32> to vector<16xi32>
      tpu.vector_store %arg6[%swap3A_109], %swap3A_112 {strides = array<i32>} : memref<512xi32, #tpu.memory_space<vmem>>, vector<16xi32>,
      %broadcast_in_dim3A_113 = arith.constant 16383 : i32
      %broadcast_in_dim3A_114 = vector.broadcast %broadcast_in_dim3A_113 : i32 to vector<16xi32>
      %and3A_115 = arith.andi %get3A_105, %broadcast_in_dim3A_114 : vector<16xi32>
      %swap3A_116 = arith.constant 48 : index
      %swap3A_117 = tpu.vector_load %arg7[%swap3A_116] {strides = array<i32>} : memref<512xi32, #tpu.memory_space<vmem>>, vector<16xi32>,
      %swap3A_118 = vector.shape_cast %swap3A_117 : vector<16xi32> to vector<16xi32>
      %swap3A_119 = vector.shape_cast %and3A_115 : vector<16xi32> to vector<16xi32>
      tpu.vector_store %arg7[%swap3A_116], %swap3A_119 {strides = array<i32>} : memref<512xi32, #tpu.memory_space<vmem>>, vector<16xi32>,
      %get3A_120 = arith.index_cast %add3A_52 : i32 to index
      %get3A_121 = arith.constant 64 : index
      %get3A_122 = tpu.vector_load %arg5[%get3A_120, %get3A_121] {strides = array<i32>} : memref<80x128xi32, #tpu.memory_space<vmem>>, vector<1x16xi32>,
      %get3A_123 = vector.shape_cast %get3A_122 : vector<1x16xi32> to vector<16xi32>
      %broadcast_in_dim3A_124 = arith.constant 14 : i32
      %broadcast_in_dim3A_125 = vector.broadcast %broadcast_in_dim3A_124 : i32 to vector<16xi32>
      %shift_right_logical3A_126 = arith.shrui %get3A_123, %broadcast_in_dim3A_125 : vector<16xi32>
      %swap3A_127 = arith.constant 64 : index
      %swap3A_128 = tpu.vector_load %arg6[%swap3A_127] {strides = array<i32>} : memref<512xi32, #tpu.memory_space<vmem>>, vector<16xi32>,
      %swap3A_129 = vector.shape_cast %swap3A_128 : vector<16xi32> to vector<16xi32>
      %swap3A_130 = vector.shape_cast %shift_right_logical3A_126 : vector<16xi32> to vector<16xi32>
      tpu.vector_store %arg6[%swap3A_127], %swap3A_130 {strides = array<i32>} : memref<512xi32, #tpu.memory_space<vmem>>, vector<16xi32>,
      %broadcast_in_dim3A_131 = arith.constant 16383 : i32
      %broadcast_in_dim3A_132 = vector.broadcast %broadcast_in_dim3A_131 : i32 to vector<16xi32>
      %and3A_133 = arith.andi %get3A_123, %broadcast_in_dim3A_132 : vector<16xi32>
      %swap3A_134 = arith.constant 64 : index
      %swap3A_135 = tpu.vector_load %arg7[%swap3A_134] {strides = array<i32>} : memref<512xi32, #tpu.memory_space<vmem>>, vector<16xi32>,
      %swap3A_136 = vector.shape_cast %swap3A_135 : vector<16xi32> to vector<16xi32>
      %swap3A_137 = vector.shape_cast %and3A_133 : vector<16xi32> to vector<16xi32>
      tpu.vector_store %arg7[%swap3A_134], %swap3A_137 {strides = array<i32>} : memref<512xi32, #tpu.memory_space<vmem>>, vector<16xi32>,
      %get3A_138 = arith.index_cast %add3A_52 : i32 to index
      %get3A_139 = arith.constant 80 : index
      %get3A_140 = tpu.vector_load %arg5[%get3A_138, %get3A_139] {strides = array<i32>} : memref<80x128xi32, #tpu.memory_space<vmem>>, vector<1x16xi32>,
      %get3A_141 = vector.shape_cast %get3A_140 : vector<1x16xi32> to vector<16xi32>
      %broadcast_in_dim3A_142 = arith.constant 14 : i32
      %broadcast_in_dim3A_143 = vector.broadcast %broadcast_in_dim3A_142 : i32 to vector<16xi32>
      %shift_right_logical3A_144 = arith.shrui %get3A_141, %broadcast_in_dim3A_143 : vector<16xi32>
      %swap3A_145 = arith.constant 80 : index
      %swap3A_146 = tpu.vector_load %arg6[%swap3A_145] {strides = array<i32>} : memref<512xi32, #tpu.memory_space<vmem>>, vector<16xi32>,
      %swap3A_147 = vector.shape_cast %swap3A_146 : vector<16xi32> to vector<16xi32>
      %swap3A_148 = vector.shape_cast %shift_right_logical3A_144 : vector<16xi32> to vector<16xi32>
      tpu.vector_store %arg6[%swap3A_145], %swap3A_148 {strides = array<i32>} : memref<512xi32, #tpu.memory_space<vmem>>, vector<16xi32>,
      %broadcast_in_dim3A_149 = arith.constant 16383 : i32
      %broadcast_in_dim3A_150 = vector.broadcast %broadcast_in_dim3A_149 : i32 to vector<16xi32>
      %and3A_151 = arith.andi %get3A_141, %broadcast_in_dim3A_150 : vector<16xi32>
      %swap3A_152 = arith.constant 80 : index
      %swap3A_153 = tpu.vector_load %arg7[%swap3A_152] {strides = array<i32>} : memref<512xi32, #tpu.memory_space<vmem>>, vector<16xi32>,
      %swap3A_154 = vector.shape_cast %swap3A_153 : vector<16xi32> to vector<16xi32>
      %swap3A_155 = vector.shape_cast %and3A_151 : vector<16xi32> to vector<16xi32>
      tpu.vector_store %arg7[%swap3A_152], %swap3A_155 {strides = array<i32>} : memref<512xi32, #tpu.memory_space<vmem>>, vector<16xi32>,
      %get3A_156 = arith.index_cast %add3A_52 : i32 to index
      %get3A_157 = arith.constant 96 : index
      %get3A_158 = tpu.vector_load %arg5[%get3A_156, %get3A_157] {strides = array<i32>} : memref<80x128xi32, #tpu.memory_space<vmem>>, vector<1x16xi32>,
      %get3A_159 = vector.shape_cast %get3A_158 : vector<1x16xi32> to vector<16xi32>
      %broadcast_in_dim3A_160 = arith.constant 14 : i32
      %broadcast_in_dim3A_161 = vector.broadcast %broadcast_in_dim3A_160 : i32 to vector<16xi32>
      %shift_right_logical3A_162 = arith.shrui %get3A_159, %broadcast_in_dim3A_161 : vector<16xi32>
      %swap3A_163 = arith.constant 96 : index
      %swap3A_164 = tpu.vector_load %arg6[%swap3A_163] {strides = array<i32>} : memref<512xi32, #tpu.memory_space<vmem>>, vector<16xi32>,
      %swap3A_165 = vector.shape_cast %swap3A_164 : vector<16xi32> to vector<16xi32>
      %swap3A_166 = vector.shape_cast %shift_right_logical3A_162 : vector<16xi32> to vector<16xi32>
      tpu.vector_store %arg6[%swap3A_163], %swap3A_166 {strides = array<i32>} : memref<512xi32, #tpu.memory_space<vmem>>, vector<16xi32>,
      %broadcast_in_dim3A_167 = arith.constant 16383 : i32
      %broadcast_in_dim3A_168 = vector.broadcast %broadcast_in_dim3A_167 : i32 to vector<16xi32>
      %and3A_169 = arith.andi %get3A_159, %broadcast_in_dim3A_168 : vector<16xi32>
      %swap3A_170 = arith.constant 96 : index
      %swap3A_171 = tpu.vector_load %arg7[%swap3A_170] {strides = array<i32>} : memref<512xi32, #tpu.memory_space<vmem>>, vector<16xi32>,
      %swap3A_172 = vector.shape_cast %swap3A_171 : vector<16xi32> to vector<16xi32>
      %swap3A_173 = vector.shape_cast %and3A_169 : vector<16xi32> to vector<16xi32>
      tpu.vector_store %arg7[%swap3A_170], %swap3A_173 {strides = array<i32>} : memref<512xi32, #tpu.memory_space<vmem>>, vector<16xi32>,
      %get3A_174 = arith.index_cast %add3A_52 : i32 to index
      %get3A_175 = arith.constant 112 : index
      %get3A_176 = tpu.vector_load %arg5[%get3A_174, %get3A_175] {strides = array<i32>} : memref<80x128xi32, #tpu.memory_space<vmem>>, vector<1x16xi32>,
      %get3A_177 = vector.shape_cast %get3A_176 : vector<1x16xi32> to vector<16xi32>
      %broadcast_in_dim3A_178 = arith.constant 14 : i32
      %broadcast_in_dim3A_179 = vector.broadcast %broadcast_in_dim3A_178 : i32 to vector<16xi32>
      %shift_right_logical3A_180 = arith.shrui %get3A_177, %broadcast_in_dim3A_179 : vector<16xi32>
      %swap3A_181 = arith.constant 112 : index
      %swap3A_182 = tpu.vector_load %arg6[%swap3A_181] {strides = array<i32>} : memref<512xi32, #tpu.memory_space<vmem>>, vector<16xi32>,
      %swap3A_183 = vector.shape_cast %swap3A_182 : vector<16xi32> to vector<16xi32>
      %swap3A_184 = vector.shape_cast %shift_right_logical3A_180 : vector<16xi32> to vector<16xi32>
      tpu.vector_store %arg6[%swap3A_181], %swap3A_184 {strides = array<i32>} : memref<512xi32, #tpu.memory_space<vmem>>, vector<16xi32>,
      %broadcast_in_dim3A_185 = arith.constant 16383 : i32
      %broadcast_in_dim3A_186 = vector.broadcast %broadcast_in_dim3A_185 : i32 to vector<16xi32>
      %and3A_187 = arith.andi %get3A_177, %broadcast_in_dim3A_186 : vector<16xi32>
      %swap3A_188 = arith.constant 112 : index
      %swap3A_189 = tpu.vector_load %arg7[%swap3A_188] {strides = array<i32>} : memref<512xi32, #tpu.memory_space<vmem>>, vector<16xi32>,
      %swap3A_190 = vector.shape_cast %swap3A_189 : vector<16xi32> to vector<16xi32>
      %swap3A_191 = vector.shape_cast %and3A_187 : vector<16xi32> to vector<16xi32>
      tpu.vector_store %arg7[%swap3A_188], %swap3A_191 {strides = array<i32>} : memref<512xi32, #tpu.memory_space<vmem>>, vector<16xi32>,
      %mul3A_192 = arith.constant 4 : i32
      %mul3A_193 = arith.muli %scan3A_48, %mul3A_192 : i32
      %add3A_194 = arith.constant 1 : i32
      %add3A_195 = arith.addi %mul3A_193, %add3A_194 : i32
      %get3A_196 = arith.index_cast %add3A_195 : i32 to index
      %get3A_197 = arith.constant 0 : index
      %get3A_198 = tpu.vector_load %arg5[%get3A_196, %get3A_197] {strides = array<i32>} : memref<80x128xi32, #tpu.memory_space<vmem>>, vector<1x16xi32>,
      %get3A_199 = vector.shape_cast %get3A_198 : vector<1x16xi32> to vector<16xi32>
      %broadcast_in_dim3A_200 = arith.constant 14 : i32
      %broadcast_in_dim3A_201 = vector.broadcast %broadcast_in_dim3A_200 : i32 to vector<16xi32>
      %shift_right_logical3A_202 = arith.shrui %get3A_199, %broadcast_in_dim3A_201 : vector<16xi32>
      %swap3A_203 = arith.constant 128 : index
      %swap3A_204 = tpu.vector_load %arg6[%swap3A_203] {strides = array<i32>} : memref<512xi32, #tpu.memory_space<vmem>>, vector<16xi32>,
      %swap3A_205 = vector.shape_cast %swap3A_204 : vector<16xi32> to vector<16xi32>
      %swap3A_206 = vector.shape_cast %shift_right_logical3A_202 : vector<16xi32> to vector<16xi32>
      tpu.vector_store %arg6[%swap3A_203], %swap3A_206 {strides = array<i32>} : memref<512xi32, #tpu.memory_space<vmem>>, vector<16xi32>,
      %broadcast_in_dim3A_207 = arith.constant 16383 : i32
      %broadcast_in_dim3A_208 = vector.broadcast %broadcast_in_dim3A_207 : i32 to vector<16xi32>
      %and3A_209 = arith.andi %get3A_199, %broadcast_in_dim3A_208 : vector<16xi32>
      %swap3A_210 = arith.constant 128 : index
      %swap3A_211 = tpu.vector_load %arg7[%swap3A_210] {strides = array<i32>} : memref<512xi32, #tpu.memory_space<vmem>>, vector<16xi32>,
      %swap3A_212 = vector.shape_cast %swap3A_211 : vector<16xi32> to vector<16xi32>
      %swap3A_213 = vector.shape_cast %and3A_209 : vector<16xi32> to vector<16xi32>
      tpu.vector_store %arg7[%swap3A_210], %swap3A_213 {strides = array<i32>} : memref<512xi32, #tpu.memory_space<vmem>>, vector<16xi32>,
      %get3A_214 = arith.index_cast %add3A_195 : i32 to index
      %get3A_215 = arith.constant 16 : index
      %get3A_216 = tpu.vector_load %arg5[%get3A_214, %get3A_215] {strides = array<i32>} : memref<80x128xi32, #tpu.memory_space<vmem>>, vector<1x16xi32>,
      %get3A_217 = vector.shape_cast %get3A_216 : vector<1x16xi32> to vector<16xi32>
      %broadcast_in_dim3A_218 = arith.constant 14 : i32
      %broadcast_in_dim3A_219 = vector.broadcast %broadcast_in_dim3A_218 : i32 to vector<16xi32>
      %shift_right_logical3A_220 = arith.shrui %get3A_217, %broadcast_in_dim3A_219 : vector<16xi32>
      %swap3A_221 = arith.constant 144 : index
      %swap3A_222 = tpu.vector_load %arg6[%swap3A_221] {strides = array<i32>} : memref<512xi32, #tpu.memory_space<vmem>>, vector<16xi32>,
      %swap3A_223 = vector.shape_cast %swap3A_222 : vector<16xi32> to vector<16xi32>
      %swap3A_224 = vector.shape_cast %shift_right_logical3A_220 : vector<16xi32> to vector<16xi32>
      tpu.vector_store %arg6[%swap3A_221], %swap3A_224 {strides = array<i32>} : memref<512xi32, #tpu.memory_space<vmem>>, vector<16xi32>,
      %broadcast_in_dim3A_225 = arith.constant 16383 : i32
      %broadcast_in_dim3A_226 = vector.broadcast %broadcast_in_dim3A_225 : i32 to vector<16xi32>
      %and3A_227 = arith.andi %get3A_217, %broadcast_in_dim3A_226 : vector<16xi32>
      %swap3A_228 = arith.constant 144 : index
      %swap3A_229 = tpu.vector_load %arg7[%swap3A_228] {strides = array<i32>} : memref<512xi32, #tpu.memory_space<vmem>>, vector<16xi32>,
      %swap3A_230 = vector.shape_cast %swap3A_229 : vector<16xi32> to vector<16xi32>
      %swap3A_231 = vector.shape_cast %and3A_227 : vector<16xi32> to vector<16xi32>
      tpu.vector_store %arg7[%swap3A_228], %swap3A_231 {strides = array<i32>} : memref<512xi32, #tpu.memory_space<vmem>>, vector<16xi32>,
      %get3A_232 = arith.index_cast %add3A_195 : i32 to index
      %get3A_233 = arith.constant 32 : index
      %get3A_234 = tpu.vector_load %arg5[%get3A_232, %get3A_233] {strides = array<i32>} : memref<80x128xi32, #tpu.memory_space<vmem>>, vector<1x16xi32>,
      %get3A_235 = vector.shape_cast %get3A_234 : vector<1x16xi32> to vector<16xi32>
      %broadcast_in_dim3A_236 = arith.constant 14 : i32
      %broadcast_in_dim3A_237 = vector.broadcast %broadcast_in_dim3A_236 : i32 to vector<16xi32>
      %shift_right_logical3A_238 = arith.shrui %get3A_235, %broadcast_in_dim3A_237 : vector<16xi32>
      %swap3A_239 = arith.constant 160 : index
      %swap3A_240 = tpu.vector_load %arg6[%swap3A_239] {strides = array<i32>} : memref<512xi32, #tpu.memory_space<vmem>>, vector<16xi32>,
      %swap3A_241 = vector.shape_cast %swap3A_240 : vector<16xi32> to vector<16xi32>
      %swap3A_242 = vector.shape_cast %shift_right_logical3A_238 : vector<16xi32> to vector<16xi32>
      tpu.vector_store %arg6[%swap3A_239], %swap3A_242 {strides = array<i32>} : memref<512xi32, #tpu.memory_space<vmem>>, vector<16xi32>,
      %broadcast_in_dim3A_243 = arith.constant 16383 : i32
      %broadcast_in_dim3A_244 = vector.broadcast %broadcast_in_dim3A_243 : i32 to vector<16xi32>
      %and3A_245 = arith.andi %get3A_235, %broadcast_in_dim3A_244 : vector<16xi32>
      %swap3A_246 = arith.constant 160 : index
      %swap3A_247 = tpu.vector_load %arg7[%swap3A_246] {strides = array<i32>} : memref<512xi32, #tpu.memory_space<vmem>>, vector<16xi32>,
      %swap3A_248 = vector.shape_cast %swap3A_247 : vector<16xi32> to vector<16xi32>
      %swap3A_249 = vector.shape_cast %and3A_245 : vector<16xi32> to vector<16xi32>
      tpu.vector_store %arg7[%swap3A_246], %swap3A_249 {strides = array<i32>} : memref<512xi32, #tpu.memory_space<vmem>>, vector<16xi32>,
      %get3A_250 = arith.index_cast %add3A_195 : i32 to index
      %get3A_251 = arith.constant 48 : index
      %get3A_252 = tpu.vector_load %arg5[%get3A_250, %get3A_251] {strides = array<i32>} : memref<80x128xi32, #tpu.memory_space<vmem>>, vector<1x16xi32>,
      %get3A_253 = vector.shape_cast %get3A_252 : vector<1x16xi32> to vector<16xi32>
      %broadcast_in_dim3A_254 = arith.constant 14 : i32
      %broadcast_in_dim3A_255 = vector.broadcast %broadcast_in_dim3A_254 : i32 to vector<16xi32>
      %shift_right_logical3A_256 = arith.shrui %get3A_253, %broadcast_in_dim3A_255 : vector<16xi32>
      %swap3A_257 = arith.constant 176 : index
      %swap3A_258 = tpu.vector_load %arg6[%swap3A_257] {strides = array<i32>} : memref<512xi32, #tpu.memory_space<vmem>>, vector<16xi32>,
      %swap3A_259 = vector.shape_cast %swap3A_258 : vector<16xi32> to vector<16xi32>
      %swap3A_260 = vector.shape_cast %shift_right_logical3A_256 : vector<16xi32> to vector<16xi32>
      tpu.vector_store %arg6[%swap3A_257], %swap3A_260 {strides = array<i32>} : memref<512xi32, #tpu.memory_space<vmem>>, vector<16xi32>,
      %broadcast_in_dim3A_261 = arith.constant 16383 : i32
      %broadcast_in_dim3A_262 = vector.broadcast %broadcast_in_dim3A_261 : i32 to vector<16xi32>
      %and3A_263 = arith.andi %get3A_253, %broadcast_in_dim3A_262 : vector<16xi32>
      %swap3A_264 = arith.constant 176 : index
      %swap3A_265 = tpu.vector_load %arg7[%swap3A_264] {strides = array<i32>} : memref<512xi32, #tpu.memory_space<vmem>>, vector<16xi32>,
      %swap3A_266 = vector.shape_cast %swap3A_265 : vector<16xi32> to vector<16xi32>
      %swap3A_267 = vector.shape_cast %and3A_263 : vector<16xi32> to vector<16xi32>
      tpu.vector_store %arg7[%swap3A_264], %swap3A_267 {strides = array<i32>} : memref<512xi32, #tpu.memory_space<vmem>>, vector<16xi32>,
      %get3A_268 = arith.index_cast %add3A_195 : i32 to index
      %get3A_269 = arith.constant 64 : index
      %get3A_270 = tpu.vector_load %arg5[%get3A_268, %get3A_269] {strides = array<i32>} : memref<80x128xi32, #tpu.memory_space<vmem>>, vector<1x16xi32>,
      %get3A_271 = vector.shape_cast %get3A_270 : vector<1x16xi32> to vector<16xi32>
      %broadcast_in_dim3A_272 = arith.constant 14 : i32
      %broadcast_in_dim3A_273 = vector.broadcast %broadcast_in_dim3A_272 : i32 to vector<16xi32>
      %shift_right_logical3A_274 = arith.shrui %get3A_271, %broadcast_in_dim3A_273 : vector<16xi32>
      %swap3A_275 = arith.constant 192 : index
      %swap3A_276 = tpu.vector_load %arg6[%swap3A_275] {strides = array<i32>} : memref<512xi32, #tpu.memory_space<vmem>>, vector<16xi32>,
      %swap3A_277 = vector.shape_cast %swap3A_276 : vector<16xi32> to vector<16xi32>
      %swap3A_278 = vector.shape_cast %shift_right_logical3A_274 : vector<16xi32> to vector<16xi32>
      tpu.vector_store %arg6[%swap3A_275], %swap3A_278 {strides = array<i32>} : memref<512xi32, #tpu.memory_space<vmem>>, vector<16xi32>,
      %broadcast_in_dim3A_279 = arith.constant 16383 : i32
      %broadcast_in_dim3A_280 = vector.broadcast %broadcast_in_dim3A_279 : i32 to vector<16xi32>
      %and3A_281 = arith.andi %get3A_271, %broadcast_in_dim3A_280 : vector<16xi32>
      %swap3A_282 = arith.constant 192 : index
      %swap3A_283 = tpu.vector_load %arg7[%swap3A_282] {strides = array<i32>} : memref<512xi32, #tpu.memory_space<vmem>>, vector<16xi32>,
      %swap3A_284 = vector.shape_cast %swap3A_283 : vector<16xi32> to vector<16xi32>
      %swap3A_285 = vector.shape_cast %and3A_281 : vector<16xi32> to vector<16xi32>
      tpu.vector_store %arg7[%swap3A_282], %swap3A_285 {strides = array<i32>} : memref<512xi32, #tpu.memory_space<vmem>>, vector<16xi32>,
      %get3A_286 = arith.index_cast %add3A_195 : i32 to index
      %get3A_287 = arith.constant 80 : index
      %get3A_288 = tpu.vector_load %arg5[%get3A_286, %get3A_287] {strides = array<i32>} : memref<80x128xi32, #tpu.memory_space<vmem>>, vector<1x16xi32>,
      %get3A_289 = vector.shape_cast %get3A_288 : vector<1x16xi32> to vector<16xi32>
      %broadcast_in_dim3A_290 = arith.constant 14 : i32
      %broadcast_in_dim3A_291 = vector.broadcast %broadcast_in_dim3A_290 : i32 to vector<16xi32>
      %shift_right_logical3A_292 = arith.shrui %get3A_289, %broadcast_in_dim3A_291 : vector<16xi32>
      %swap3A_293 = arith.constant 208 : index
      %swap3A_294 = tpu.vector_load %arg6[%swap3A_293] {strides = array<i32>} : memref<512xi32, #tpu.memory_space<vmem>>, vector<16xi32>,
      %swap3A_295 = vector.shape_cast %swap3A_294 : vector<16xi32> to vector<16xi32>
      %swap3A_296 = vector.shape_cast %shift_right_logical3A_292 : vector<16xi32> to vector<16xi32>
      tpu.vector_store %arg6[%swap3A_293], %swap3A_296 {strides = array<i32>} : memref<512xi32, #tpu.memory_space<vmem>>, vector<16xi32>,
      %broadcast_in_dim3A_297 = arith.constant 16383 : i32
      %broadcast_in_dim3A_298 = vector.broadcast %broadcast_in_dim3A_297 : i32 to vector<16xi32>
      %and3A_299 = arith.andi %get3A_289, %broadcast_in_dim3A_298 : vector<16xi32>
      %swap3A_300 = arith.constant 208 : index
      %swap3A_301 = tpu.vector_load %arg7[%swap3A_300] {strides = array<i32>} : memref<512xi32, #tpu.memory_space<vmem>>, vector<16xi32>,
      %swap3A_302 = vector.shape_cast %swap3A_301 : vector<16xi32> to vector<16xi32>
      %swap3A_303 = vector.shape_cast %and3A_299 : vector<16xi32> to vector<16xi32>
      tpu.vector_store %arg7[%swap3A_300], %swap3A_303 {strides = array<i32>} : memref<512xi32, #tpu.memory_space<vmem>>, vector<16xi32>,
      %get3A_304 = arith.index_cast %add3A_195 : i32 to index
      %get3A_305 = arith.constant 96 : index
      %get3A_306 = tpu.vector_load %arg5[%get3A_304, %get3A_305] {strides = array<i32>} : memref<80x128xi32, #tpu.memory_space<vmem>>, vector<1x16xi32>,
      %get3A_307 = vector.shape_cast %get3A_306 : vector<1x16xi32> to vector<16xi32>
      %broadcast_in_dim3A_308 = arith.constant 14 : i32
      %broadcast_in_dim3A_309 = vector.broadcast %broadcast_in_dim3A_308 : i32 to vector<16xi32>
      %shift_right_logical3A_310 = arith.shrui %get3A_307, %broadcast_in_dim3A_309 : vector<16xi32>
      %swap3A_311 = arith.constant 224 : index
      %swap3A_312 = tpu.vector_load %arg6[%swap3A_311] {strides = array<i32>} : memref<512xi32, #tpu.memory_space<vmem>>, vector<16xi32>,
      %swap3A_313 = vector.shape_cast %swap3A_312 : vector<16xi32> to vector<16xi32>
      %swap3A_314 = vector.shape_cast %shift_right_logical3A_310 : vector<16xi32> to vector<16xi32>
      tpu.vector_store %arg6[%swap3A_311], %swap3A_314 {strides = array<i32>} : memref<512xi32, #tpu.memory_space<vmem>>, vector<16xi32>,
      %broadcast_in_dim3A_315 = arith.constant 16383 : i32
      %broadcast_in_dim3A_316 = vector.broadcast %broadcast_in_dim3A_315 : i32 to vector<16xi32>
      %and3A_317 = arith.andi %get3A_307, %broadcast_in_dim3A_316 : vector<16xi32>
      %swap3A_318 = arith.constant 224 : index
      %swap3A_319 = tpu.vector_load %arg7[%swap3A_318] {strides = array<i32>} : memref<512xi32, #tpu.memory_space<vmem>>, vector<16xi32>,
      %swap3A_320 = vector.shape_cast %swap3A_319 : vector<16xi32> to vector<16xi32>
      %swap3A_321 = vector.shape_cast %and3A_317 : vector<16xi32> to vector<16xi32>
      tpu.vector_store %arg7[%swap3A_318], %swap3A_321 {strides = array<i32>} : memref<512xi32, #tpu.memory_space<vmem>>, vector<16xi32>,
      %get3A_322 = arith.index_cast %add3A_195 : i32 to index
      %get3A_323 = arith.constant 112 : index
      %get3A_324 = tpu.vector_load %arg5[%get3A_322, %get3A_323] {strides = array<i32>} : memref<80x128xi32, #tpu.memory_space<vmem>>, vector<1x16xi32>,
      %get3A_325 = vector.shape_cast %get3A_324 : vector<1x16xi32> to vector<16xi32>
      %broadcast_in_dim3A_326 = arith.constant 14 : i32
      %broadcast_in_dim3A_327 = vector.broadcast %broadcast_in_dim3A_326 : i32 to vector<16xi32>
      %shift_right_logical3A_328 = arith.shrui %get3A_325, %broadcast_in_dim3A_327 : vector<16xi32>
      %swap3A_329 = arith.constant 240 : index
      %swap3A_330 = tpu.vector_load %arg6[%swap3A_329] {strides = array<i32>} : memref<512xi32, #tpu.memory_space<vmem>>, vector<16xi32>,
      %swap3A_331 = vector.shape_cast %swap3A_330 : vector<16xi32> to vector<16xi32>
      %swap3A_332 = vector.shape_cast %shift_right_logical3A_328 : vector<16xi32> to vector<16xi32>
      tpu.vector_store %arg6[%swap3A_329], %swap3A_332 {strides = array<i32>} : memref<512xi32, #tpu.memory_space<vmem>>, vector<16xi32>,
      %broadcast_in_dim3A_333 = arith.constant 16383 : i32
      %broadcast_in_dim3A_334 = vector.broadcast %broadcast_in_dim3A_333 : i32 to vector<16xi32>
      %and3A_335 = arith.andi %get3A_325, %broadcast_in_dim3A_334 : vector<16xi32>
      %swap3A_336 = arith.constant 240 : index
      %swap3A_337 = tpu.vector_load %arg7[%swap3A_336] {strides = array<i32>} : memref<512xi32, #tpu.memory_space<vmem>>, vector<16xi32>,
      %swap3A_338 = vector.shape_cast %swap3A_337 : vector<16xi32> to vector<16xi32>
      %swap3A_339 = vector.shape_cast %and3A_335 : vector<16xi32> to vector<16xi32>
      tpu.vector_store %arg7[%swap3A_336], %swap3A_339 {strides = array<i32>} : memref<512xi32, #tpu.memory_space<vmem>>, vector<16xi32>,
      %mul3A_340 = arith.constant 4 : i32
      %mul3A_341 = arith.muli %scan3A_48, %mul3A_340 : i32
      %add3A_342 = arith.constant 2 : i32
      %add3A_343 = arith.addi %mul3A_341, %add3A_342 : i32
      %get3A_344 = arith.index_cast %add3A_343 : i32 to index
      %get3A_345 = arith.constant 0 : index
      %get3A_346 = tpu.vector_load %arg5[%get3A_344, %get3A_345] {strides = array<i32>} : memref<80x128xi32, #tpu.memory_space<vmem>>, vector<1x16xi32>,
      %get3A_347 = vector.shape_cast %get3A_346 : vector<1x16xi32> to vector<16xi32>
      %broadcast_in_dim3A_348 = arith.constant 14 : i32
      %broadcast_in_dim3A_349 = vector.broadcast %broadcast_in_dim3A_348 : i32 to vector<16xi32>
      %shift_right_logical3A_350 = arith.shrui %get3A_347, %broadcast_in_dim3A_349 : vector<16xi32>
      %swap3A_351 = arith.constant 256 : index
      %swap3A_352 = tpu.vector_load %arg6[%swap3A_351] {strides = array<i32>} : memref<512xi32, #tpu.memory_space<vmem>>, vector<16xi32>,
      %swap3A_353 = vector.shape_cast %swap3A_352 : vector<16xi32> to vector<16xi32>
      %swap3A_354 = vector.shape_cast %shift_right_logical3A_350 : vector<16xi32> to vector<16xi32>
      tpu.vector_store %arg6[%swap3A_351], %swap3A_354 {strides = array<i32>} : memref<512xi32, #tpu.memory_space<vmem>>, vector<16xi32>,
      %broadcast_in_dim3A_355 = arith.constant 16383 : i32
      %broadcast_in_dim3A_356 = vector.broadcast %broadcast_in_dim3A_355 : i32 to vector<16xi32>
      %and3A_357 = arith.andi %get3A_347, %broadcast_in_dim3A_356 : vector<16xi32>
      %swap3A_358 = arith.constant 256 : index
      %swap3A_359 = tpu.vector_load %arg7[%swap3A_358] {strides = array<i32>} : memref<512xi32, #tpu.memory_space<vmem>>, vector<16xi32>,
      %swap3A_360 = vector.shape_cast %swap3A_359 : vector<16xi32> to vector<16xi32>
      %swap3A_361 = vector.shape_cast %and3A_357 : vector<16xi32> to vector<16xi32>
      tpu.vector_store %arg7[%swap3A_358], %swap3A_361 {strides = array<i32>} : memref<512xi32, #tpu.memory_space<vmem>>, vector<16xi32>,
      %get3A_362 = arith.index_cast %add3A_343 : i32 to index
      %get3A_363 = arith.constant 16 : index
      %get3A_364 = tpu.vector_load %arg5[%get3A_362, %get3A_363] {strides = array<i32>} : memref<80x128xi32, #tpu.memory_space<vmem>>, vector<1x16xi32>,
      %get3A_365 = vector.shape_cast %get3A_364 : vector<1x16xi32> to vector<16xi32>
      %broadcast_in_dim3A_366 = arith.constant 14 : i32
      %broadcast_in_dim3A_367 = vector.broadcast %broadcast_in_dim3A_366 : i32 to vector<16xi32>
      %shift_right_logical3A_368 = arith.shrui %get3A_365, %broadcast_in_dim3A_367 : vector<16xi32>
      %swap3A_369 = arith.constant 272 : index
      %swap3A_370 = tpu.vector_load %arg6[%swap3A_369] {strides = array<i32>} : memref<512xi32, #tpu.memory_space<vmem>>, vector<16xi32>,
      %swap3A_371 = vector.shape_cast %swap3A_370 : vector<16xi32> to vector<16xi32>
      %swap3A_372 = vector.shape_cast %shift_right_logical3A_368 : vector<16xi32> to vector<16xi32>
      tpu.vector_store %arg6[%swap3A_369], %swap3A_372 {strides = array<i32>} : memref<512xi32, #tpu.memory_space<vmem>>, vector<16xi32>,
      %broadcast_in_dim3A_373 = arith.constant 16383 : i32
      %broadcast_in_dim3A_374 = vector.broadcast %broadcast_in_dim3A_373 : i32 to vector<16xi32>
      %and3A_375 = arith.andi %get3A_365, %broadcast_in_dim3A_374 : vector<16xi32>
      %swap3A_376 = arith.constant 272 : index
      %swap3A_377 = tpu.vector_load %arg7[%swap3A_376] {strides = array<i32>} : memref<512xi32, #tpu.memory_space<vmem>>, vector<16xi32>,
      %swap3A_378 = vector.shape_cast %swap3A_377 : vector<16xi32> to vector<16xi32>
      %swap3A_379 = vector.shape_cast %and3A_375 : vector<16xi32> to vector<16xi32>
      tpu.vector_store %arg7[%swap3A_376], %swap3A_379 {strides = array<i32>} : memref<512xi32, #tpu.memory_space<vmem>>, vector<16xi32>,
      %get3A_380 = arith.index_cast %add3A_343 : i32 to index
      %get3A_381 = arith.constant 32 : index
      %get3A_382 = tpu.vector_load %arg5[%get3A_380, %get3A_381] {strides = array<i32>} : memref<80x128xi32, #tpu.memory_space<vmem>>, vector<1x16xi32>,
      %get3A_383 = vector.shape_cast %get3A_382 : vector<1x16xi32> to vector<16xi32>
      %broadcast_in_dim3A_384 = arith.constant 14 : i32
      %broadcast_in_dim3A_385 = vector.broadcast %broadcast_in_dim3A_384 : i32 to vector<16xi32>
      %shift_right_logical3A_386 = arith.shrui %get3A_383, %broadcast_in_dim3A_385 : vector<16xi32>
      %swap3A_387 = arith.constant 288 : index
      %swap3A_388 = tpu.vector_load %arg6[%swap3A_387] {strides = array<i32>} : memref<512xi32, #tpu.memory_space<vmem>>, vector<16xi32>,
      %swap3A_389 = vector.shape_cast %swap3A_388 : vector<16xi32> to vector<16xi32>
      %swap3A_390 = vector.shape_cast %shift_right_logical3A_386 : vector<16xi32> to vector<16xi32>
      tpu.vector_store %arg6[%swap3A_387], %swap3A_390 {strides = array<i32>} : memref<512xi32, #tpu.memory_space<vmem>>, vector<16xi32>,
      %broadcast_in_dim3A_391 = arith.constant 16383 : i32
      %broadcast_in_dim3A_392 = vector.broadcast %broadcast_in_dim3A_391 : i32 to vector<16xi32>
      %and3A_393 = arith.andi %get3A_383, %broadcast_in_dim3A_392 : vector<16xi32>
      %swap3A_394 = arith.constant 288 : index
      %swap3A_395 = tpu.vector_load %arg7[%swap3A_394] {strides = array<i32>} : memref<512xi32, #tpu.memory_space<vmem>>, vector<16xi32>,
      %swap3A_396 = vector.shape_cast %swap3A_395 : vector<16xi32> to vector<16xi32>
      %swap3A_397 = vector.shape_cast %and3A_393 : vector<16xi32> to vector<16xi32>
      tpu.vector_store %arg7[%swap3A_394], %swap3A_397 {strides = array<i32>} : memref<512xi32, #tpu.memory_space<vmem>>, vector<16xi32>,
      %get3A_398 = arith.index_cast %add3A_343 : i32 to index
      %get3A_399 = arith.constant 48 : index
      %get3A_400 = tpu.vector_load %arg5[%get3A_398, %get3A_399] {strides = array<i32>} : memref<80x128xi32, #tpu.memory_space<vmem>>, vector<1x16xi32>,
      %get3A_401 = vector.shape_cast %get3A_400 : vector<1x16xi32> to vector<16xi32>
      %broadcast_in_dim3A_402 = arith.constant 14 : i32
      %broadcast_in_dim3A_403 = vector.broadcast %broadcast_in_dim3A_402 : i32 to vector<16xi32>
      %shift_right_logical3A_404 = arith.shrui %get3A_401, %broadcast_in_dim3A_403 : vector<16xi32>
      %swap3A_405 = arith.constant 304 : index
      %swap3A_406 = tpu.vector_load %arg6[%swap3A_405] {strides = array<i32>} : memref<512xi32, #tpu.memory_space<vmem>>, vector<16xi32>,
      %swap3A_407 = vector.shape_cast %swap3A_406 : vector<16xi32> to vector<16xi32>
      %swap3A_408 = vector.shape_cast %shift_right_logical3A_404 : vector<16xi32> to vector<16xi32>
      tpu.vector_store %arg6[%swap3A_405], %swap3A_408 {strides = array<i32>} : memref<512xi32, #tpu.memory_space<vmem>>, vector<16xi32>,
      %broadcast_in_dim3A_409 = arith.constant 16383 : i32
      %broadcast_in_dim3A_410 = vector.broadcast %broadcast_in_dim3A_409 : i32 to vector<16xi32>
      %and3A_411 = arith.andi %get3A_401, %broadcast_in_dim3A_410 : vector<16xi32>
      %swap3A_412 = arith.constant 304 : index
      %swap3A_413 = tpu.vector_load %arg7[%swap3A_412] {strides = array<i32>} : memref<512xi32, #tpu.memory_space<vmem>>, vector<16xi32>,
      %swap3A_414 = vector.shape_cast %swap3A_413 : vector<16xi32> to vector<16xi32>
      %swap3A_415 = vector.shape_cast %and3A_411 : vector<16xi32> to vector<16xi32>
      tpu.vector_store %arg7[%swap3A_412], %swap3A_415 {strides = array<i32>} : memref<512xi32, #tpu.memory_space<vmem>>, vector<16xi32>,
      %get3A_416 = arith.index_cast %add3A_343 : i32 to index
      %get3A_417 = arith.constant 64 : index
      %get3A_418 = tpu.vector_load %arg5[%get3A_416, %get3A_417] {strides = array<i32>} : memref<80x128xi32, #tpu.memory_space<vmem>>, vector<1x16xi32>,
      %get3A_419 = vector.shape_cast %get3A_418 : vector<1x16xi32> to vector<16xi32>
      %broadcast_in_dim3A_420 = arith.constant 14 : i32
      %broadcast_in_dim3A_421 = vector.broadcast %broadcast_in_dim3A_420 : i32 to vector<16xi32>
      %shift_right_logical3A_422 = arith.shrui %get3A_419, %broadcast_in_dim3A_421 : vector<16xi32>
      %swap3A_423 = arith.constant 320 : index
      %swap3A_424 = tpu.vector_load %arg6[%swap3A_423] {strides = array<i32>} : memref<512xi32, #tpu.memory_space<vmem>>, vector<16xi32>,
      %swap3A_425 = vector.shape_cast %swap3A_424 : vector<16xi32> to vector<16xi32>
      %swap3A_426 = vector.shape_cast %shift_right_logical3A_422 : vector<16xi32> to vector<16xi32>
      tpu.vector_store %arg6[%swap3A_423], %swap3A_426 {strides = array<i32>} : memref<512xi32, #tpu.memory_space<vmem>>, vector<16xi32>,
      %broadcast_in_dim3A_427 = arith.constant 16383 : i32
      %broadcast_in_dim3A_428 = vector.broadcast %broadcast_in_dim3A_427 : i32 to vector<16xi32>
      %and3A_429 = arith.andi %get3A_419, %broadcast_in_dim3A_428 : vector<16xi32>
      %swap3A_430 = arith.constant 320 : index
      %swap3A_431 = tpu.vector_load %arg7[%swap3A_430] {strides = array<i32>} : memref<512xi32, #tpu.memory_space<vmem>>, vector<16xi32>,
      %swap3A_432 = vector.shape_cast %swap3A_431 : vector<16xi32> to vector<16xi32>
      %swap3A_433 = vector.shape_cast %and3A_429 : vector<16xi32> to vector<16xi32>
      tpu.vector_store %arg7[%swap3A_430], %swap3A_433 {strides = array<i32>} : memref<512xi32, #tpu.memory_space<vmem>>, vector<16xi32>,
      %get3A_434 = arith.index_cast %add3A_343 : i32 to index
      %get3A_435 = arith.constant 80 : index
      %get3A_436 = tpu.vector_load %arg5[%get3A_434, %get3A_435] {strides = array<i32>} : memref<80x128xi32, #tpu.memory_space<vmem>>, vector<1x16xi32>,
      %get3A_437 = vector.shape_cast %get3A_436 : vector<1x16xi32> to vector<16xi32>
      %broadcast_in_dim3A_438 = arith.constant 14 : i32
      %broadcast_in_dim3A_439 = vector.broadcast %broadcast_in_dim3A_438 : i32 to vector<16xi32>
      %shift_right_logical3A_440 = arith.shrui %get3A_437, %broadcast_in_dim3A_439 : vector<16xi32>
      %swap3A_441 = arith.constant 336 : index
      %swap3A_442 = tpu.vector_load %arg6[%swap3A_441] {strides = array<i32>} : memref<512xi32, #tpu.memory_space<vmem>>, vector<16xi32>,
      %swap3A_443 = vector.shape_cast %swap3A_442 : vector<16xi32> to vector<16xi32>
      %swap3A_444 = vector.shape_cast %shift_right_logical3A_440 : vector<16xi32> to vector<16xi32>
      tpu.vector_store %arg6[%swap3A_441], %swap3A_444 {strides = array<i32>} : memref<512xi32, #tpu.memory_space<vmem>>, vector<16xi32>,
      %broadcast_in_dim3A_445 = arith.constant 16383 : i32
      %broadcast_in_dim3A_446 = vector.broadcast %broadcast_in_dim3A_445 : i32 to vector<16xi32>
      %and3A_447 = arith.andi %get3A_437, %broadcast_in_dim3A_446 : vector<16xi32>
      %swap3A_448 = arith.constant 336 : index
      %swap3A_449 = tpu.vector_load %arg7[%swap3A_448] {strides = array<i32>} : memref<512xi32, #tpu.memory_space<vmem>>, vector<16xi32>,
      %swap3A_450 = vector.shape_cast %swap3A_449 : vector<16xi32> to vector<16xi32>
      %swap3A_451 = vector.shape_cast %and3A_447 : vector<16xi32> to vector<16xi32>
      tpu.vector_store %arg7[%swap3A_448], %swap3A_451 {strides = array<i32>} : memref<512xi32, #tpu.memory_space<vmem>>, vector<16xi32>,
      %get3A_452 = arith.index_cast %add3A_343 : i32 to index
      %get3A_453 = arith.constant 96 : index
      %get3A_454 = tpu.vector_load %arg5[%get3A_452, %get3A_453] {strides = array<i32>} : memref<80x128xi32, #tpu.memory_space<vmem>>, vector<1x16xi32>,
      %get3A_455 = vector.shape_cast %get3A_454 : vector<1x16xi32> to vector<16xi32>
      %broadcast_in_dim3A_456 = arith.constant 14 : i32
      %broadcast_in_dim3A_457 = vector.broadcast %broadcast_in_dim3A_456 : i32 to vector<16xi32>
      %shift_right_logical3A_458 = arith.shrui %get3A_455, %broadcast_in_dim3A_457 : vector<16xi32>
      %swap3A_459 = arith.constant 352 : index
      %swap3A_460 = tpu.vector_load %arg6[%swap3A_459] {strides = array<i32>} : memref<512xi32, #tpu.memory_space<vmem>>, vector<16xi32>,
      %swap3A_461 = vector.shape_cast %swap3A_460 : vector<16xi32> to vector<16xi32>
      %swap3A_462 = vector.shape_cast %shift_right_logical3A_458 : vector<16xi32> to vector<16xi32>
      tpu.vector_store %arg6[%swap3A_459], %swap3A_462 {strides = array<i32>} : memref<512xi32, #tpu.memory_space<vmem>>, vector<16xi32>,
      %broadcast_in_dim3A_463 = arith.constant 16383 : i32
      %broadcast_in_dim3A_464 = vector.broadcast %broadcast_in_dim3A_463 : i32 to vector<16xi32>
      %and3A_465 = arith.andi %get3A_455, %broadcast_in_dim3A_464 : vector<16xi32>
      %swap3A_466 = arith.constant 352 : index
      %swap3A_467 = tpu.vector_load %arg7[%swap3A_466] {strides = array<i32>} : memref<512xi32, #tpu.memory_space<vmem>>, vector<16xi32>,
      %swap3A_468 = vector.shape_cast %swap3A_467 : vector<16xi32> to vector<16xi32>
      %swap3A_469 = vector.shape_cast %and3A_465 : vector<16xi32> to vector<16xi32>
      tpu.vector_store %arg7[%swap3A_466], %swap3A_469 {strides = array<i32>} : memref<512xi32, #tpu.memory_space<vmem>>, vector<16xi32>,
      %get3A_470 = arith.index_cast %add3A_343 : i32 to index
      %get3A_471 = arith.constant 112 : index
      %get3A_472 = tpu.vector_load %arg5[%get3A_470, %get3A_471] {strides = array<i32>} : memref<80x128xi32, #tpu.memory_space<vmem>>, vector<1x16xi32>,
      %get3A_473 = vector.shape_cast %get3A_472 : vector<1x16xi32> to vector<16xi32>
      %broadcast_in_dim3A_474 = arith.constant 14 : i32
      %broadcast_in_dim3A_475 = vector.broadcast %broadcast_in_dim3A_474 : i32 to vector<16xi32>
      %shift_right_logical3A_476 = arith.shrui %get3A_473, %broadcast_in_dim3A_475 : vector<16xi32>
      %swap3A_477 = arith.constant 368 : index
      %swap3A_478 = tpu.vector_load %arg6[%swap3A_477] {strides = array<i32>} : memref<512xi32, #tpu.memory_space<vmem>>, vector<16xi32>,
      %swap3A_479 = vector.shape_cast %swap3A_478 : vector<16xi32> to vector<16xi32>
      %swap3A_480 = vector.shape_cast %shift_right_logical3A_476 : vector<16xi32> to vector<16xi32>
      tpu.vector_store %arg6[%swap3A_477], %swap3A_480 {strides = array<i32>} : memref<512xi32, #tpu.memory_space<vmem>>, vector<16xi32>,
      %broadcast_in_dim3A_481 = arith.constant 16383 : i32
      %broadcast_in_dim3A_482 = vector.broadcast %broadcast_in_dim3A_481 : i32 to vector<16xi32>
      %and3A_483 = arith.andi %get3A_473, %broadcast_in_dim3A_482 : vector<16xi32>
      %swap3A_484 = arith.constant 368 : index
      %swap3A_485 = tpu.vector_load %arg7[%swap3A_484] {strides = array<i32>} : memref<512xi32, #tpu.memory_space<vmem>>, vector<16xi32>,
      %swap3A_486 = vector.shape_cast %swap3A_485 : vector<16xi32> to vector<16xi32>
      %swap3A_487 = vector.shape_cast %and3A_483 : vector<16xi32> to vector<16xi32>
      tpu.vector_store %arg7[%swap3A_484], %swap3A_487 {strides = array<i32>} : memref<512xi32, #tpu.memory_space<vmem>>, vector<16xi32>,
      %mul3A_488 = arith.constant 4 : i32
      %mul3A_489 = arith.muli %scan3A_48, %mul3A_488 : i32
      %add3A_490 = arith.constant 3 : i32
      %add3A_491 = arith.addi %mul3A_489, %add3A_490 : i32
      %get3A_492 = arith.index_cast %add3A_491 : i32 to index
      %get3A_493 = arith.constant 0 : index
      %get3A_494 = tpu.vector_load %arg5[%get3A_492, %get3A_493] {strides = array<i32>} : memref<80x128xi32, #tpu.memory_space<vmem>>, vector<1x16xi32>,
      %get3A_495 = vector.shape_cast %get3A_494 : vector<1x16xi32> to vector<16xi32>
      %broadcast_in_dim3A_496 = arith.constant 14 : i32
      %broadcast_in_dim3A_497 = vector.broadcast %broadcast_in_dim3A_496 : i32 to vector<16xi32>
      %shift_right_logical3A_498 = arith.shrui %get3A_495, %broadcast_in_dim3A_497 : vector<16xi32>
      %swap3A_499 = arith.constant 384 : index
      %swap3A_500 = tpu.vector_load %arg6[%swap3A_499] {strides = array<i32>} : memref<512xi32, #tpu.memory_space<vmem>>, vector<16xi32>,
      %swap3A_501 = vector.shape_cast %swap3A_500 : vector<16xi32> to vector<16xi32>
      %swap3A_502 = vector.shape_cast %shift_right_logical3A_498 : vector<16xi32> to vector<16xi32>
      tpu.vector_store %arg6[%swap3A_499], %swap3A_502 {strides = array<i32>} : memref<512xi32, #tpu.memory_space<vmem>>, vector<16xi32>,
      %broadcast_in_dim3A_503 = arith.constant 16383 : i32
      %broadcast_in_dim3A_504 = vector.broadcast %broadcast_in_dim3A_503 : i32 to vector<16xi32>
      %and3A_505 = arith.andi %get3A_495, %broadcast_in_dim3A_504 : vector<16xi32>
      %swap3A_506 = arith.constant 384 : index
      %swap3A_507 = tpu.vector_load %arg7[%swap3A_506] {strides = array<i32>} : memref<512xi32, #tpu.memory_space<vmem>>, vector<16xi32>,
      %swap3A_508 = vector.shape_cast %swap3A_507 : vector<16xi32> to vector<16xi32>
      %swap3A_509 = vector.shape_cast %and3A_505 : vector<16xi32> to vector<16xi32>
      tpu.vector_store %arg7[%swap3A_506], %swap3A_509 {strides = array<i32>} : memref<512xi32, #tpu.memory_space<vmem>>, vector<16xi32>,
      %get3A_510 = arith.index_cast %add3A_491 : i32 to index
      %get3A_511 = arith.constant 16 : index
      %get3A_512 = tpu.vector_load %arg5[%get3A_510, %get3A_511] {strides = array<i32>} : memref<80x128xi32, #tpu.memory_space<vmem>>, vector<1x16xi32>,
      %get3A_513 = vector.shape_cast %get3A_512 : vector<1x16xi32> to vector<16xi32>
      %broadcast_in_dim3A_514 = arith.constant 14 : i32
      %broadcast_in_dim3A_515 = vector.broadcast %broadcast_in_dim3A_514 : i32 to vector<16xi32>
      %shift_right_logical3A_516 = arith.shrui %get3A_513, %broadcast_in_dim3A_515 : vector<16xi32>
      %swap3A_517 = arith.constant 400 : index
      %swap3A_518 = tpu.vector_load %arg6[%swap3A_517] {strides = array<i32>} : memref<512xi32, #tpu.memory_space<vmem>>, vector<16xi32>,
      %swap3A_519 = vector.shape_cast %swap3A_518 : vector<16xi32> to vector<16xi32>
      %swap3A_520 = vector.shape_cast %shift_right_logical3A_516 : vector<16xi32> to vector<16xi32>
      tpu.vector_store %arg6[%swap3A_517], %swap3A_520 {strides = array<i32>} : memref<512xi32, #tpu.memory_space<vmem>>, vector<16xi32>,
      %broadcast_in_dim3A_521 = arith.constant 16383 : i32
      %broadcast_in_dim3A_522 = vector.broadcast %broadcast_in_dim3A_521 : i32 to vector<16xi32>
      %and3A_523 = arith.andi %get3A_513, %broadcast_in_dim3A_522 : vector<16xi32>
      %swap3A_524 = arith.constant 400 : index
      %swap3A_525 = tpu.vector_load %arg7[%swap3A_524] {strides = array<i32>} : memref<512xi32, #tpu.memory_space<vmem>>, vector<16xi32>,
      %swap3A_526 = vector.shape_cast %swap3A_525 : vector<16xi32> to vector<16xi32>
      %swap3A_527 = vector.shape_cast %and3A_523 : vector<16xi32> to vector<16xi32>
      tpu.vector_store %arg7[%swap3A_524], %swap3A_527 {strides = array<i32>} : memref<512xi32, #tpu.memory_space<vmem>>, vector<16xi32>,
      %get3A_528 = arith.index_cast %add3A_491 : i32 to index
      %get3A_529 = arith.constant 32 : index
      %get3A_530 = tpu.vector_load %arg5[%get3A_528, %get3A_529] {strides = array<i32>} : memref<80x128xi32, #tpu.memory_space<vmem>>, vector<1x16xi32>,
      %get3A_531 = vector.shape_cast %get3A_530 : vector<1x16xi32> to vector<16xi32>
      %broadcast_in_dim3A_532 = arith.constant 14 : i32
      %broadcast_in_dim3A_533 = vector.broadcast %broadcast_in_dim3A_532 : i32 to vector<16xi32>
      %shift_right_logical3A_534 = arith.shrui %get3A_531, %broadcast_in_dim3A_533 : vector<16xi32>
      %swap3A_535 = arith.constant 416 : index
      %swap3A_536 = tpu.vector_load %arg6[%swap3A_535] {strides = array<i32>} : memref<512xi32, #tpu.memory_space<vmem>>, vector<16xi32>,
      %swap3A_537 = vector.shape_cast %swap3A_536 : vector<16xi32> to vector<16xi32>
      %swap3A_538 = vector.shape_cast %shift_right_logical3A_534 : vector<16xi32> to vector<16xi32>
      tpu.vector_store %arg6[%swap3A_535], %swap3A_538 {strides = array<i32>} : memref<512xi32, #tpu.memory_space<vmem>>, vector<16xi32>,
      %broadcast_in_dim3A_539 = arith.constant 16383 : i32
      %broadcast_in_dim3A_540 = vector.broadcast %broadcast_in_dim3A_539 : i32 to vector<16xi32>
      %and3A_541 = arith.andi %get3A_531, %broadcast_in_dim3A_540 : vector<16xi32>
      %swap3A_542 = arith.constant 416 : index
      %swap3A_543 = tpu.vector_load %arg7[%swap3A_542] {strides = array<i32>} : memref<512xi32, #tpu.memory_space<vmem>>, vector<16xi32>,
      %swap3A_544 = vector.shape_cast %swap3A_543 : vector<16xi32> to vector<16xi32>
      %swap3A_545 = vector.shape_cast %and3A_541 : vector<16xi32> to vector<16xi32>
      tpu.vector_store %arg7[%swap3A_542], %swap3A_545 {strides = array<i32>} : memref<512xi32, #tpu.memory_space<vmem>>, vector<16xi32>,
      %get3A_546 = arith.index_cast %add3A_491 : i32 to index
      %get3A_547 = arith.constant 48 : index
      %get3A_548 = tpu.vector_load %arg5[%get3A_546, %get3A_547] {strides = array<i32>} : memref<80x128xi32, #tpu.memory_space<vmem>>, vector<1x16xi32>,
      %get3A_549 = vector.shape_cast %get3A_548 : vector<1x16xi32> to vector<16xi32>
      %broadcast_in_dim3A_550 = arith.constant 14 : i32
      %broadcast_in_dim3A_551 = vector.broadcast %broadcast_in_dim3A_550 : i32 to vector<16xi32>
      %shift_right_logical3A_552 = arith.shrui %get3A_549, %broadcast_in_dim3A_551 : vector<16xi32>
      %swap3A_553 = arith.constant 432 : index
      %swap3A_554 = tpu.vector_load %arg6[%swap3A_553] {strides = array<i32>} : memref<512xi32, #tpu.memory_space<vmem>>, vector<16xi32>,
      %swap3A_555 = vector.shape_cast %swap3A_554 : vector<16xi32> to vector<16xi32>
      %swap3A_556 = vector.shape_cast %shift_right_logical3A_552 : vector<16xi32> to vector<16xi32>
      tpu.vector_store %arg6[%swap3A_553], %swap3A_556 {strides = array<i32>} : memref<512xi32, #tpu.memory_space<vmem>>, vector<16xi32>,
      %broadcast_in_dim3A_557 = arith.constant 16383 : i32
      %broadcast_in_dim3A_558 = vector.broadcast %broadcast_in_dim3A_557 : i32 to vector<16xi32>
      %and3A_559 = arith.andi %get3A_549, %broadcast_in_dim3A_558 : vector<16xi32>
      %swap3A_560 = arith.constant 432 : index
      %swap3A_561 = tpu.vector_load %arg7[%swap3A_560] {strides = array<i32>} : memref<512xi32, #tpu.memory_space<vmem>>, vector<16xi32>,
      %swap3A_562 = vector.shape_cast %swap3A_561 : vector<16xi32> to vector<16xi32>
      %swap3A_563 = vector.shape_cast %and3A_559 : vector<16xi32> to vector<16xi32>
      tpu.vector_store %arg7[%swap3A_560], %swap3A_563 {strides = array<i32>} : memref<512xi32, #tpu.memory_space<vmem>>, vector<16xi32>,
      %get3A_564 = arith.index_cast %add3A_491 : i32 to index
      %get3A_565 = arith.constant 64 : index
      %get3A_566 = tpu.vector_load %arg5[%get3A_564, %get3A_565] {strides = array<i32>} : memref<80x128xi32, #tpu.memory_space<vmem>>, vector<1x16xi32>,
      %get3A_567 = vector.shape_cast %get3A_566 : vector<1x16xi32> to vector<16xi32>
      %broadcast_in_dim3A_568 = arith.constant 14 : i32
      %broadcast_in_dim3A_569 = vector.broadcast %broadcast_in_dim3A_568 : i32 to vector<16xi32>
      %shift_right_logical3A_570 = arith.shrui %get3A_567, %broadcast_in_dim3A_569 : vector<16xi32>
      %swap3A_571 = arith.constant 448 : index
      %swap3A_572 = tpu.vector_load %arg6[%swap3A_571] {strides = array<i32>} : memref<512xi32, #tpu.memory_space<vmem>>, vector<16xi32>,
      %swap3A_573 = vector.shape_cast %swap3A_572 : vector<16xi32> to vector<16xi32>
      %swap3A_574 = vector.shape_cast %shift_right_logical3A_570 : vector<16xi32> to vector<16xi32>
      tpu.vector_store %arg6[%swap3A_571], %swap3A_574 {strides = array<i32>} : memref<512xi32, #tpu.memory_space<vmem>>, vector<16xi32>,
      %broadcast_in_dim3A_575 = arith.constant 16383 : i32
      %broadcast_in_dim3A_576 = vector.broadcast %broadcast_in_dim3A_575 : i32 to vector<16xi32>
      %and3A_577 = arith.andi %get3A_567, %broadcast_in_dim3A_576 : vector<16xi32>
      %swap3A_578 = arith.constant 448 : index
      %swap3A_579 = tpu.vector_load %arg7[%swap3A_578] {strides = array<i32>} : memref<512xi32, #tpu.memory_space<vmem>>, vector<16xi32>,
      %swap3A_580 = vector.shape_cast %swap3A_579 : vector<16xi32> to vector<16xi32>
      %swap3A_581 = vector.shape_cast %and3A_577 : vector<16xi32> to vector<16xi32>
      tpu.vector_store %arg7[%swap3A_578], %swap3A_581 {strides = array<i32>} : memref<512xi32, #tpu.memory_space<vmem>>, vector<16xi32>,
      %get3A_582 = arith.index_cast %add3A_491 : i32 to index
      %get3A_583 = arith.constant 80 : index
      %get3A_584 = tpu.vector_load %arg5[%get3A_582, %get3A_583] {strides = array<i32>} : memref<80x128xi32, #tpu.memory_space<vmem>>, vector<1x16xi32>,
      %get3A_585 = vector.shape_cast %get3A_584 : vector<1x16xi32> to vector<16xi32>
      %broadcast_in_dim3A_586 = arith.constant 14 : i32
      %broadcast_in_dim3A_587 = vector.broadcast %broadcast_in_dim3A_586 : i32 to vector<16xi32>
      %shift_right_logical3A_588 = arith.shrui %get3A_585, %broadcast_in_dim3A_587 : vector<16xi32>
      %swap3A_589 = arith.constant 464 : index
      %swap3A_590 = tpu.vector_load %arg6[%swap3A_589] {strides = array<i32>} : memref<512xi32, #tpu.memory_space<vmem>>, vector<16xi32>,
      %swap3A_591 = vector.shape_cast %swap3A_590 : vector<16xi32> to vector<16xi32>
      %swap3A_592 = vector.shape_cast %shift_right_logical3A_588 : vector<16xi32> to vector<16xi32>
      tpu.vector_store %arg6[%swap3A_589], %swap3A_592 {strides = array<i32>} : memref<512xi32, #tpu.memory_space<vmem>>, vector<16xi32>,
      %broadcast_in_dim3A_593 = arith.constant 16383 : i32
      %broadcast_in_dim3A_594 = vector.broadcast %broadcast_in_dim3A_593 : i32 to vector<16xi32>
      %and3A_595 = arith.andi %get3A_585, %broadcast_in_dim3A_594 : vector<16xi32>
      %swap3A_596 = arith.constant 464 : index
      %swap3A_597 = tpu.vector_load %arg7[%swap3A_596] {strides = array<i32>} : memref<512xi32, #tpu.memory_space<vmem>>, vector<16xi32>,
      %swap3A_598 = vector.shape_cast %swap3A_597 : vector<16xi32> to vector<16xi32>
      %swap3A_599 = vector.shape_cast %and3A_595 : vector<16xi32> to vector<16xi32>
      tpu.vector_store %arg7[%swap3A_596], %swap3A_599 {strides = array<i32>} : memref<512xi32, #tpu.memory_space<vmem>>, vector<16xi32>,
      %get3A_600 = arith.index_cast %add3A_491 : i32 to index
      %get3A_601 = arith.constant 96 : index
      %get3A_602 = tpu.vector_load %arg5[%get3A_600, %get3A_601] {strides = array<i32>} : memref<80x128xi32, #tpu.memory_space<vmem>>, vector<1x16xi32>,
      %get3A_603 = vector.shape_cast %get3A_602 : vector<1x16xi32> to vector<16xi32>
      %broadcast_in_dim3A_604 = arith.constant 14 : i32
      %broadcast_in_dim3A_605 = vector.broadcast %broadcast_in_dim3A_604 : i32 to vector<16xi32>
      %shift_right_logical3A_606 = arith.shrui %get3A_603, %broadcast_in_dim3A_605 : vector<16xi32>
      %swap3A_607 = arith.constant 480 : index
      %swap3A_608 = tpu.vector_load %arg6[%swap3A_607] {strides = array<i32>} : memref<512xi32, #tpu.memory_space<vmem>>, vector<16xi32>,
      %swap3A_609 = vector.shape_cast %swap3A_608 : vector<16xi32> to vector<16xi32>
      %swap3A_610 = vector.shape_cast %shift_right_logical3A_606 : vector<16xi32> to vector<16xi32>
      tpu.vector_store %arg6[%swap3A_607], %swap3A_610 {strides = array<i32>} : memref<512xi32, #tpu.memory_space<vmem>>, vector<16xi32>,
      %broadcast_in_dim3A_611 = arith.constant 16383 : i32
      %broadcast_in_dim3A_612 = vector.broadcast %broadcast_in_dim3A_611 : i32 to vector<16xi32>
      %and3A_613 = arith.andi %get3A_603, %broadcast_in_dim3A_612 : vector<16xi32>
      %swap3A_614 = arith.constant 480 : index
      %swap3A_615 = tpu.vector_load %arg7[%swap3A_614] {strides = array<i32>} : memref<512xi32, #tpu.memory_space<vmem>>, vector<16xi32>,
      %swap3A_616 = vector.shape_cast %swap3A_615 : vector<16xi32> to vector<16xi32>
      %swap3A_617 = vector.shape_cast %and3A_613 : vector<16xi32> to vector<16xi32>
      tpu.vector_store %arg7[%swap3A_614], %swap3A_617 {strides = array<i32>} : memref<512xi32, #tpu.memory_space<vmem>>, vector<16xi32>,
      %get3A_618 = arith.index_cast %add3A_491 : i32 to index
      %get3A_619 = arith.constant 112 : index
      %get3A_620 = tpu.vector_load %arg5[%get3A_618, %get3A_619] {strides = array<i32>} : memref<80x128xi32, #tpu.memory_space<vmem>>, vector<1x16xi32>,
      %get3A_621 = vector.shape_cast %get3A_620 : vector<1x16xi32> to vector<16xi32>
      %broadcast_in_dim3A_622 = arith.constant 14 : i32
      %broadcast_in_dim3A_623 = vector.broadcast %broadcast_in_dim3A_622 : i32 to vector<16xi32>
      %shift_right_logical3A_624 = arith.shrui %get3A_621, %broadcast_in_dim3A_623 : vector<16xi32>
      %swap3A_625 = arith.constant 496 : index
      %swap3A_626 = tpu.vector_load %arg6[%swap3A_625] {strides = array<i32>} : memref<512xi32, #tpu.memory_space<vmem>>, vector<16xi32>,
      %swap3A_627 = vector.shape_cast %swap3A_626 : vector<16xi32> to vector<16xi32>
      %swap3A_628 = vector.shape_cast %shift_right_logical3A_624 : vector<16xi32> to vector<16xi32>
      tpu.vector_store %arg6[%swap3A_625], %swap3A_628 {strides = array<i32>} : memref<512xi32, #tpu.memory_space<vmem>>, vector<16xi32>,
      %broadcast_in_dim3A_629 = arith.constant 16383 : i32
      %broadcast_in_dim3A_630 = vector.broadcast %broadcast_in_dim3A_629 : i32 to vector<16xi32>
      %and3A_631 = arith.andi %get3A_621, %broadcast_in_dim3A_630 : vector<16xi32>
      %swap3A_632 = arith.constant 496 : index
      %swap3A_633 = tpu.vector_load %arg7[%swap3A_632] {strides = array<i32>} : memref<512xi32, #tpu.memory_space<vmem>>, vector<16xi32>,
      %swap3A_634 = vector.shape_cast %swap3A_633 : vector<16xi32> to vector<16xi32>
      %swap3A_635 = vector.shape_cast %and3A_631 : vector<16xi32> to vector<16xi32>
      tpu.vector_store %arg7[%swap3A_632], %swap3A_635 {strides = array<i32>} : memref<512xi32, #tpu.memory_space<vmem>>, vector<16xi32>,
      "tpu.region"() ({
        %run_scoped3A = tpu.sem_alloc : memref<!tpu.dma_semaphore, #tpu.memory_space<semaphore_mem>>
        %dma_start3A = arith.constant 0 : i32
        %dma_start3A_636 = tpu.memref_slice %arg9[%dma_start3A] : memref<10240xf32, #tpu.memory_space<vmem_shared>> -> memref<10240xf32, #tpu.memory_space<vmem_shared>>
        tpu.enqueue_indirect_dma source(%arg8 : memref<512xf32, #tpu.memory_space<vmem>>) target(%dma_start3A_636 : memref<10240xf32, #tpu.memory_space<vmem_shared>>) offsets(%arg7 : memref<512xi32, #tpu.memory_space<vmem>>) semaphore(%run_scoped3A : memref<!tpu.dma_semaphore, #tpu.memory_space<semaphore_mem>>) {add = true}
        %dma_wait3A = arith.constant 0 : i32
        %dma_wait3A_637 = tpu.memref_slice %arg9[%dma_wait3A] : memref<10240xf32, #tpu.memory_space<vmem_shared>> -> memref<10240xf32, #tpu.memory_space<vmem_shared>>
        tpu.wait_indirect_dma semaphore(%run_scoped3A : memref<!tpu.dma_semaphore, #tpu.memory_space<semaphore_mem>>) src(%arg8 : memref<512xf32, #tpu.memory_space<vmem>>) dst(%dma_wait3A_637 : memref<10240xf32, #tpu.memory_space<vmem_shared>>)
        tpu.yield
      }) : () -> ()
      "tpu.region"() ({
        %run_scoped3A = tpu.sem_alloc : memref<!tpu.dma_semaphore, #tpu.memory_space<semaphore_mem>>
        %dma_start3A = arith.constant 0 : i32
        %dma_start3A_636 = tpu.memref_slice %arg10[%dma_start3A] : memref<10240xf32, #tpu.memory_space<vmem_shared>> -> memref<10240xf32, #tpu.memory_space<vmem_shared>>
        tpu.enqueue_indirect_dma source(%arg8 : memref<512xf32, #tpu.memory_space<vmem>>) target(%dma_start3A_636 : memref<10240xf32, #tpu.memory_space<vmem_shared>>) offsets(%arg6 : memref<512xi32, #tpu.memory_space<vmem>>) semaphore(%run_scoped3A : memref<!tpu.dma_semaphore, #tpu.memory_space<semaphore_mem>>) {add = true}
        %dma_wait3A = arith.constant 0 : i32
        %dma_wait3A_637 = tpu.memref_slice %arg10[%dma_wait3A] : memref<10240xf32, #tpu.memory_space<vmem_shared>> -> memref<10240xf32, #tpu.memory_space<vmem_shared>>
        tpu.wait_indirect_dma semaphore(%run_scoped3A : memref<!tpu.dma_semaphore, #tpu.memory_space<semaphore_mem>>) src(%arg8 : memref<512xf32, #tpu.memory_space<vmem>>) dst(%dma_wait3A_637 : memref<10240xf32, #tpu.memory_space<vmem_shared>>)
        tpu.yield
      }) : () -> ()
    }
    %scan3A_38 = arith.constant 20 : i32
    %barrier3A_39 = arith.constant 0 : index
    tpu.barrier barrier_id(%barrier3A_39)
    %mul3A_40 = arith.constant 640 : i32
    %mul3A_41 = arith.muli %arg1, %mul3A_40 : i32
    %mul3A_42 = arith.constant 10240 : i32
    %mul3A_43 = arith.muli %arg0, %mul3A_42 : i32
    %add3A_44 = arith.addi %mul3A_43, %mul3A_41 : i32
    "tpu.region"() ({
      %run_scoped3A = tpu.sem_alloc : memref<!tpu.dma_semaphore, #tpu.memory_space<semaphore_mem>>
      %dma_start3A = tpu.memref_slice %arg3[%add3A_44] : memref<20480xf32, #tpu.memory_space<hbm>> -> memref<640xf32, #tpu.memory_space<hbm>>
      %dma_start3A_48 = tpu.memref_slice %arg9[%mul3A_41] : memref<10240xf32, #tpu.memory_space<vmem_shared>> -> memref<640xf32, #tpu.memory_space<vmem_shared>>
      tpu.enqueue_dma source(%dma_start3A_48 : memref<640xf32, #tpu.memory_space<vmem_shared>>) target(%dma_start3A : memref<640xf32, #tpu.memory_space<hbm>>) target_semaphore(%run_scoped3A : memref<!tpu.dma_semaphore, #tpu.memory_space<semaphore_mem>>)
      %dma_wait3A = tpu.memref_slice %arg3[%add3A_44] : memref<20480xf32, #tpu.memory_space<hbm>> -> memref<640xf32, #tpu.memory_space<hbm>>
      %dma_wait3A_49 = tpu.memref_slice %arg9[%mul3A_41] : memref<10240xf32, #tpu.memory_space<vmem_shared>> -> memref<640xf32, #tpu.memory_space<vmem_shared>>
      tpu.wait_dma2 semaphore(%run_scoped3A : memref<!tpu.dma_semaphore, #tpu.memory_space<semaphore_mem>>) src(%dma_wait3A_49 : memref<640xf32, #tpu.memory_space<vmem_shared>>) dst(%dma_wait3A : memref<640xf32, #tpu.memory_space<hbm>>)
      tpu.yield
    }) : () -> ()
    %mul3A_45 = arith.constant 10240 : i32
    %mul3A_46 = arith.muli %arg0, %mul3A_45 : i32
    %add3A_47 = arith.addi %mul3A_46, %mul3A_41 : i32
    "tpu.region"() ({
      %run_scoped3A = tpu.sem_alloc : memref<!tpu.dma_semaphore, #tpu.memory_space<semaphore_mem>>
      %dma_start3A = tpu.memref_slice %arg4[%add3A_47] : memref<20480xf32, #tpu.memory_space<hbm>> -> memref<640xf32, #tpu.memory_space<hbm>>
      %dma_start3A_48 = tpu.memref_slice %arg10[%mul3A_41] : memref<10240xf32, #tpu.memory_space<vmem_shared>> -> memref<640xf32, #tpu.memory_space<vmem_shared>>
      tpu.enqueue_dma source(%dma_start3A_48 : memref<640xf32, #tpu.memory_space<vmem_shared>>) target(%dma_start3A : memref<640xf32, #tpu.memory_space<hbm>>) target_semaphore(%run_scoped3A : memref<!tpu.dma_semaphore, #tpu.memory_space<semaphore_mem>>)
      %dma_wait3A = tpu.memref_slice %arg4[%add3A_47] : memref<20480xf32, #tpu.memory_space<hbm>> -> memref<640xf32, #tpu.memory_space<hbm>>
      %dma_wait3A_49 = tpu.memref_slice %arg10[%mul3A_41] : memref<10240xf32, #tpu.memory_space<vmem_shared>> -> memref<640xf32, #tpu.memory_space<vmem_shared>>
      tpu.wait_dma2 semaphore(%run_scoped3A : memref<!tpu.dma_semaphore, #tpu.memory_space<semaphore_mem>>) src(%dma_wait3A_49 : memref<640xf32, #tpu.memory_space<vmem_shared>>) dst(%dma_wait3A : memref<640xf32, #tpu.memory_space<hbm>>)
      tpu.yield
    }) : () -> ()
    return
  }
}

#map = affine_map<(d0, d1) -> (0, 0)>
#map1 = affine_map<(d0, d1) -> (0, 0, 0)>
module attributes {stable_mosaic.version = 14 : i64} {
  func.func @_aggregate_body(%arg0: i32, %arg1: i32, %arg2: memref<10240x128xf32, #tpu.memory_space<hbm>>, %arg3: memref<2560x128xi32, #tpu.memory_space<hbm>>, %arg4: memref<2x10240x128xf32, #tpu.memory_space<hbm>>, %arg5: memref<80x128xi32, #tpu.memory_space<vmem>>, %arg6: memref<2x128xi32, #tpu.memory_space<vmem>>, %arg7: memref<2x128xi32, #tpu.memory_space<vmem>>, %arg8: memref<2x128x128xf32, #tpu.memory_space<vmem>>, %arg9: memref<10240x128xf32, #tpu.memory_space<vmem_shared>>, %arg10: memref<2x!tpu.dma_semaphore, #tpu.memory_space<semaphore_mem>>) attributes {dimension_semantics = [#tpu.dimension_semantics<core_parallel>, #tpu.dimension_semantics<subcore_parallel>], iteration_bounds = array<i64: 2, 16>, scalar_prefetch = 0 : i64, scratch_operands = 6 : i64, tpu.core_type = #tpu.core_type<sc_vector_subcore>, window_params = [{transform_indices = #map}, {transform_indices = #map}, {transform_indices = #map1}]} {
    %mul3A = arith.constant 16 : i32
    %mul3A_0 = arith.muli %arg0, %mul3A : i32
    %add3A = arith.addi %mul3A_0, %arg1 : i32
    %mul3A_1 = arith.constant 80 : i32
    %mul3A_2 = arith.muli %add3A, %mul3A_1 : i32
    %scan3A = arith.constant 0 : i32
    %scan3A_3 = arith.constant 128 : i32
    %scan3A_4 = arith.addi %scan3A, %scan3A_3 : i32
    %scan3A_5 = arith.constant 1 : i32
    scf.for %scan3A_256 = %scan3A to %scan3A_4 step %scan3A_5  : i32 {
      %broadcast_in_dim3A_257 = arith.constant 0.000000e+00 : f32
      %broadcast_in_dim3A_258 = vector.broadcast %broadcast_in_dim3A_257 : f32 to vector<16xf32>
      %swap3A_259 = arith.constant 0 : i32
      %swap3A_260 = arith.index_cast %swap3A_259 : i32 to index
      %swap3A_261 = arith.index_cast %scan3A_256 : i32 to index
      %swap3A_262 = arith.constant 0 : index
      %swap3A_263 = tpu.vector_load %arg8[%swap3A_260, %swap3A_261, %swap3A_262] {strides = array<i32>} : memref<2x128x128xf32, #tpu.memory_space<vmem>>, vector<1x1x16xf32>,
      %swap3A_264 = vector.shape_cast %swap3A_263 : vector<1x1x16xf32> to vector<16xf32>
      %swap3A_265 = vector.shape_cast %broadcast_in_dim3A_258 : vector<16xf32> to vector<1x1x16xf32>
      tpu.vector_store %arg8[%swap3A_260, %swap3A_261, %swap3A_262], %swap3A_265 {strides = array<i32>} : memref<2x128x128xf32, #tpu.memory_space<vmem>>, vector<1x1x16xf32>,
      %broadcast_in_dim3A_266 = arith.constant 0.000000e+00 : f32
      %broadcast_in_dim3A_267 = vector.broadcast %broadcast_in_dim3A_266 : f32 to vector<16xf32>
      %swap3A_268 = arith.constant 0 : i32
      %swap3A_269 = arith.index_cast %swap3A_268 : i32 to index
      %swap3A_270 = arith.index_cast %scan3A_256 : i32 to index
      %swap3A_271 = arith.constant 16 : index
      %swap3A_272 = tpu.vector_load %arg8[%swap3A_269, %swap3A_270, %swap3A_271] {strides = array<i32>} : memref<2x128x128xf32, #tpu.memory_space<vmem>>, vector<1x1x16xf32>,
      %swap3A_273 = vector.shape_cast %swap3A_272 : vector<1x1x16xf32> to vector<16xf32>
      %swap3A_274 = vector.shape_cast %broadcast_in_dim3A_267 : vector<16xf32> to vector<1x1x16xf32>
      tpu.vector_store %arg8[%swap3A_269, %swap3A_270, %swap3A_271], %swap3A_274 {strides = array<i32>} : memref<2x128x128xf32, #tpu.memory_space<vmem>>, vector<1x1x16xf32>,
      %broadcast_in_dim3A_275 = arith.constant 0.000000e+00 : f32
      %broadcast_in_dim3A_276 = vector.broadcast %broadcast_in_dim3A_275 : f32 to vector<16xf32>
      %swap3A_277 = arith.constant 0 : i32
      %swap3A_278 = arith.index_cast %swap3A_277 : i32 to index
      %swap3A_279 = arith.index_cast %scan3A_256 : i32 to index
      %swap3A_280 = arith.constant 32 : index
      %swap3A_281 = tpu.vector_load %arg8[%swap3A_278, %swap3A_279, %swap3A_280] {strides = array<i32>} : memref<2x128x128xf32, #tpu.memory_space<vmem>>, vector<1x1x16xf32>,
      %swap3A_282 = vector.shape_cast %swap3A_281 : vector<1x1x16xf32> to vector<16xf32>
      %swap3A_283 = vector.shape_cast %broadcast_in_dim3A_276 : vector<16xf32> to vector<1x1x16xf32>
      tpu.vector_store %arg8[%swap3A_278, %swap3A_279, %swap3A_280], %swap3A_283 {strides = array<i32>} : memref<2x128x128xf32, #tpu.memory_space<vmem>>, vector<1x1x16xf32>,
      %broadcast_in_dim3A_284 = arith.constant 0.000000e+00 : f32
      %broadcast_in_dim3A_285 = vector.broadcast %broadcast_in_dim3A_284 : f32 to vector<16xf32>
      %swap3A_286 = arith.constant 0 : i32
      %swap3A_287 = arith.index_cast %swap3A_286 : i32 to index
      %swap3A_288 = arith.index_cast %scan3A_256 : i32 to index
      %swap3A_289 = arith.constant 48 : index
      %swap3A_290 = tpu.vector_load %arg8[%swap3A_287, %swap3A_288, %swap3A_289] {strides = array<i32>} : memref<2x128x128xf32, #tpu.memory_space<vmem>>, vector<1x1x16xf32>,
      %swap3A_291 = vector.shape_cast %swap3A_290 : vector<1x1x16xf32> to vector<16xf32>
      %swap3A_292 = vector.shape_cast %broadcast_in_dim3A_285 : vector<16xf32> to vector<1x1x16xf32>
      tpu.vector_store %arg8[%swap3A_287, %swap3A_288, %swap3A_289], %swap3A_292 {strides = array<i32>} : memref<2x128x128xf32, #tpu.memory_space<vmem>>, vector<1x1x16xf32>,
      %broadcast_in_dim3A_293 = arith.constant 0.000000e+00 : f32
      %broadcast_in_dim3A_294 = vector.broadcast %broadcast_in_dim3A_293 : f32 to vector<16xf32>
      %swap3A_295 = arith.constant 0 : i32
      %swap3A_296 = arith.index_cast %swap3A_295 : i32 to index
      %swap3A_297 = arith.index_cast %scan3A_256 : i32 to index
      %swap3A_298 = arith.constant 64 : index
      %swap3A_299 = tpu.vector_load %arg8[%swap3A_296, %swap3A_297, %swap3A_298] {strides = array<i32>} : memref<2x128x128xf32, #tpu.memory_space<vmem>>, vector<1x1x16xf32>,
      %swap3A_300 = vector.shape_cast %swap3A_299 : vector<1x1x16xf32> to vector<16xf32>
      %swap3A_301 = vector.shape_cast %broadcast_in_dim3A_294 : vector<16xf32> to vector<1x1x16xf32>
      tpu.vector_store %arg8[%swap3A_296, %swap3A_297, %swap3A_298], %swap3A_301 {strides = array<i32>} : memref<2x128x128xf32, #tpu.memory_space<vmem>>, vector<1x1x16xf32>,
      %broadcast_in_dim3A_302 = arith.constant 0.000000e+00 : f32
      %broadcast_in_dim3A_303 = vector.broadcast %broadcast_in_dim3A_302 : f32 to vector<16xf32>
      %swap3A_304 = arith.constant 0 : i32
      %swap3A_305 = arith.index_cast %swap3A_304 : i32 to index
      %swap3A_306 = arith.index_cast %scan3A_256 : i32 to index
      %swap3A_307 = arith.constant 80 : index
      %swap3A_308 = tpu.vector_load %arg8[%swap3A_305, %swap3A_306, %swap3A_307] {strides = array<i32>} : memref<2x128x128xf32, #tpu.memory_space<vmem>>, vector<1x1x16xf32>,
      %swap3A_309 = vector.shape_cast %swap3A_308 : vector<1x1x16xf32> to vector<16xf32>
      %swap3A_310 = vector.shape_cast %broadcast_in_dim3A_303 : vector<16xf32> to vector<1x1x16xf32>
      tpu.vector_store %arg8[%swap3A_305, %swap3A_306, %swap3A_307], %swap3A_310 {strides = array<i32>} : memref<2x128x128xf32, #tpu.memory_space<vmem>>, vector<1x1x16xf32>,
      %broadcast_in_dim3A_311 = arith.constant 0.000000e+00 : f32
      %broadcast_in_dim3A_312 = vector.broadcast %broadcast_in_dim3A_311 : f32 to vector<16xf32>
      %swap3A_313 = arith.constant 0 : i32
      %swap3A_314 = arith.index_cast %swap3A_313 : i32 to index
      %swap3A_315 = arith.index_cast %scan3A_256 : i32 to index
      %swap3A_316 = arith.constant 96 : index
      %swap3A_317 = tpu.vector_load %arg8[%swap3A_314, %swap3A_315, %swap3A_316] {strides = array<i32>} : memref<2x128x128xf32, #tpu.memory_space<vmem>>, vector<1x1x16xf32>,
      %swap3A_318 = vector.shape_cast %swap3A_317 : vector<1x1x16xf32> to vector<16xf32>
      %swap3A_319 = vector.shape_cast %broadcast_in_dim3A_312 : vector<16xf32> to vector<1x1x16xf32>
      tpu.vector_store %arg8[%swap3A_314, %swap3A_315, %swap3A_316], %swap3A_319 {strides = array<i32>} : memref<2x128x128xf32, #tpu.memory_space<vmem>>, vector<1x1x16xf32>,
      %broadcast_in_dim3A_320 = arith.constant 0.000000e+00 : f32
      %broadcast_in_dim3A_321 = vector.broadcast %broadcast_in_dim3A_320 : f32 to vector<16xf32>
      %swap3A_322 = arith.constant 0 : i32
      %swap3A_323 = arith.index_cast %swap3A_322 : i32 to index
      %swap3A_324 = arith.index_cast %scan3A_256 : i32 to index
      %swap3A_325 = arith.constant 112 : index
      %swap3A_326 = tpu.vector_load %arg8[%swap3A_323, %swap3A_324, %swap3A_325] {strides = array<i32>} : memref<2x128x128xf32, #tpu.memory_space<vmem>>, vector<1x1x16xf32>,
      %swap3A_327 = vector.shape_cast %swap3A_326 : vector<1x1x16xf32> to vector<16xf32>
      %swap3A_328 = vector.shape_cast %broadcast_in_dim3A_321 : vector<16xf32> to vector<1x1x16xf32>
      tpu.vector_store %arg8[%swap3A_323, %swap3A_324, %swap3A_325], %swap3A_328 {strides = array<i32>} : memref<2x128x128xf32, #tpu.memory_space<vmem>>, vector<1x1x16xf32>,
    }
    %scan3A_6 = arith.constant 128 : i32
    %mul3A_7 = arith.constant 640 : i32
    %mul3A_8 = arith.muli %arg1, %mul3A_7 : i32
    %add3A_9 = arith.constant 0 : i32
    %add3A_10 = arith.addi %mul3A_8, %add3A_9 : i32
    %run_scoped3A = arith.constant 0 : i32
    "tpu.region"() ({
      %run_scoped3A_256 = tpu.sem_alloc : memref<!tpu.dma_semaphore, #tpu.memory_space<semaphore_mem>>
      %dma_start3A_257 = arith.constant 0 : i32
      %dma_start3A_258 = arith.constant 0 : i32
      %dma_start3A_259 = tpu.memref_slice %arg8[%run_scoped3A, %dma_start3A_257, %dma_start3A_258] : memref<2x128x128xf32, #tpu.memory_space<vmem>> -> memref<1x128x128xf32, #tpu.memory_space<vmem>>
      %dma_start3A_260 = tpu.memref_squeeze %dma_start3A_259 : memref<1x128x128xf32, #tpu.memory_space<vmem>> -> memref<128x128xf32, #tpu.memory_space<vmem>>
      %dma_start3A_261 = arith.constant 0 : i32
      %dma_start3A_262 = tpu.memref_slice %arg9[%add3A_10, %dma_start3A_261] : memref<10240x128xf32, #tpu.memory_space<vmem_shared>> -> memref<128x128xf32, #tpu.memory_space<vmem_shared>>
      %dma_start3A_263 = arith.constant 0 : i32
      %dma_start3A_264 = tpu.memref_slice %arg9[%add3A_10, %dma_start3A_263] : memref<10240x128xf32, #tpu.memory_space<vmem_shared>> -> memref<128x128xf32, #tpu.memory_space<vmem_shared>>
      %dma_start3A_265 = arith.constant 0 : i32
      %dma_start3A_266 = arith.constant 0 : i32
      %dma_start3A_267 = tpu.memref_slice %arg8[%run_scoped3A, %dma_start3A_265, %dma_start3A_266] : memref<2x128x128xf32, #tpu.memory_space<vmem>> -> memref<1x128x128xf32, #tpu.memory_space<vmem>>
      %dma_start3A_268 = tpu.memref_squeeze %dma_start3A_267 : memref<1x128x128xf32, #tpu.memory_space<vmem>> -> memref<128x128xf32, #tpu.memory_space<vmem>>
      tpu.enqueue_dma source(%dma_start3A_268 : memref<128x128xf32, #tpu.memory_space<vmem>>) target(%dma_start3A_264 : memref<128x128xf32, #tpu.memory_space<vmem_shared>>) target_semaphore(%run_scoped3A_256 : memref<!tpu.dma_semaphore, #tpu.memory_space<semaphore_mem>>)
      %dma_wait3A = arith.constant 0 : i32
      %dma_wait3A_269 = arith.constant 0 : i32
      %dma_wait3A_270 = tpu.memref_slice %arg8[%run_scoped3A, %dma_wait3A, %dma_wait3A_269] : memref<2x128x128xf32, #tpu.memory_space<vmem>> -> memref<1x128x128xf32, #tpu.memory_space<vmem>>
      %dma_wait3A_271 = tpu.memref_squeeze %dma_wait3A_270 : memref<1x128x128xf32, #tpu.memory_space<vmem>> -> memref<128x128xf32, #tpu.memory_space<vmem>>
      %dma_wait3A_272 = arith.constant 0 : i32
      %dma_wait3A_273 = tpu.memref_slice %arg9[%add3A_10, %dma_wait3A_272] : memref<10240x128xf32, #tpu.memory_space<vmem_shared>> -> memref<128x128xf32, #tpu.memory_space<vmem_shared>>
      %dma_wait3A_274 = arith.constant 0 : i32
      %dma_wait3A_275 = tpu.memref_slice %arg9[%add3A_10, %dma_wait3A_274] : memref<10240x128xf32, #tpu.memory_space<vmem_shared>> -> memref<128x128xf32, #tpu.memory_space<vmem_shared>>
      %dma_wait3A_276 = arith.constant 0 : i32
      %dma_wait3A_277 = arith.constant 0 : i32
      %dma_wait3A_278 = tpu.memref_slice %arg8[%run_scoped3A, %dma_wait3A_276, %dma_wait3A_277] : memref<2x128x128xf32, #tpu.memory_space<vmem>> -> memref<1x128x128xf32, #tpu.memory_space<vmem>>
      %dma_wait3A_279 = tpu.memref_squeeze %dma_wait3A_278 : memref<1x128x128xf32, #tpu.memory_space<vmem>> -> memref<128x128xf32, #tpu.memory_space<vmem>>
      tpu.wait_dma2 semaphore(%run_scoped3A_256 : memref<!tpu.dma_semaphore, #tpu.memory_space<semaphore_mem>>) src(%dma_wait3A_279 : memref<128x128xf32, #tpu.memory_space<vmem>>) dst(%dma_wait3A_275 : memref<128x128xf32, #tpu.memory_space<vmem_shared>>)
      tpu.yield
    }) : () -> ()
    %add3A_11 = arith.constant 128 : i32
    %add3A_12 = arith.addi %mul3A_8, %add3A_11 : i32
    %run_scoped3A_13 = arith.constant 0 : i32
    "tpu.region"() ({
      %run_scoped3A_256 = tpu.sem_alloc : memref<!tpu.dma_semaphore, #tpu.memory_space<semaphore_mem>>
      %dma_start3A_257 = arith.constant 0 : i32
      %dma_start3A_258 = arith.constant 0 : i32
      %dma_start3A_259 = tpu.memref_slice %arg8[%run_scoped3A_13, %dma_start3A_257, %dma_start3A_258] : memref<2x128x128xf32, #tpu.memory_space<vmem>> -> memref<1x128x128xf32, #tpu.memory_space<vmem>>
      %dma_start3A_260 = tpu.memref_squeeze %dma_start3A_259 : memref<1x128x128xf32, #tpu.memory_space<vmem>> -> memref<128x128xf32, #tpu.memory_space<vmem>>
      %dma_start3A_261 = arith.constant 0 : i32
      %dma_start3A_262 = tpu.memref_slice %arg9[%add3A_12, %dma_start3A_261] : memref<10240x128xf32, #tpu.memory_space<vmem_shared>> -> memref<128x128xf32, #tpu.memory_space<vmem_shared>>
      %dma_start3A_263 = arith.constant 0 : i32
      %dma_start3A_264 = tpu.memref_slice %arg9[%add3A_12, %dma_start3A_263] : memref<10240x128xf32, #tpu.memory_space<vmem_shared>> -> memref<128x128xf32, #tpu.memory_space<vmem_shared>>
      %dma_start3A_265 = arith.constant 0 : i32
      %dma_start3A_266 = arith.constant 0 : i32
      %dma_start3A_267 = tpu.memref_slice %arg8[%run_scoped3A_13, %dma_start3A_265, %dma_start3A_266] : memref<2x128x128xf32, #tpu.memory_space<vmem>> -> memref<1x128x128xf32, #tpu.memory_space<vmem>>
      %dma_start3A_268 = tpu.memref_squeeze %dma_start3A_267 : memref<1x128x128xf32, #tpu.memory_space<vmem>> -> memref<128x128xf32, #tpu.memory_space<vmem>>
      tpu.enqueue_dma source(%dma_start3A_268 : memref<128x128xf32, #tpu.memory_space<vmem>>) target(%dma_start3A_264 : memref<128x128xf32, #tpu.memory_space<vmem_shared>>) target_semaphore(%run_scoped3A_256 : memref<!tpu.dma_semaphore, #tpu.memory_space<semaphore_mem>>)
      %dma_wait3A = arith.constant 0 : i32
      %dma_wait3A_269 = arith.constant 0 : i32
      %dma_wait3A_270 = tpu.memref_slice %arg8[%run_scoped3A_13, %dma_wait3A, %dma_wait3A_269] : memref<2x128x128xf32, #tpu.memory_space<vmem>> -> memref<1x128x128xf32, #tpu.memory_space<vmem>>
      %dma_wait3A_271 = tpu.memref_squeeze %dma_wait3A_270 : memref<1x128x128xf32, #tpu.memory_space<vmem>> -> memref<128x128xf32, #tpu.memory_space<vmem>>
      %dma_wait3A_272 = arith.constant 0 : i32
      %dma_wait3A_273 = tpu.memref_slice %arg9[%add3A_12, %dma_wait3A_272] : memref<10240x128xf32, #tpu.memory_space<vmem_shared>> -> memref<128x128xf32, #tpu.memory_space<vmem_shared>>
      %dma_wait3A_274 = arith.constant 0 : i32
      %dma_wait3A_275 = tpu.memref_slice %arg9[%add3A_12, %dma_wait3A_274] : memref<10240x128xf32, #tpu.memory_space<vmem_shared>> -> memref<128x128xf32, #tpu.memory_space<vmem_shared>>
      %dma_wait3A_276 = arith.constant 0 : i32
      %dma_wait3A_277 = arith.constant 0 : i32
      %dma_wait3A_278 = tpu.memref_slice %arg8[%run_scoped3A_13, %dma_wait3A_276, %dma_wait3A_277] : memref<2x128x128xf32, #tpu.memory_space<vmem>> -> memref<1x128x128xf32, #tpu.memory_space<vmem>>
      %dma_wait3A_279 = tpu.memref_squeeze %dma_wait3A_278 : memref<1x128x128xf32, #tpu.memory_space<vmem>> -> memref<128x128xf32, #tpu.memory_space<vmem>>
      tpu.wait_dma2 semaphore(%run_scoped3A_256 : memref<!tpu.dma_semaphore, #tpu.memory_space<semaphore_mem>>) src(%dma_wait3A_279 : memref<128x128xf32, #tpu.memory_space<vmem>>) dst(%dma_wait3A_275 : memref<128x128xf32, #tpu.memory_space<vmem_shared>>)
      tpu.yield
    }) : () -> ()
    %add3A_14 = arith.constant 256 : i32
    %add3A_15 = arith.addi %mul3A_8, %add3A_14 : i32
    %run_scoped3A_16 = arith.constant 0 : i32
    "tpu.region"() ({
      %run_scoped3A_256 = tpu.sem_alloc : memref<!tpu.dma_semaphore, #tpu.memory_space<semaphore_mem>>
      %dma_start3A_257 = arith.constant 0 : i32
      %dma_start3A_258 = arith.constant 0 : i32
      %dma_start3A_259 = tpu.memref_slice %arg8[%run_scoped3A_16, %dma_start3A_257, %dma_start3A_258] : memref<2x128x128xf32, #tpu.memory_space<vmem>> -> memref<1x128x128xf32, #tpu.memory_space<vmem>>
      %dma_start3A_260 = tpu.memref_squeeze %dma_start3A_259 : memref<1x128x128xf32, #tpu.memory_space<vmem>> -> memref<128x128xf32, #tpu.memory_space<vmem>>
      %dma_start3A_261 = arith.constant 0 : i32
      %dma_start3A_262 = tpu.memref_slice %arg9[%add3A_15, %dma_start3A_261] : memref<10240x128xf32, #tpu.memory_space<vmem_shared>> -> memref<128x128xf32, #tpu.memory_space<vmem_shared>>
      %dma_start3A_263 = arith.constant 0 : i32
      %dma_start3A_264 = tpu.memref_slice %arg9[%add3A_15, %dma_start3A_263] : memref<10240x128xf32, #tpu.memory_space<vmem_shared>> -> memref<128x128xf32, #tpu.memory_space<vmem_shared>>
      %dma_start3A_265 = arith.constant 0 : i32
      %dma_start3A_266 = arith.constant 0 : i32
      %dma_start3A_267 = tpu.memref_slice %arg8[%run_scoped3A_16, %dma_start3A_265, %dma_start3A_266] : memref<2x128x128xf32, #tpu.memory_space<vmem>> -> memref<1x128x128xf32, #tpu.memory_space<vmem>>
      %dma_start3A_268 = tpu.memref_squeeze %dma_start3A_267 : memref<1x128x128xf32, #tpu.memory_space<vmem>> -> memref<128x128xf32, #tpu.memory_space<vmem>>
      tpu.enqueue_dma source(%dma_start3A_268 : memref<128x128xf32, #tpu.memory_space<vmem>>) target(%dma_start3A_264 : memref<128x128xf32, #tpu.memory_space<vmem_shared>>) target_semaphore(%run_scoped3A_256 : memref<!tpu.dma_semaphore, #tpu.memory_space<semaphore_mem>>)
      %dma_wait3A = arith.constant 0 : i32
      %dma_wait3A_269 = arith.constant 0 : i32
      %dma_wait3A_270 = tpu.memref_slice %arg8[%run_scoped3A_16, %dma_wait3A, %dma_wait3A_269] : memref<2x128x128xf32, #tpu.memory_space<vmem>> -> memref<1x128x128xf32, #tpu.memory_space<vmem>>
      %dma_wait3A_271 = tpu.memref_squeeze %dma_wait3A_270 : memref<1x128x128xf32, #tpu.memory_space<vmem>> -> memref<128x128xf32, #tpu.memory_space<vmem>>
      %dma_wait3A_272 = arith.constant 0 : i32
      %dma_wait3A_273 = tpu.memref_slice %arg9[%add3A_15, %dma_wait3A_272] : memref<10240x128xf32, #tpu.memory_space<vmem_shared>> -> memref<128x128xf32, #tpu.memory_space<vmem_shared>>
      %dma_wait3A_274 = arith.constant 0 : i32
      %dma_wait3A_275 = tpu.memref_slice %arg9[%add3A_15, %dma_wait3A_274] : memref<10240x128xf32, #tpu.memory_space<vmem_shared>> -> memref<128x128xf32, #tpu.memory_space<vmem_shared>>
      %dma_wait3A_276 = arith.constant 0 : i32
      %dma_wait3A_277 = arith.constant 0 : i32
      %dma_wait3A_278 = tpu.memref_slice %arg8[%run_scoped3A_16, %dma_wait3A_276, %dma_wait3A_277] : memref<2x128x128xf32, #tpu.memory_space<vmem>> -> memref<1x128x128xf32, #tpu.memory_space<vmem>>
      %dma_wait3A_279 = tpu.memref_squeeze %dma_wait3A_278 : memref<1x128x128xf32, #tpu.memory_space<vmem>> -> memref<128x128xf32, #tpu.memory_space<vmem>>
      tpu.wait_dma2 semaphore(%run_scoped3A_256 : memref<!tpu.dma_semaphore, #tpu.memory_space<semaphore_mem>>) src(%dma_wait3A_279 : memref<128x128xf32, #tpu.memory_space<vmem>>) dst(%dma_wait3A_275 : memref<128x128xf32, #tpu.memory_space<vmem_shared>>)
      tpu.yield
    }) : () -> ()
    %add3A_17 = arith.constant 384 : i32
    %add3A_18 = arith.addi %mul3A_8, %add3A_17 : i32
    %run_scoped3A_19 = arith.constant 0 : i32
    "tpu.region"() ({
      %run_scoped3A_256 = tpu.sem_alloc : memref<!tpu.dma_semaphore, #tpu.memory_space<semaphore_mem>>
      %dma_start3A_257 = arith.constant 0 : i32
      %dma_start3A_258 = arith.constant 0 : i32
      %dma_start3A_259 = tpu.memref_slice %arg8[%run_scoped3A_19, %dma_start3A_257, %dma_start3A_258] : memref<2x128x128xf32, #tpu.memory_space<vmem>> -> memref<1x128x128xf32, #tpu.memory_space<vmem>>
      %dma_start3A_260 = tpu.memref_squeeze %dma_start3A_259 : memref<1x128x128xf32, #tpu.memory_space<vmem>> -> memref<128x128xf32, #tpu.memory_space<vmem>>
      %dma_start3A_261 = arith.constant 0 : i32
      %dma_start3A_262 = tpu.memref_slice %arg9[%add3A_18, %dma_start3A_261] : memref<10240x128xf32, #tpu.memory_space<vmem_shared>> -> memref<128x128xf32, #tpu.memory_space<vmem_shared>>
      %dma_start3A_263 = arith.constant 0 : i32
      %dma_start3A_264 = tpu.memref_slice %arg9[%add3A_18, %dma_start3A_263] : memref<10240x128xf32, #tpu.memory_space<vmem_shared>> -> memref<128x128xf32, #tpu.memory_space<vmem_shared>>
      %dma_start3A_265 = arith.constant 0 : i32
      %dma_start3A_266 = arith.constant 0 : i32
      %dma_start3A_267 = tpu.memref_slice %arg8[%run_scoped3A_19, %dma_start3A_265, %dma_start3A_266] : memref<2x128x128xf32, #tpu.memory_space<vmem>> -> memref<1x128x128xf32, #tpu.memory_space<vmem>>
      %dma_start3A_268 = tpu.memref_squeeze %dma_start3A_267 : memref<1x128x128xf32, #tpu.memory_space<vmem>> -> memref<128x128xf32, #tpu.memory_space<vmem>>
      tpu.enqueue_dma source(%dma_start3A_268 : memref<128x128xf32, #tpu.memory_space<vmem>>) target(%dma_start3A_264 : memref<128x128xf32, #tpu.memory_space<vmem_shared>>) target_semaphore(%run_scoped3A_256 : memref<!tpu.dma_semaphore, #tpu.memory_space<semaphore_mem>>)
      %dma_wait3A = arith.constant 0 : i32
      %dma_wait3A_269 = arith.constant 0 : i32
      %dma_wait3A_270 = tpu.memref_slice %arg8[%run_scoped3A_19, %dma_wait3A, %dma_wait3A_269] : memref<2x128x128xf32, #tpu.memory_space<vmem>> -> memref<1x128x128xf32, #tpu.memory_space<vmem>>
      %dma_wait3A_271 = tpu.memref_squeeze %dma_wait3A_270 : memref<1x128x128xf32, #tpu.memory_space<vmem>> -> memref<128x128xf32, #tpu.memory_space<vmem>>
      %dma_wait3A_272 = arith.constant 0 : i32
      %dma_wait3A_273 = tpu.memref_slice %arg9[%add3A_18, %dma_wait3A_272] : memref<10240x128xf32, #tpu.memory_space<vmem_shared>> -> memref<128x128xf32, #tpu.memory_space<vmem_shared>>
      %dma_wait3A_274 = arith.constant 0 : i32
      %dma_wait3A_275 = tpu.memref_slice %arg9[%add3A_18, %dma_wait3A_274] : memref<10240x128xf32, #tpu.memory_space<vmem_shared>> -> memref<128x128xf32, #tpu.memory_space<vmem_shared>>
      %dma_wait3A_276 = arith.constant 0 : i32
      %dma_wait3A_277 = arith.constant 0 : i32
      %dma_wait3A_278 = tpu.memref_slice %arg8[%run_scoped3A_19, %dma_wait3A_276, %dma_wait3A_277] : memref<2x128x128xf32, #tpu.memory_space<vmem>> -> memref<1x128x128xf32, #tpu.memory_space<vmem>>
      %dma_wait3A_279 = tpu.memref_squeeze %dma_wait3A_278 : memref<1x128x128xf32, #tpu.memory_space<vmem>> -> memref<128x128xf32, #tpu.memory_space<vmem>>
      tpu.wait_dma2 semaphore(%run_scoped3A_256 : memref<!tpu.dma_semaphore, #tpu.memory_space<semaphore_mem>>) src(%dma_wait3A_279 : memref<128x128xf32, #tpu.memory_space<vmem>>) dst(%dma_wait3A_275 : memref<128x128xf32, #tpu.memory_space<vmem_shared>>)
      tpu.yield
    }) : () -> ()
    %add3A_20 = arith.constant 512 : i32
    %add3A_21 = arith.addi %mul3A_8, %add3A_20 : i32
    %run_scoped3A_22 = arith.constant 0 : i32
    "tpu.region"() ({
      %run_scoped3A_256 = tpu.sem_alloc : memref<!tpu.dma_semaphore, #tpu.memory_space<semaphore_mem>>
      %dma_start3A_257 = arith.constant 0 : i32
      %dma_start3A_258 = arith.constant 0 : i32
      %dma_start3A_259 = tpu.memref_slice %arg8[%run_scoped3A_22, %dma_start3A_257, %dma_start3A_258] : memref<2x128x128xf32, #tpu.memory_space<vmem>> -> memref<1x128x128xf32, #tpu.memory_space<vmem>>
      %dma_start3A_260 = tpu.memref_squeeze %dma_start3A_259 : memref<1x128x128xf32, #tpu.memory_space<vmem>> -> memref<128x128xf32, #tpu.memory_space<vmem>>
      %dma_start3A_261 = arith.constant 0 : i32
      %dma_start3A_262 = tpu.memref_slice %arg9[%add3A_21, %dma_start3A_261] : memref<10240x128xf32, #tpu.memory_space<vmem_shared>> -> memref<128x128xf32, #tpu.memory_space<vmem_shared>>
      %dma_start3A_263 = arith.constant 0 : i32
      %dma_start3A_264 = tpu.memref_slice %arg9[%add3A_21, %dma_start3A_263] : memref<10240x128xf32, #tpu.memory_space<vmem_shared>> -> memref<128x128xf32, #tpu.memory_space<vmem_shared>>
      %dma_start3A_265 = arith.constant 0 : i32
      %dma_start3A_266 = arith.constant 0 : i32
      %dma_start3A_267 = tpu.memref_slice %arg8[%run_scoped3A_22, %dma_start3A_265, %dma_start3A_266] : memref<2x128x128xf32, #tpu.memory_space<vmem>> -> memref<1x128x128xf32, #tpu.memory_space<vmem>>
      %dma_start3A_268 = tpu.memref_squeeze %dma_start3A_267 : memref<1x128x128xf32, #tpu.memory_space<vmem>> -> memref<128x128xf32, #tpu.memory_space<vmem>>
      tpu.enqueue_dma source(%dma_start3A_268 : memref<128x128xf32, #tpu.memory_space<vmem>>) target(%dma_start3A_264 : memref<128x128xf32, #tpu.memory_space<vmem_shared>>) target_semaphore(%run_scoped3A_256 : memref<!tpu.dma_semaphore, #tpu.memory_space<semaphore_mem>>)
      %dma_wait3A = arith.constant 0 : i32
      %dma_wait3A_269 = arith.constant 0 : i32
      %dma_wait3A_270 = tpu.memref_slice %arg8[%run_scoped3A_22, %dma_wait3A, %dma_wait3A_269] : memref<2x128x128xf32, #tpu.memory_space<vmem>> -> memref<1x128x128xf32, #tpu.memory_space<vmem>>
      %dma_wait3A_271 = tpu.memref_squeeze %dma_wait3A_270 : memref<1x128x128xf32, #tpu.memory_space<vmem>> -> memref<128x128xf32, #tpu.memory_space<vmem>>
      %dma_wait3A_272 = arith.constant 0 : i32
      %dma_wait3A_273 = tpu.memref_slice %arg9[%add3A_21, %dma_wait3A_272] : memref<10240x128xf32, #tpu.memory_space<vmem_shared>> -> memref<128x128xf32, #tpu.memory_space<vmem_shared>>
      %dma_wait3A_274 = arith.constant 0 : i32
      %dma_wait3A_275 = tpu.memref_slice %arg9[%add3A_21, %dma_wait3A_274] : memref<10240x128xf32, #tpu.memory_space<vmem_shared>> -> memref<128x128xf32, #tpu.memory_space<vmem_shared>>
      %dma_wait3A_276 = arith.constant 0 : i32
      %dma_wait3A_277 = arith.constant 0 : i32
      %dma_wait3A_278 = tpu.memref_slice %arg8[%run_scoped3A_22, %dma_wait3A_276, %dma_wait3A_277] : memref<2x128x128xf32, #tpu.memory_space<vmem>> -> memref<1x128x128xf32, #tpu.memory_space<vmem>>
      %dma_wait3A_279 = tpu.memref_squeeze %dma_wait3A_278 : memref<1x128x128xf32, #tpu.memory_space<vmem>> -> memref<128x128xf32, #tpu.memory_space<vmem>>
      tpu.wait_dma2 semaphore(%run_scoped3A_256 : memref<!tpu.dma_semaphore, #tpu.memory_space<semaphore_mem>>) src(%dma_wait3A_279 : memref<128x128xf32, #tpu.memory_space<vmem>>) dst(%dma_wait3A_275 : memref<128x128xf32, #tpu.memory_space<vmem_shared>>)
      tpu.yield
    }) : () -> ()
    "tpu.region"() ({
      %run_scoped3A_256 = tpu.sem_alloc : memref<!tpu.dma_semaphore, #tpu.memory_space<semaphore_mem>>
      %dma_start3A_257 = arith.constant 0 : i32
      %dma_start3A_258 = tpu.memref_slice %arg3[%mul3A_2, %dma_start3A_257] : memref<2560x128xi32, #tpu.memory_space<hbm>> -> memref<80x128xi32, #tpu.memory_space<hbm>>
      %dma_start3A_259 = arith.constant 0 : i32
      %dma_start3A_260 = tpu.memref_slice %arg3[%mul3A_2, %dma_start3A_259] : memref<2560x128xi32, #tpu.memory_space<hbm>> -> memref<80x128xi32, #tpu.memory_space<hbm>>
      tpu.enqueue_dma source(%dma_start3A_260 : memref<80x128xi32, #tpu.memory_space<hbm>>) target(%arg5 : memref<80x128xi32, #tpu.memory_space<vmem>>) target_semaphore(%run_scoped3A_256 : memref<!tpu.dma_semaphore, #tpu.memory_space<semaphore_mem>>)
      %dma_wait3A = arith.constant 0 : i32
      %dma_wait3A_261 = tpu.memref_slice %arg3[%mul3A_2, %dma_wait3A] : memref<2560x128xi32, #tpu.memory_space<hbm>> -> memref<80x128xi32, #tpu.memory_space<hbm>>
      %dma_wait3A_262 = arith.constant 0 : i32
      %dma_wait3A_263 = tpu.memref_slice %arg3[%mul3A_2, %dma_wait3A_262] : memref<2560x128xi32, #tpu.memory_space<hbm>> -> memref<80x128xi32, #tpu.memory_space<hbm>>
      tpu.wait_dma2 semaphore(%run_scoped3A_256 : memref<!tpu.dma_semaphore, #tpu.memory_space<semaphore_mem>>) src(%dma_wait3A_263 : memref<80x128xi32, #tpu.memory_space<hbm>>) dst(%arg5 : memref<80x128xi32, #tpu.memory_space<vmem>>)
      tpu.yield
    }) : () -> ()
    %barrier3A = arith.constant 0 : index
    tpu.barrier barrier_id(%barrier3A)
    %get3A = arith.constant 0 : i32
    %get3A_23 = arith.index_cast %get3A : i32 to index
    %get3A_24 = arith.constant 0 : index
    %get3A_25 = tpu.vector_load %arg5[%get3A_23, %get3A_24] {strides = array<i32>} : memref<80x128xi32, #tpu.memory_space<vmem>>, vector<1x16xi32>,
    %get3A_26 = vector.shape_cast %get3A_25 : vector<1x16xi32> to vector<16xi32>
    %broadcast_in_dim3A = arith.constant 14 : i32
    %broadcast_in_dim3A_27 = vector.broadcast %broadcast_in_dim3A : i32 to vector<16xi32>
    %shift_right_logical3A = arith.shrui %get3A_26, %broadcast_in_dim3A_27 : vector<16xi32>
    %swap3A = arith.constant 0 : i32
    %swap3A_28 = arith.constant 0 : i32
    %swap3A_29 = tpu.memref_slice %arg6[%swap3A, %swap3A_28] : memref<2x128xi32, #tpu.memory_space<vmem>> -> memref<1x128xi32, #tpu.memory_space<vmem>>
    %swap3A_30 = tpu.memref_squeeze %swap3A_29 : memref<1x128xi32, #tpu.memory_space<vmem>> -> memref<128xi32, #tpu.memory_space<vmem>>
    %swap3A_31 = arith.constant 0 : index
    %swap3A_32 = tpu.vector_load %swap3A_30[%swap3A_31] {strides = array<i32>} : memref<128xi32, #tpu.memory_space<vmem>>, vector<16xi32>,
    %swap3A_33 = vector.shape_cast %swap3A_32 : vector<16xi32> to vector<16xi32>
    %swap3A_34 = vector.shape_cast %shift_right_logical3A : vector<16xi32> to vector<16xi32>
    tpu.vector_store %swap3A_30[%swap3A_31], %swap3A_34 {strides = array<i32>} : memref<128xi32, #tpu.memory_space<vmem>>, vector<16xi32>,
    %broadcast_in_dim3A_35 = arith.constant 16383 : i32
    %broadcast_in_dim3A_36 = vector.broadcast %broadcast_in_dim3A_35 : i32 to vector<16xi32>
    %and3A = arith.andi %get3A_26, %broadcast_in_dim3A_36 : vector<16xi32>
    %swap3A_37 = arith.constant 0 : i32
    %swap3A_38 = arith.constant 0 : i32
    %swap3A_39 = tpu.memref_slice %arg7[%swap3A_37, %swap3A_38] : memref<2x128xi32, #tpu.memory_space<vmem>> -> memref<1x128xi32, #tpu.memory_space<vmem>>
    %swap3A_40 = tpu.memref_squeeze %swap3A_39 : memref<1x128xi32, #tpu.memory_space<vmem>> -> memref<128xi32, #tpu.memory_space<vmem>>
    %swap3A_41 = arith.constant 0 : index
    %swap3A_42 = tpu.vector_load %swap3A_40[%swap3A_41] {strides = array<i32>} : memref<128xi32, #tpu.memory_space<vmem>>, vector<16xi32>,
    %swap3A_43 = vector.shape_cast %swap3A_42 : vector<16xi32> to vector<16xi32>
    %swap3A_44 = vector.shape_cast %and3A : vector<16xi32> to vector<16xi32>
    tpu.vector_store %swap3A_40[%swap3A_41], %swap3A_44 {strides = array<i32>} : memref<128xi32, #tpu.memory_space<vmem>>, vector<16xi32>,
    %get3A_45 = arith.constant 0 : i32
    %get3A_46 = arith.index_cast %get3A_45 : i32 to index
    %get3A_47 = arith.constant 16 : index
    %get3A_48 = tpu.vector_load %arg5[%get3A_46, %get3A_47] {strides = array<i32>} : memref<80x128xi32, #tpu.memory_space<vmem>>, vector<1x16xi32>,
    %get3A_49 = vector.shape_cast %get3A_48 : vector<1x16xi32> to vector<16xi32>
    %broadcast_in_dim3A_50 = arith.constant 14 : i32
    %broadcast_in_dim3A_51 = vector.broadcast %broadcast_in_dim3A_50 : i32 to vector<16xi32>
    %shift_right_logical3A_52 = arith.shrui %get3A_49, %broadcast_in_dim3A_51 : vector<16xi32>
    %swap3A_53 = arith.constant 0 : i32
    %swap3A_54 = arith.constant 0 : i32
    %swap3A_55 = tpu.memref_slice %arg6[%swap3A_53, %swap3A_54] : memref<2x128xi32, #tpu.memory_space<vmem>> -> memref<1x128xi32, #tpu.memory_space<vmem>>
    %swap3A_56 = tpu.memref_squeeze %swap3A_55 : memref<1x128xi32, #tpu.memory_space<vmem>> -> memref<128xi32, #tpu.memory_space<vmem>>
    %swap3A_57 = arith.constant 16 : index
    %swap3A_58 = tpu.vector_load %swap3A_56[%swap3A_57] {strides = array<i32>} : memref<128xi32, #tpu.memory_space<vmem>>, vector<16xi32>,
    %swap3A_59 = vector.shape_cast %swap3A_58 : vector<16xi32> to vector<16xi32>
    %swap3A_60 = vector.shape_cast %shift_right_logical3A_52 : vector<16xi32> to vector<16xi32>
    tpu.vector_store %swap3A_56[%swap3A_57], %swap3A_60 {strides = array<i32>} : memref<128xi32, #tpu.memory_space<vmem>>, vector<16xi32>,
    %broadcast_in_dim3A_61 = arith.constant 16383 : i32
    %broadcast_in_dim3A_62 = vector.broadcast %broadcast_in_dim3A_61 : i32 to vector<16xi32>
    %and3A_63 = arith.andi %get3A_49, %broadcast_in_dim3A_62 : vector<16xi32>
    %swap3A_64 = arith.constant 0 : i32
    %swap3A_65 = arith.constant 0 : i32
    %swap3A_66 = tpu.memref_slice %arg7[%swap3A_64, %swap3A_65] : memref<2x128xi32, #tpu.memory_space<vmem>> -> memref<1x128xi32, #tpu.memory_space<vmem>>
    %swap3A_67 = tpu.memref_squeeze %swap3A_66 : memref<1x128xi32, #tpu.memory_space<vmem>> -> memref<128xi32, #tpu.memory_space<vmem>>
    %swap3A_68 = arith.constant 16 : index
    %swap3A_69 = tpu.vector_load %swap3A_67[%swap3A_68] {strides = array<i32>} : memref<128xi32, #tpu.memory_space<vmem>>, vector<16xi32>,
    %swap3A_70 = vector.shape_cast %swap3A_69 : vector<16xi32> to vector<16xi32>
    %swap3A_71 = vector.shape_cast %and3A_63 : vector<16xi32> to vector<16xi32>
    tpu.vector_store %swap3A_67[%swap3A_68], %swap3A_71 {strides = array<i32>} : memref<128xi32, #tpu.memory_space<vmem>>, vector<16xi32>,
    %get3A_72 = arith.constant 0 : i32
    %get3A_73 = arith.index_cast %get3A_72 : i32 to index
    %get3A_74 = arith.constant 32 : index
    %get3A_75 = tpu.vector_load %arg5[%get3A_73, %get3A_74] {strides = array<i32>} : memref<80x128xi32, #tpu.memory_space<vmem>>, vector<1x16xi32>,
    %get3A_76 = vector.shape_cast %get3A_75 : vector<1x16xi32> to vector<16xi32>
    %broadcast_in_dim3A_77 = arith.constant 14 : i32
    %broadcast_in_dim3A_78 = vector.broadcast %broadcast_in_dim3A_77 : i32 to vector<16xi32>
    %shift_right_logical3A_79 = arith.shrui %get3A_76, %broadcast_in_dim3A_78 : vector<16xi32>
    %swap3A_80 = arith.constant 0 : i32
    %swap3A_81 = arith.constant 0 : i32
    %swap3A_82 = tpu.memref_slice %arg6[%swap3A_80, %swap3A_81] : memref<2x128xi32, #tpu.memory_space<vmem>> -> memref<1x128xi32, #tpu.memory_space<vmem>>
    %swap3A_83 = tpu.memref_squeeze %swap3A_82 : memref<1x128xi32, #tpu.memory_space<vmem>> -> memref<128xi32, #tpu.memory_space<vmem>>
    %swap3A_84 = arith.constant 32 : index
    %swap3A_85 = tpu.vector_load %swap3A_83[%swap3A_84] {strides = array<i32>} : memref<128xi32, #tpu.memory_space<vmem>>, vector<16xi32>,
    %swap3A_86 = vector.shape_cast %swap3A_85 : vector<16xi32> to vector<16xi32>
    %swap3A_87 = vector.shape_cast %shift_right_logical3A_79 : vector<16xi32> to vector<16xi32>
    tpu.vector_store %swap3A_83[%swap3A_84], %swap3A_87 {strides = array<i32>} : memref<128xi32, #tpu.memory_space<vmem>>, vector<16xi32>,
    %broadcast_in_dim3A_88 = arith.constant 16383 : i32
    %broadcast_in_dim3A_89 = vector.broadcast %broadcast_in_dim3A_88 : i32 to vector<16xi32>
    %and3A_90 = arith.andi %get3A_76, %broadcast_in_dim3A_89 : vector<16xi32>
    %swap3A_91 = arith.constant 0 : i32
    %swap3A_92 = arith.constant 0 : i32
    %swap3A_93 = tpu.memref_slice %arg7[%swap3A_91, %swap3A_92] : memref<2x128xi32, #tpu.memory_space<vmem>> -> memref<1x128xi32, #tpu.memory_space<vmem>>
    %swap3A_94 = tpu.memref_squeeze %swap3A_93 : memref<1x128xi32, #tpu.memory_space<vmem>> -> memref<128xi32, #tpu.memory_space<vmem>>
    %swap3A_95 = arith.constant 32 : index
    %swap3A_96 = tpu.vector_load %swap3A_94[%swap3A_95] {strides = array<i32>} : memref<128xi32, #tpu.memory_space<vmem>>, vector<16xi32>,
    %swap3A_97 = vector.shape_cast %swap3A_96 : vector<16xi32> to vector<16xi32>
    %swap3A_98 = vector.shape_cast %and3A_90 : vector<16xi32> to vector<16xi32>
    tpu.vector_store %swap3A_94[%swap3A_95], %swap3A_98 {strides = array<i32>} : memref<128xi32, #tpu.memory_space<vmem>>, vector<16xi32>,
    %get3A_99 = arith.constant 0 : i32
    %get3A_100 = arith.index_cast %get3A_99 : i32 to index
    %get3A_101 = arith.constant 48 : index
    %get3A_102 = tpu.vector_load %arg5[%get3A_100, %get3A_101] {strides = array<i32>} : memref<80x128xi32, #tpu.memory_space<vmem>>, vector<1x16xi32>,
    %get3A_103 = vector.shape_cast %get3A_102 : vector<1x16xi32> to vector<16xi32>
    %broadcast_in_dim3A_104 = arith.constant 14 : i32
    %broadcast_in_dim3A_105 = vector.broadcast %broadcast_in_dim3A_104 : i32 to vector<16xi32>
    %shift_right_logical3A_106 = arith.shrui %get3A_103, %broadcast_in_dim3A_105 : vector<16xi32>
    %swap3A_107 = arith.constant 0 : i32
    %swap3A_108 = arith.constant 0 : i32
    %swap3A_109 = tpu.memref_slice %arg6[%swap3A_107, %swap3A_108] : memref<2x128xi32, #tpu.memory_space<vmem>> -> memref<1x128xi32, #tpu.memory_space<vmem>>
    %swap3A_110 = tpu.memref_squeeze %swap3A_109 : memref<1x128xi32, #tpu.memory_space<vmem>> -> memref<128xi32, #tpu.memory_space<vmem>>
    %swap3A_111 = arith.constant 48 : index
    %swap3A_112 = tpu.vector_load %swap3A_110[%swap3A_111] {strides = array<i32>} : memref<128xi32, #tpu.memory_space<vmem>>, vector<16xi32>,
    %swap3A_113 = vector.shape_cast %swap3A_112 : vector<16xi32> to vector<16xi32>
    %swap3A_114 = vector.shape_cast %shift_right_logical3A_106 : vector<16xi32> to vector<16xi32>
    tpu.vector_store %swap3A_110[%swap3A_111], %swap3A_114 {strides = array<i32>} : memref<128xi32, #tpu.memory_space<vmem>>, vector<16xi32>,
    %broadcast_in_dim3A_115 = arith.constant 16383 : i32
    %broadcast_in_dim3A_116 = vector.broadcast %broadcast_in_dim3A_115 : i32 to vector<16xi32>
    %and3A_117 = arith.andi %get3A_103, %broadcast_in_dim3A_116 : vector<16xi32>
    %swap3A_118 = arith.constant 0 : i32
    %swap3A_119 = arith.constant 0 : i32
    %swap3A_120 = tpu.memref_slice %arg7[%swap3A_118, %swap3A_119] : memref<2x128xi32, #tpu.memory_space<vmem>> -> memref<1x128xi32, #tpu.memory_space<vmem>>
    %swap3A_121 = tpu.memref_squeeze %swap3A_120 : memref<1x128xi32, #tpu.memory_space<vmem>> -> memref<128xi32, #tpu.memory_space<vmem>>
    %swap3A_122 = arith.constant 48 : index
    %swap3A_123 = tpu.vector_load %swap3A_121[%swap3A_122] {strides = array<i32>} : memref<128xi32, #tpu.memory_space<vmem>>, vector<16xi32>,
    %swap3A_124 = vector.shape_cast %swap3A_123 : vector<16xi32> to vector<16xi32>
    %swap3A_125 = vector.shape_cast %and3A_117 : vector<16xi32> to vector<16xi32>
    tpu.vector_store %swap3A_121[%swap3A_122], %swap3A_125 {strides = array<i32>} : memref<128xi32, #tpu.memory_space<vmem>>, vector<16xi32>,
    %get3A_126 = arith.constant 0 : i32
    %get3A_127 = arith.index_cast %get3A_126 : i32 to index
    %get3A_128 = arith.constant 64 : index
    %get3A_129 = tpu.vector_load %arg5[%get3A_127, %get3A_128] {strides = array<i32>} : memref<80x128xi32, #tpu.memory_space<vmem>>, vector<1x16xi32>,
    %get3A_130 = vector.shape_cast %get3A_129 : vector<1x16xi32> to vector<16xi32>
    %broadcast_in_dim3A_131 = arith.constant 14 : i32
    %broadcast_in_dim3A_132 = vector.broadcast %broadcast_in_dim3A_131 : i32 to vector<16xi32>
    %shift_right_logical3A_133 = arith.shrui %get3A_130, %broadcast_in_dim3A_132 : vector<16xi32>
    %swap3A_134 = arith.constant 0 : i32
    %swap3A_135 = arith.constant 0 : i32
    %swap3A_136 = tpu.memref_slice %arg6[%swap3A_134, %swap3A_135] : memref<2x128xi32, #tpu.memory_space<vmem>> -> memref<1x128xi32, #tpu.memory_space<vmem>>
    %swap3A_137 = tpu.memref_squeeze %swap3A_136 : memref<1x128xi32, #tpu.memory_space<vmem>> -> memref<128xi32, #tpu.memory_space<vmem>>
    %swap3A_138 = arith.constant 64 : index
    %swap3A_139 = tpu.vector_load %swap3A_137[%swap3A_138] {strides = array<i32>} : memref<128xi32, #tpu.memory_space<vmem>>, vector<16xi32>,
    %swap3A_140 = vector.shape_cast %swap3A_139 : vector<16xi32> to vector<16xi32>
    %swap3A_141 = vector.shape_cast %shift_right_logical3A_133 : vector<16xi32> to vector<16xi32>
    tpu.vector_store %swap3A_137[%swap3A_138], %swap3A_141 {strides = array<i32>} : memref<128xi32, #tpu.memory_space<vmem>>, vector<16xi32>,
    %broadcast_in_dim3A_142 = arith.constant 16383 : i32
    %broadcast_in_dim3A_143 = vector.broadcast %broadcast_in_dim3A_142 : i32 to vector<16xi32>
    %and3A_144 = arith.andi %get3A_130, %broadcast_in_dim3A_143 : vector<16xi32>
    %swap3A_145 = arith.constant 0 : i32
    %swap3A_146 = arith.constant 0 : i32
    %swap3A_147 = tpu.memref_slice %arg7[%swap3A_145, %swap3A_146] : memref<2x128xi32, #tpu.memory_space<vmem>> -> memref<1x128xi32, #tpu.memory_space<vmem>>
    %swap3A_148 = tpu.memref_squeeze %swap3A_147 : memref<1x128xi32, #tpu.memory_space<vmem>> -> memref<128xi32, #tpu.memory_space<vmem>>
    %swap3A_149 = arith.constant 64 : index
    %swap3A_150 = tpu.vector_load %swap3A_148[%swap3A_149] {strides = array<i32>} : memref<128xi32, #tpu.memory_space<vmem>>, vector<16xi32>,
    %swap3A_151 = vector.shape_cast %swap3A_150 : vector<16xi32> to vector<16xi32>
    %swap3A_152 = vector.shape_cast %and3A_144 : vector<16xi32> to vector<16xi32>
    tpu.vector_store %swap3A_148[%swap3A_149], %swap3A_152 {strides = array<i32>} : memref<128xi32, #tpu.memory_space<vmem>>, vector<16xi32>,
    %get3A_153 = arith.constant 0 : i32
    %get3A_154 = arith.index_cast %get3A_153 : i32 to index
    %get3A_155 = arith.constant 80 : index
    %get3A_156 = tpu.vector_load %arg5[%get3A_154, %get3A_155] {strides = array<i32>} : memref<80x128xi32, #tpu.memory_space<vmem>>, vector<1x16xi32>,
    %get3A_157 = vector.shape_cast %get3A_156 : vector<1x16xi32> to vector<16xi32>
    %broadcast_in_dim3A_158 = arith.constant 14 : i32
    %broadcast_in_dim3A_159 = vector.broadcast %broadcast_in_dim3A_158 : i32 to vector<16xi32>
    %shift_right_logical3A_160 = arith.shrui %get3A_157, %broadcast_in_dim3A_159 : vector<16xi32>
    %swap3A_161 = arith.constant 0 : i32
    %swap3A_162 = arith.constant 0 : i32
    %swap3A_163 = tpu.memref_slice %arg6[%swap3A_161, %swap3A_162] : memref<2x128xi32, #tpu.memory_space<vmem>> -> memref<1x128xi32, #tpu.memory_space<vmem>>
    %swap3A_164 = tpu.memref_squeeze %swap3A_163 : memref<1x128xi32, #tpu.memory_space<vmem>> -> memref<128xi32, #tpu.memory_space<vmem>>
    %swap3A_165 = arith.constant 80 : index
    %swap3A_166 = tpu.vector_load %swap3A_164[%swap3A_165] {strides = array<i32>} : memref<128xi32, #tpu.memory_space<vmem>>, vector<16xi32>,
    %swap3A_167 = vector.shape_cast %swap3A_166 : vector<16xi32> to vector<16xi32>
    %swap3A_168 = vector.shape_cast %shift_right_logical3A_160 : vector<16xi32> to vector<16xi32>
    tpu.vector_store %swap3A_164[%swap3A_165], %swap3A_168 {strides = array<i32>} : memref<128xi32, #tpu.memory_space<vmem>>, vector<16xi32>,
    %broadcast_in_dim3A_169 = arith.constant 16383 : i32
    %broadcast_in_dim3A_170 = vector.broadcast %broadcast_in_dim3A_169 : i32 to vector<16xi32>
    %and3A_171 = arith.andi %get3A_157, %broadcast_in_dim3A_170 : vector<16xi32>
    %swap3A_172 = arith.constant 0 : i32
    %swap3A_173 = arith.constant 0 : i32
    %swap3A_174 = tpu.memref_slice %arg7[%swap3A_172, %swap3A_173] : memref<2x128xi32, #tpu.memory_space<vmem>> -> memref<1x128xi32, #tpu.memory_space<vmem>>
    %swap3A_175 = tpu.memref_squeeze %swap3A_174 : memref<1x128xi32, #tpu.memory_space<vmem>> -> memref<128xi32, #tpu.memory_space<vmem>>
    %swap3A_176 = arith.constant 80 : index
    %swap3A_177 = tpu.vector_load %swap3A_175[%swap3A_176] {strides = array<i32>} : memref<128xi32, #tpu.memory_space<vmem>>, vector<16xi32>,
    %swap3A_178 = vector.shape_cast %swap3A_177 : vector<16xi32> to vector<16xi32>
    %swap3A_179 = vector.shape_cast %and3A_171 : vector<16xi32> to vector<16xi32>
    tpu.vector_store %swap3A_175[%swap3A_176], %swap3A_179 {strides = array<i32>} : memref<128xi32, #tpu.memory_space<vmem>>, vector<16xi32>,
    %get3A_180 = arith.constant 0 : i32
    %get3A_181 = arith.index_cast %get3A_180 : i32 to index
    %get3A_182 = arith.constant 96 : index
    %get3A_183 = tpu.vector_load %arg5[%get3A_181, %get3A_182] {strides = array<i32>} : memref<80x128xi32, #tpu.memory_space<vmem>>, vector<1x16xi32>,
    %get3A_184 = vector.shape_cast %get3A_183 : vector<1x16xi32> to vector<16xi32>
    %broadcast_in_dim3A_185 = arith.constant 14 : i32
    %broadcast_in_dim3A_186 = vector.broadcast %broadcast_in_dim3A_185 : i32 to vector<16xi32>
    %shift_right_logical3A_187 = arith.shrui %get3A_184, %broadcast_in_dim3A_186 : vector<16xi32>
    %swap3A_188 = arith.constant 0 : i32
    %swap3A_189 = arith.constant 0 : i32
    %swap3A_190 = tpu.memref_slice %arg6[%swap3A_188, %swap3A_189] : memref<2x128xi32, #tpu.memory_space<vmem>> -> memref<1x128xi32, #tpu.memory_space<vmem>>
    %swap3A_191 = tpu.memref_squeeze %swap3A_190 : memref<1x128xi32, #tpu.memory_space<vmem>> -> memref<128xi32, #tpu.memory_space<vmem>>
    %swap3A_192 = arith.constant 96 : index
    %swap3A_193 = tpu.vector_load %swap3A_191[%swap3A_192] {strides = array<i32>} : memref<128xi32, #tpu.memory_space<vmem>>, vector<16xi32>,
    %swap3A_194 = vector.shape_cast %swap3A_193 : vector<16xi32> to vector<16xi32>
    %swap3A_195 = vector.shape_cast %shift_right_logical3A_187 : vector<16xi32> to vector<16xi32>
    tpu.vector_store %swap3A_191[%swap3A_192], %swap3A_195 {strides = array<i32>} : memref<128xi32, #tpu.memory_space<vmem>>, vector<16xi32>,
    %broadcast_in_dim3A_196 = arith.constant 16383 : i32
    %broadcast_in_dim3A_197 = vector.broadcast %broadcast_in_dim3A_196 : i32 to vector<16xi32>
    %and3A_198 = arith.andi %get3A_184, %broadcast_in_dim3A_197 : vector<16xi32>
    %swap3A_199 = arith.constant 0 : i32
    %swap3A_200 = arith.constant 0 : i32
    %swap3A_201 = tpu.memref_slice %arg7[%swap3A_199, %swap3A_200] : memref<2x128xi32, #tpu.memory_space<vmem>> -> memref<1x128xi32, #tpu.memory_space<vmem>>
    %swap3A_202 = tpu.memref_squeeze %swap3A_201 : memref<1x128xi32, #tpu.memory_space<vmem>> -> memref<128xi32, #tpu.memory_space<vmem>>
    %swap3A_203 = arith.constant 96 : index
    %swap3A_204 = tpu.vector_load %swap3A_202[%swap3A_203] {strides = array<i32>} : memref<128xi32, #tpu.memory_space<vmem>>, vector<16xi32>,
    %swap3A_205 = vector.shape_cast %swap3A_204 : vector<16xi32> to vector<16xi32>
    %swap3A_206 = vector.shape_cast %and3A_198 : vector<16xi32> to vector<16xi32>
    tpu.vector_store %swap3A_202[%swap3A_203], %swap3A_206 {strides = array<i32>} : memref<128xi32, #tpu.memory_space<vmem>>, vector<16xi32>,
    %get3A_207 = arith.constant 0 : i32
    %get3A_208 = arith.index_cast %get3A_207 : i32 to index
    %get3A_209 = arith.constant 112 : index
    %get3A_210 = tpu.vector_load %arg5[%get3A_208, %get3A_209] {strides = array<i32>} : memref<80x128xi32, #tpu.memory_space<vmem>>, vector<1x16xi32>,
    %get3A_211 = vector.shape_cast %get3A_210 : vector<1x16xi32> to vector<16xi32>
    %broadcast_in_dim3A_212 = arith.constant 14 : i32
    %broadcast_in_dim3A_213 = vector.broadcast %broadcast_in_dim3A_212 : i32 to vector<16xi32>
    %shift_right_logical3A_214 = arith.shrui %get3A_211, %broadcast_in_dim3A_213 : vector<16xi32>
    %swap3A_215 = arith.constant 0 : i32
    %swap3A_216 = arith.constant 0 : i32
    %swap3A_217 = tpu.memref_slice %arg6[%swap3A_215, %swap3A_216] : memref<2x128xi32, #tpu.memory_space<vmem>> -> memref<1x128xi32, #tpu.memory_space<vmem>>
    %swap3A_218 = tpu.memref_squeeze %swap3A_217 : memref<1x128xi32, #tpu.memory_space<vmem>> -> memref<128xi32, #tpu.memory_space<vmem>>
    %swap3A_219 = arith.constant 112 : index
    %swap3A_220 = tpu.vector_load %swap3A_218[%swap3A_219] {strides = array<i32>} : memref<128xi32, #tpu.memory_space<vmem>>, vector<16xi32>,
    %swap3A_221 = vector.shape_cast %swap3A_220 : vector<16xi32> to vector<16xi32>
    %swap3A_222 = vector.shape_cast %shift_right_logical3A_214 : vector<16xi32> to vector<16xi32>
    tpu.vector_store %swap3A_218[%swap3A_219], %swap3A_222 {strides = array<i32>} : memref<128xi32, #tpu.memory_space<vmem>>, vector<16xi32>,
    %broadcast_in_dim3A_223 = arith.constant 16383 : i32
    %broadcast_in_dim3A_224 = vector.broadcast %broadcast_in_dim3A_223 : i32 to vector<16xi32>
    %and3A_225 = arith.andi %get3A_211, %broadcast_in_dim3A_224 : vector<16xi32>
    %swap3A_226 = arith.constant 0 : i32
    %swap3A_227 = arith.constant 0 : i32
    %swap3A_228 = tpu.memref_slice %arg7[%swap3A_226, %swap3A_227] : memref<2x128xi32, #tpu.memory_space<vmem>> -> memref<1x128xi32, #tpu.memory_space<vmem>>
    %swap3A_229 = tpu.memref_squeeze %swap3A_228 : memref<1x128xi32, #tpu.memory_space<vmem>> -> memref<128xi32, #tpu.memory_space<vmem>>
    %swap3A_230 = arith.constant 112 : index
    %swap3A_231 = tpu.vector_load %swap3A_229[%swap3A_230] {strides = array<i32>} : memref<128xi32, #tpu.memory_space<vmem>>, vector<16xi32>,
    %swap3A_232 = vector.shape_cast %swap3A_231 : vector<16xi32> to vector<16xi32>
    %swap3A_233 = vector.shape_cast %and3A_225 : vector<16xi32> to vector<16xi32>
    tpu.vector_store %swap3A_229[%swap3A_230], %swap3A_233 {strides = array<i32>} : memref<128xi32, #tpu.memory_space<vmem>>, vector<16xi32>,
    %dma_start3A = arith.constant 0 : i32
    %dma_start3A_234 = arith.constant 0 : i32
    %dma_start3A_235 = arith.constant 0 : i32
    %dma_start3A_236 = arith.constant 0 : i32
    %dma_start3A_237 = arith.constant 0 : i32
    %dma_start3A_238 = tpu.memref_slice %arg8[%dma_start3A_234, %dma_start3A_236, %dma_start3A_237] : memref<2x128x128xf32, #tpu.memory_space<vmem>> -> memref<1x128x128xf32, #tpu.memory_space<vmem>>
    %dma_start3A_239 = tpu.memref_squeeze %dma_start3A_238 : memref<1x128x128xf32, #tpu.memory_space<vmem>> -> memref<128x128xf32, #tpu.memory_space<vmem>>
    %dma_start3A_240 = arith.constant 0 : i32
    %dma_start3A_241 = tpu.memref_slice %arg6[%dma_start3A, %dma_start3A_240] : memref<2x128xi32, #tpu.memory_space<vmem>> -> memref<1x128xi32, #tpu.memory_space<vmem>>
    %dma_start3A_242 = tpu.memref_squeeze %dma_start3A_241 : memref<1x128xi32, #tpu.memory_space<vmem>> -> memref<128xi32, #tpu.memory_space<vmem>>
    %dma_start3A_243 = arith.constant 0 : i32
    %dma_start3A_244 = arith.constant 0 : i32
    %dma_start3A_245 = tpu.memref_slice %arg2[%dma_start3A_243, %dma_start3A_244] : memref<10240x128xf32, #tpu.memory_space<hbm>> -> memref<10240x128xf32, #tpu.memory_space<hbm>>
    %dma_start3A_246 = tpu.memref_slice %arg10[%dma_start3A_235] : memref<2x!tpu.dma_semaphore, #tpu.memory_space<semaphore_mem>> -> memref<1x!tpu.dma_semaphore, #tpu.memory_space<semaphore_mem>>
    %dma_start3A_247 = tpu.memref_squeeze %dma_start3A_246 : memref<1x!tpu.dma_semaphore, #tpu.memory_space<semaphore_mem>> -> memref<!tpu.dma_semaphore, #tpu.memory_space<semaphore_mem>>
    tpu.enqueue_indirect_dma source(%dma_start3A_245 : memref<10240x128xf32, #tpu.memory_space<hbm>>) target(%dma_start3A_239 : memref<128x128xf32, #tpu.memory_space<vmem>>) offsets(%dma_start3A_242 : memref<128xi32, #tpu.memory_space<vmem>>) semaphore(%dma_start3A_247 : memref<!tpu.dma_semaphore, #tpu.memory_space<semaphore_mem>>)
    %scan3A_248 = arith.constant 0 : i32
    %scan3A_249 = arith.constant 40 : i32
    %scan3A_250 = arith.addi %scan3A_248, %scan3A_249 : i32
    %scan3A_251 = arith.constant 1 : i32
    scf.for %scan3A_256 = %scan3A_248 to %scan3A_250 step %scan3A_251  : i32 {
      %mul3A_257 = arith.constant 2 : i32
      %mul3A_258 = arith.muli %scan3A_256, %mul3A_257 : i32
      %add3A_259 = arith.constant 0 : i32
      %add3A_260 = arith.addi %mul3A_258, %add3A_259 : i32
      %add3A_261 = arith.constant 1 : i32
      %add3A_262 = arith.addi %add3A_260, %add3A_261 : i32
      %lt3A = arith.constant 80 : i32
      %lt3A_263 = arith.cmpi slt, %add3A_262, %lt3A : i32
      %convert_element_type3A = arith.extui %lt3A_263 : i1 to i32
      %cond3A = arith.constant 0 : i32
      %cond3A_264 = arith.cmpi ne, %convert_element_type3A, %cond3A : i32
      scf.if %cond3A_264 {
        %add3A_309 = arith.constant 1 : i32
        %add3A_310 = arith.addi %add3A_260, %add3A_309 : i32
        %get3A_311 = arith.index_cast %add3A_310 : i32 to index
        %get3A_312 = arith.constant 0 : index
        %get3A_313 = tpu.vector_load %arg5[%get3A_311, %get3A_312] {strides = array<i32>} : memref<80x128xi32, #tpu.memory_space<vmem>>, vector<1x16xi32>,
        %get3A_314 = vector.shape_cast %get3A_313 : vector<1x16xi32> to vector<16xi32>
        %broadcast_in_dim3A_315 = arith.constant 14 : i32
        %broadcast_in_dim3A_316 = vector.broadcast %broadcast_in_dim3A_315 : i32 to vector<16xi32>
        %shift_right_logical3A_317 = arith.shrui %get3A_314, %broadcast_in_dim3A_316 : vector<16xi32>
        %swap3A_318 = arith.constant 1 : i32
        %swap3A_319 = arith.constant 0 : i32
        %swap3A_320 = tpu.memref_slice %arg6[%swap3A_318, %swap3A_319] : memref<2x128xi32, #tpu.memory_space<vmem>> -> memref<1x128xi32, #tpu.memory_space<vmem>>
        %swap3A_321 = tpu.memref_squeeze %swap3A_320 : memref<1x128xi32, #tpu.memory_space<vmem>> -> memref<128xi32, #tpu.memory_space<vmem>>
        %swap3A_322 = arith.constant 0 : index
        %swap3A_323 = tpu.vector_load %swap3A_321[%swap3A_322] {strides = array<i32>} : memref<128xi32, #tpu.memory_space<vmem>>, vector<16xi32>,
        %swap3A_324 = vector.shape_cast %swap3A_323 : vector<16xi32> to vector<16xi32>
        %swap3A_325 = vector.shape_cast %shift_right_logical3A_317 : vector<16xi32> to vector<16xi32>
        tpu.vector_store %swap3A_321[%swap3A_322], %swap3A_325 {strides = array<i32>} : memref<128xi32, #tpu.memory_space<vmem>>, vector<16xi32>,
        %broadcast_in_dim3A_326 = arith.constant 16383 : i32
        %broadcast_in_dim3A_327 = vector.broadcast %broadcast_in_dim3A_326 : i32 to vector<16xi32>
        %and3A_328 = arith.andi %get3A_314, %broadcast_in_dim3A_327 : vector<16xi32>
        %swap3A_329 = arith.constant 1 : i32
        %swap3A_330 = arith.constant 0 : i32
        %swap3A_331 = tpu.memref_slice %arg7[%swap3A_329, %swap3A_330] : memref<2x128xi32, #tpu.memory_space<vmem>> -> memref<1x128xi32, #tpu.memory_space<vmem>>
        %swap3A_332 = tpu.memref_squeeze %swap3A_331 : memref<1x128xi32, #tpu.memory_space<vmem>> -> memref<128xi32, #tpu.memory_space<vmem>>
        %swap3A_333 = arith.constant 0 : index
        %swap3A_334 = tpu.vector_load %swap3A_332[%swap3A_333] {strides = array<i32>} : memref<128xi32, #tpu.memory_space<vmem>>, vector<16xi32>,
        %swap3A_335 = vector.shape_cast %swap3A_334 : vector<16xi32> to vector<16xi32>
        %swap3A_336 = vector.shape_cast %and3A_328 : vector<16xi32> to vector<16xi32>
        tpu.vector_store %swap3A_332[%swap3A_333], %swap3A_336 {strides = array<i32>} : memref<128xi32, #tpu.memory_space<vmem>>, vector<16xi32>,
        %get3A_337 = arith.index_cast %add3A_310 : i32 to index
        %get3A_338 = arith.constant 16 : index
        %get3A_339 = tpu.vector_load %arg5[%get3A_337, %get3A_338] {strides = array<i32>} : memref<80x128xi32, #tpu.memory_space<vmem>>, vector<1x16xi32>,
        %get3A_340 = vector.shape_cast %get3A_339 : vector<1x16xi32> to vector<16xi32>
        %broadcast_in_dim3A_341 = arith.constant 14 : i32
        %broadcast_in_dim3A_342 = vector.broadcast %broadcast_in_dim3A_341 : i32 to vector<16xi32>
        %shift_right_logical3A_343 = arith.shrui %get3A_340, %broadcast_in_dim3A_342 : vector<16xi32>
        %swap3A_344 = arith.constant 1 : i32
        %swap3A_345 = arith.constant 0 : i32
        %swap3A_346 = tpu.memref_slice %arg6[%swap3A_344, %swap3A_345] : memref<2x128xi32, #tpu.memory_space<vmem>> -> memref<1x128xi32, #tpu.memory_space<vmem>>
        %swap3A_347 = tpu.memref_squeeze %swap3A_346 : memref<1x128xi32, #tpu.memory_space<vmem>> -> memref<128xi32, #tpu.memory_space<vmem>>
        %swap3A_348 = arith.constant 16 : index
        %swap3A_349 = tpu.vector_load %swap3A_347[%swap3A_348] {strides = array<i32>} : memref<128xi32, #tpu.memory_space<vmem>>, vector<16xi32>,
        %swap3A_350 = vector.shape_cast %swap3A_349 : vector<16xi32> to vector<16xi32>
        %swap3A_351 = vector.shape_cast %shift_right_logical3A_343 : vector<16xi32> to vector<16xi32>
        tpu.vector_store %swap3A_347[%swap3A_348], %swap3A_351 {strides = array<i32>} : memref<128xi32, #tpu.memory_space<vmem>>, vector<16xi32>,
        %broadcast_in_dim3A_352 = arith.constant 16383 : i32
        %broadcast_in_dim3A_353 = vector.broadcast %broadcast_in_dim3A_352 : i32 to vector<16xi32>
        %and3A_354 = arith.andi %get3A_340, %broadcast_in_dim3A_353 : vector<16xi32>
        %swap3A_355 = arith.constant 1 : i32
        %swap3A_356 = arith.constant 0 : i32
        %swap3A_357 = tpu.memref_slice %arg7[%swap3A_355, %swap3A_356] : memref<2x128xi32, #tpu.memory_space<vmem>> -> memref<1x128xi32, #tpu.memory_space<vmem>>
        %swap3A_358 = tpu.memref_squeeze %swap3A_357 : memref<1x128xi32, #tpu.memory_space<vmem>> -> memref<128xi32, #tpu.memory_space<vmem>>
        %swap3A_359 = arith.constant 16 : index
        %swap3A_360 = tpu.vector_load %swap3A_358[%swap3A_359] {strides = array<i32>} : memref<128xi32, #tpu.memory_space<vmem>>, vector<16xi32>,
        %swap3A_361 = vector.shape_cast %swap3A_360 : vector<16xi32> to vector<16xi32>
        %swap3A_362 = vector.shape_cast %and3A_354 : vector<16xi32> to vector<16xi32>
        tpu.vector_store %swap3A_358[%swap3A_359], %swap3A_362 {strides = array<i32>} : memref<128xi32, #tpu.memory_space<vmem>>, vector<16xi32>,
        %get3A_363 = arith.index_cast %add3A_310 : i32 to index
        %get3A_364 = arith.constant 32 : index
        %get3A_365 = tpu.vector_load %arg5[%get3A_363, %get3A_364] {strides = array<i32>} : memref<80x128xi32, #tpu.memory_space<vmem>>, vector<1x16xi32>,
        %get3A_366 = vector.shape_cast %get3A_365 : vector<1x16xi32> to vector<16xi32>
        %broadcast_in_dim3A_367 = arith.constant 14 : i32
        %broadcast_in_dim3A_368 = vector.broadcast %broadcast_in_dim3A_367 : i32 to vector<16xi32>
        %shift_right_logical3A_369 = arith.shrui %get3A_366, %broadcast_in_dim3A_368 : vector<16xi32>
        %swap3A_370 = arith.constant 1 : i32
        %swap3A_371 = arith.constant 0 : i32
        %swap3A_372 = tpu.memref_slice %arg6[%swap3A_370, %swap3A_371] : memref<2x128xi32, #tpu.memory_space<vmem>> -> memref<1x128xi32, #tpu.memory_space<vmem>>
        %swap3A_373 = tpu.memref_squeeze %swap3A_372 : memref<1x128xi32, #tpu.memory_space<vmem>> -> memref<128xi32, #tpu.memory_space<vmem>>
        %swap3A_374 = arith.constant 32 : index
        %swap3A_375 = tpu.vector_load %swap3A_373[%swap3A_374] {strides = array<i32>} : memref<128xi32, #tpu.memory_space<vmem>>, vector<16xi32>,
        %swap3A_376 = vector.shape_cast %swap3A_375 : vector<16xi32> to vector<16xi32>
        %swap3A_377 = vector.shape_cast %shift_right_logical3A_369 : vector<16xi32> to vector<16xi32>
        tpu.vector_store %swap3A_373[%swap3A_374], %swap3A_377 {strides = array<i32>} : memref<128xi32, #tpu.memory_space<vmem>>, vector<16xi32>,
        %broadcast_in_dim3A_378 = arith.constant 16383 : i32
        %broadcast_in_dim3A_379 = vector.broadcast %broadcast_in_dim3A_378 : i32 to vector<16xi32>
        %and3A_380 = arith.andi %get3A_366, %broadcast_in_dim3A_379 : vector<16xi32>
        %swap3A_381 = arith.constant 1 : i32
        %swap3A_382 = arith.constant 0 : i32
        %swap3A_383 = tpu.memref_slice %arg7[%swap3A_381, %swap3A_382] : memref<2x128xi32, #tpu.memory_space<vmem>> -> memref<1x128xi32, #tpu.memory_space<vmem>>
        %swap3A_384 = tpu.memref_squeeze %swap3A_383 : memref<1x128xi32, #tpu.memory_space<vmem>> -> memref<128xi32, #tpu.memory_space<vmem>>
        %swap3A_385 = arith.constant 32 : index
        %swap3A_386 = tpu.vector_load %swap3A_384[%swap3A_385] {strides = array<i32>} : memref<128xi32, #tpu.memory_space<vmem>>, vector<16xi32>,
        %swap3A_387 = vector.shape_cast %swap3A_386 : vector<16xi32> to vector<16xi32>
        %swap3A_388 = vector.shape_cast %and3A_380 : vector<16xi32> to vector<16xi32>
        tpu.vector_store %swap3A_384[%swap3A_385], %swap3A_388 {strides = array<i32>} : memref<128xi32, #tpu.memory_space<vmem>>, vector<16xi32>,
        %get3A_389 = arith.index_cast %add3A_310 : i32 to index
        %get3A_390 = arith.constant 48 : index
        %get3A_391 = tpu.vector_load %arg5[%get3A_389, %get3A_390] {strides = array<i32>} : memref<80x128xi32, #tpu.memory_space<vmem>>, vector<1x16xi32>,
        %get3A_392 = vector.shape_cast %get3A_391 : vector<1x16xi32> to vector<16xi32>
        %broadcast_in_dim3A_393 = arith.constant 14 : i32
        %broadcast_in_dim3A_394 = vector.broadcast %broadcast_in_dim3A_393 : i32 to vector<16xi32>
        %shift_right_logical3A_395 = arith.shrui %get3A_392, %broadcast_in_dim3A_394 : vector<16xi32>
        %swap3A_396 = arith.constant 1 : i32
        %swap3A_397 = arith.constant 0 : i32
        %swap3A_398 = tpu.memref_slice %arg6[%swap3A_396, %swap3A_397] : memref<2x128xi32, #tpu.memory_space<vmem>> -> memref<1x128xi32, #tpu.memory_space<vmem>>
        %swap3A_399 = tpu.memref_squeeze %swap3A_398 : memref<1x128xi32, #tpu.memory_space<vmem>> -> memref<128xi32, #tpu.memory_space<vmem>>
        %swap3A_400 = arith.constant 48 : index
        %swap3A_401 = tpu.vector_load %swap3A_399[%swap3A_400] {strides = array<i32>} : memref<128xi32, #tpu.memory_space<vmem>>, vector<16xi32>,
        %swap3A_402 = vector.shape_cast %swap3A_401 : vector<16xi32> to vector<16xi32>
        %swap3A_403 = vector.shape_cast %shift_right_logical3A_395 : vector<16xi32> to vector<16xi32>
        tpu.vector_store %swap3A_399[%swap3A_400], %swap3A_403 {strides = array<i32>} : memref<128xi32, #tpu.memory_space<vmem>>, vector<16xi32>,
        %broadcast_in_dim3A_404 = arith.constant 16383 : i32
        %broadcast_in_dim3A_405 = vector.broadcast %broadcast_in_dim3A_404 : i32 to vector<16xi32>
        %and3A_406 = arith.andi %get3A_392, %broadcast_in_dim3A_405 : vector<16xi32>
        %swap3A_407 = arith.constant 1 : i32
        %swap3A_408 = arith.constant 0 : i32
        %swap3A_409 = tpu.memref_slice %arg7[%swap3A_407, %swap3A_408] : memref<2x128xi32, #tpu.memory_space<vmem>> -> memref<1x128xi32, #tpu.memory_space<vmem>>
        %swap3A_410 = tpu.memref_squeeze %swap3A_409 : memref<1x128xi32, #tpu.memory_space<vmem>> -> memref<128xi32, #tpu.memory_space<vmem>>
        %swap3A_411 = arith.constant 48 : index
        %swap3A_412 = tpu.vector_load %swap3A_410[%swap3A_411] {strides = array<i32>} : memref<128xi32, #tpu.memory_space<vmem>>, vector<16xi32>,
        %swap3A_413 = vector.shape_cast %swap3A_412 : vector<16xi32> to vector<16xi32>
        %swap3A_414 = vector.shape_cast %and3A_406 : vector<16xi32> to vector<16xi32>
        tpu.vector_store %swap3A_410[%swap3A_411], %swap3A_414 {strides = array<i32>} : memref<128xi32, #tpu.memory_space<vmem>>, vector<16xi32>,
        %get3A_415 = arith.index_cast %add3A_310 : i32 to index
        %get3A_416 = arith.constant 64 : index
        %get3A_417 = tpu.vector_load %arg5[%get3A_415, %get3A_416] {strides = array<i32>} : memref<80x128xi32, #tpu.memory_space<vmem>>, vector<1x16xi32>,
        %get3A_418 = vector.shape_cast %get3A_417 : vector<1x16xi32> to vector<16xi32>
        %broadcast_in_dim3A_419 = arith.constant 14 : i32
        %broadcast_in_dim3A_420 = vector.broadcast %broadcast_in_dim3A_419 : i32 to vector<16xi32>
        %shift_right_logical3A_421 = arith.shrui %get3A_418, %broadcast_in_dim3A_420 : vector<16xi32>
        %swap3A_422 = arith.constant 1 : i32
        %swap3A_423 = arith.constant 0 : i32
        %swap3A_424 = tpu.memref_slice %arg6[%swap3A_422, %swap3A_423] : memref<2x128xi32, #tpu.memory_space<vmem>> -> memref<1x128xi32, #tpu.memory_space<vmem>>
        %swap3A_425 = tpu.memref_squeeze %swap3A_424 : memref<1x128xi32, #tpu.memory_space<vmem>> -> memref<128xi32, #tpu.memory_space<vmem>>
        %swap3A_426 = arith.constant 64 : index
        %swap3A_427 = tpu.vector_load %swap3A_425[%swap3A_426] {strides = array<i32>} : memref<128xi32, #tpu.memory_space<vmem>>, vector<16xi32>,
        %swap3A_428 = vector.shape_cast %swap3A_427 : vector<16xi32> to vector<16xi32>
        %swap3A_429 = vector.shape_cast %shift_right_logical3A_421 : vector<16xi32> to vector<16xi32>
        tpu.vector_store %swap3A_425[%swap3A_426], %swap3A_429 {strides = array<i32>} : memref<128xi32, #tpu.memory_space<vmem>>, vector<16xi32>,
        %broadcast_in_dim3A_430 = arith.constant 16383 : i32
        %broadcast_in_dim3A_431 = vector.broadcast %broadcast_in_dim3A_430 : i32 to vector<16xi32>
        %and3A_432 = arith.andi %get3A_418, %broadcast_in_dim3A_431 : vector<16xi32>
        %swap3A_433 = arith.constant 1 : i32
        %swap3A_434 = arith.constant 0 : i32
        %swap3A_435 = tpu.memref_slice %arg7[%swap3A_433, %swap3A_434] : memref<2x128xi32, #tpu.memory_space<vmem>> -> memref<1x128xi32, #tpu.memory_space<vmem>>
        %swap3A_436 = tpu.memref_squeeze %swap3A_435 : memref<1x128xi32, #tpu.memory_space<vmem>> -> memref<128xi32, #tpu.memory_space<vmem>>
        %swap3A_437 = arith.constant 64 : index
        %swap3A_438 = tpu.vector_load %swap3A_436[%swap3A_437] {strides = array<i32>} : memref<128xi32, #tpu.memory_space<vmem>>, vector<16xi32>,
        %swap3A_439 = vector.shape_cast %swap3A_438 : vector<16xi32> to vector<16xi32>
        %swap3A_440 = vector.shape_cast %and3A_432 : vector<16xi32> to vector<16xi32>
        tpu.vector_store %swap3A_436[%swap3A_437], %swap3A_440 {strides = array<i32>} : memref<128xi32, #tpu.memory_space<vmem>>, vector<16xi32>,
        %get3A_441 = arith.index_cast %add3A_310 : i32 to index
        %get3A_442 = arith.constant 80 : index
        %get3A_443 = tpu.vector_load %arg5[%get3A_441, %get3A_442] {strides = array<i32>} : memref<80x128xi32, #tpu.memory_space<vmem>>, vector<1x16xi32>,
        %get3A_444 = vector.shape_cast %get3A_443 : vector<1x16xi32> to vector<16xi32>
        %broadcast_in_dim3A_445 = arith.constant 14 : i32
        %broadcast_in_dim3A_446 = vector.broadcast %broadcast_in_dim3A_445 : i32 to vector<16xi32>
        %shift_right_logical3A_447 = arith.shrui %get3A_444, %broadcast_in_dim3A_446 : vector<16xi32>
        %swap3A_448 = arith.constant 1 : i32
        %swap3A_449 = arith.constant 0 : i32
        %swap3A_450 = tpu.memref_slice %arg6[%swap3A_448, %swap3A_449] : memref<2x128xi32, #tpu.memory_space<vmem>> -> memref<1x128xi32, #tpu.memory_space<vmem>>
        %swap3A_451 = tpu.memref_squeeze %swap3A_450 : memref<1x128xi32, #tpu.memory_space<vmem>> -> memref<128xi32, #tpu.memory_space<vmem>>
        %swap3A_452 = arith.constant 80 : index
        %swap3A_453 = tpu.vector_load %swap3A_451[%swap3A_452] {strides = array<i32>} : memref<128xi32, #tpu.memory_space<vmem>>, vector<16xi32>,
        %swap3A_454 = vector.shape_cast %swap3A_453 : vector<16xi32> to vector<16xi32>
        %swap3A_455 = vector.shape_cast %shift_right_logical3A_447 : vector<16xi32> to vector<16xi32>
        tpu.vector_store %swap3A_451[%swap3A_452], %swap3A_455 {strides = array<i32>} : memref<128xi32, #tpu.memory_space<vmem>>, vector<16xi32>,
        %broadcast_in_dim3A_456 = arith.constant 16383 : i32
        %broadcast_in_dim3A_457 = vector.broadcast %broadcast_in_dim3A_456 : i32 to vector<16xi32>
        %and3A_458 = arith.andi %get3A_444, %broadcast_in_dim3A_457 : vector<16xi32>
        %swap3A_459 = arith.constant 1 : i32
        %swap3A_460 = arith.constant 0 : i32
        %swap3A_461 = tpu.memref_slice %arg7[%swap3A_459, %swap3A_460] : memref<2x128xi32, #tpu.memory_space<vmem>> -> memref<1x128xi32, #tpu.memory_space<vmem>>
        %swap3A_462 = tpu.memref_squeeze %swap3A_461 : memref<1x128xi32, #tpu.memory_space<vmem>> -> memref<128xi32, #tpu.memory_space<vmem>>
        %swap3A_463 = arith.constant 80 : index
        %swap3A_464 = tpu.vector_load %swap3A_462[%swap3A_463] {strides = array<i32>} : memref<128xi32, #tpu.memory_space<vmem>>, vector<16xi32>,
        %swap3A_465 = vector.shape_cast %swap3A_464 : vector<16xi32> to vector<16xi32>
        %swap3A_466 = vector.shape_cast %and3A_458 : vector<16xi32> to vector<16xi32>
        tpu.vector_store %swap3A_462[%swap3A_463], %swap3A_466 {strides = array<i32>} : memref<128xi32, #tpu.memory_space<vmem>>, vector<16xi32>,
        %get3A_467 = arith.index_cast %add3A_310 : i32 to index
        %get3A_468 = arith.constant 96 : index
        %get3A_469 = tpu.vector_load %arg5[%get3A_467, %get3A_468] {strides = array<i32>} : memref<80x128xi32, #tpu.memory_space<vmem>>, vector<1x16xi32>,
        %get3A_470 = vector.shape_cast %get3A_469 : vector<1x16xi32> to vector<16xi32>
        %broadcast_in_dim3A_471 = arith.constant 14 : i32
        %broadcast_in_dim3A_472 = vector.broadcast %broadcast_in_dim3A_471 : i32 to vector<16xi32>
        %shift_right_logical3A_473 = arith.shrui %get3A_470, %broadcast_in_dim3A_472 : vector<16xi32>
        %swap3A_474 = arith.constant 1 : i32
        %swap3A_475 = arith.constant 0 : i32
        %swap3A_476 = tpu.memref_slice %arg6[%swap3A_474, %swap3A_475] : memref<2x128xi32, #tpu.memory_space<vmem>> -> memref<1x128xi32, #tpu.memory_space<vmem>>
        %swap3A_477 = tpu.memref_squeeze %swap3A_476 : memref<1x128xi32, #tpu.memory_space<vmem>> -> memref<128xi32, #tpu.memory_space<vmem>>
        %swap3A_478 = arith.constant 96 : index
        %swap3A_479 = tpu.vector_load %swap3A_477[%swap3A_478] {strides = array<i32>} : memref<128xi32, #tpu.memory_space<vmem>>, vector<16xi32>,
        %swap3A_480 = vector.shape_cast %swap3A_479 : vector<16xi32> to vector<16xi32>
        %swap3A_481 = vector.shape_cast %shift_right_logical3A_473 : vector<16xi32> to vector<16xi32>
        tpu.vector_store %swap3A_477[%swap3A_478], %swap3A_481 {strides = array<i32>} : memref<128xi32, #tpu.memory_space<vmem>>, vector<16xi32>,
        %broadcast_in_dim3A_482 = arith.constant 16383 : i32
        %broadcast_in_dim3A_483 = vector.broadcast %broadcast_in_dim3A_482 : i32 to vector<16xi32>
        %and3A_484 = arith.andi %get3A_470, %broadcast_in_dim3A_483 : vector<16xi32>
        %swap3A_485 = arith.constant 1 : i32
        %swap3A_486 = arith.constant 0 : i32
        %swap3A_487 = tpu.memref_slice %arg7[%swap3A_485, %swap3A_486] : memref<2x128xi32, #tpu.memory_space<vmem>> -> memref<1x128xi32, #tpu.memory_space<vmem>>
        %swap3A_488 = tpu.memref_squeeze %swap3A_487 : memref<1x128xi32, #tpu.memory_space<vmem>> -> memref<128xi32, #tpu.memory_space<vmem>>
        %swap3A_489 = arith.constant 96 : index
        %swap3A_490 = tpu.vector_load %swap3A_488[%swap3A_489] {strides = array<i32>} : memref<128xi32, #tpu.memory_space<vmem>>, vector<16xi32>,
        %swap3A_491 = vector.shape_cast %swap3A_490 : vector<16xi32> to vector<16xi32>
        %swap3A_492 = vector.shape_cast %and3A_484 : vector<16xi32> to vector<16xi32>
        tpu.vector_store %swap3A_488[%swap3A_489], %swap3A_492 {strides = array<i32>} : memref<128xi32, #tpu.memory_space<vmem>>, vector<16xi32>,
        %get3A_493 = arith.index_cast %add3A_310 : i32 to index
        %get3A_494 = arith.constant 112 : index
        %get3A_495 = tpu.vector_load %arg5[%get3A_493, %get3A_494] {strides = array<i32>} : memref<80x128xi32, #tpu.memory_space<vmem>>, vector<1x16xi32>,
        %get3A_496 = vector.shape_cast %get3A_495 : vector<1x16xi32> to vector<16xi32>
        %broadcast_in_dim3A_497 = arith.constant 14 : i32
        %broadcast_in_dim3A_498 = vector.broadcast %broadcast_in_dim3A_497 : i32 to vector<16xi32>
        %shift_right_logical3A_499 = arith.shrui %get3A_496, %broadcast_in_dim3A_498 : vector<16xi32>
        %swap3A_500 = arith.constant 1 : i32
        %swap3A_501 = arith.constant 0 : i32
        %swap3A_502 = tpu.memref_slice %arg6[%swap3A_500, %swap3A_501] : memref<2x128xi32, #tpu.memory_space<vmem>> -> memref<1x128xi32, #tpu.memory_space<vmem>>
        %swap3A_503 = tpu.memref_squeeze %swap3A_502 : memref<1x128xi32, #tpu.memory_space<vmem>> -> memref<128xi32, #tpu.memory_space<vmem>>
        %swap3A_504 = arith.constant 112 : index
        %swap3A_505 = tpu.vector_load %swap3A_503[%swap3A_504] {strides = array<i32>} : memref<128xi32, #tpu.memory_space<vmem>>, vector<16xi32>,
        %swap3A_506 = vector.shape_cast %swap3A_505 : vector<16xi32> to vector<16xi32>
        %swap3A_507 = vector.shape_cast %shift_right_logical3A_499 : vector<16xi32> to vector<16xi32>
        tpu.vector_store %swap3A_503[%swap3A_504], %swap3A_507 {strides = array<i32>} : memref<128xi32, #tpu.memory_space<vmem>>, vector<16xi32>,
        %broadcast_in_dim3A_508 = arith.constant 16383 : i32
        %broadcast_in_dim3A_509 = vector.broadcast %broadcast_in_dim3A_508 : i32 to vector<16xi32>
        %and3A_510 = arith.andi %get3A_496, %broadcast_in_dim3A_509 : vector<16xi32>
        %swap3A_511 = arith.constant 1 : i32
        %swap3A_512 = arith.constant 0 : i32
        %swap3A_513 = tpu.memref_slice %arg7[%swap3A_511, %swap3A_512] : memref<2x128xi32, #tpu.memory_space<vmem>> -> memref<1x128xi32, #tpu.memory_space<vmem>>
        %swap3A_514 = tpu.memref_squeeze %swap3A_513 : memref<1x128xi32, #tpu.memory_space<vmem>> -> memref<128xi32, #tpu.memory_space<vmem>>
        %swap3A_515 = arith.constant 112 : index
        %swap3A_516 = tpu.vector_load %swap3A_514[%swap3A_515] {strides = array<i32>} : memref<128xi32, #tpu.memory_space<vmem>>, vector<16xi32>,
        %swap3A_517 = vector.shape_cast %swap3A_516 : vector<16xi32> to vector<16xi32>
        %swap3A_518 = vector.shape_cast %and3A_510 : vector<16xi32> to vector<16xi32>
        tpu.vector_store %swap3A_514[%swap3A_515], %swap3A_518 {strides = array<i32>} : memref<128xi32, #tpu.memory_space<vmem>>, vector<16xi32>,
        %dma_start3A_519 = arith.constant 1 : i32
        %dma_start3A_520 = arith.constant 1 : i32
        %dma_start3A_521 = arith.constant 1 : i32
        %dma_start3A_522 = arith.constant 0 : i32
        %dma_start3A_523 = arith.constant 0 : i32
        %dma_start3A_524 = tpu.memref_slice %arg8[%dma_start3A_520, %dma_start3A_522, %dma_start3A_523] : memref<2x128x128xf32, #tpu.memory_space<vmem>> -> memref<1x128x128xf32, #tpu.memory_space<vmem>>
        %dma_start3A_525 = tpu.memref_squeeze %dma_start3A_524 : memref<1x128x128xf32, #tpu.memory_space<vmem>> -> memref<128x128xf32, #tpu.memory_space<vmem>>
        %dma_start3A_526 = arith.constant 0 : i32
        %dma_start3A_527 = tpu.memref_slice %arg6[%dma_start3A_519, %dma_start3A_526] : memref<2x128xi32, #tpu.memory_space<vmem>> -> memref<1x128xi32, #tpu.memory_space<vmem>>
        %dma_start3A_528 = tpu.memref_squeeze %dma_start3A_527 : memref<1x128xi32, #tpu.memory_space<vmem>> -> memref<128xi32, #tpu.memory_space<vmem>>
        %dma_start3A_529 = arith.constant 0 : i32
        %dma_start3A_530 = arith.constant 0 : i32
        %dma_start3A_531 = tpu.memref_slice %arg2[%dma_start3A_529, %dma_start3A_530] : memref<10240x128xf32, #tpu.memory_space<hbm>> -> memref<10240x128xf32, #tpu.memory_space<hbm>>
        %dma_start3A_532 = tpu.memref_slice %arg10[%dma_start3A_521] : memref<2x!tpu.dma_semaphore, #tpu.memory_space<semaphore_mem>> -> memref<1x!tpu.dma_semaphore, #tpu.memory_space<semaphore_mem>>
        %dma_start3A_533 = tpu.memref_squeeze %dma_start3A_532 : memref<1x!tpu.dma_semaphore, #tpu.memory_space<semaphore_mem>> -> memref<!tpu.dma_semaphore, #tpu.memory_space<semaphore_mem>>
        tpu.enqueue_indirect_dma source(%dma_start3A_531 : memref<10240x128xf32, #tpu.memory_space<hbm>>) target(%dma_start3A_525 : memref<128x128xf32, #tpu.memory_space<vmem>>) offsets(%dma_start3A_528 : memref<128xi32, #tpu.memory_space<vmem>>) semaphore(%dma_start3A_533 : memref<!tpu.dma_semaphore, #tpu.memory_space<semaphore_mem>>)
      } else {
      }
      %dma_wait3A = arith.constant 0 : i32
      %dma_wait3A_265 = arith.constant 0 : i32
      %dma_wait3A_266 = arith.constant 0 : i32
      %dma_wait3A_267 = arith.constant 0 : i32
      %dma_wait3A_268 = arith.constant 0 : i32
      %dma_wait3A_269 = tpu.memref_slice %arg8[%dma_wait3A_265, %dma_wait3A_267, %dma_wait3A_268] : memref<2x128x128xf32, #tpu.memory_space<vmem>> -> memref<1x128x128xf32, #tpu.memory_space<vmem>>
      %dma_wait3A_270 = tpu.memref_squeeze %dma_wait3A_269 : memref<1x128x128xf32, #tpu.memory_space<vmem>> -> memref<128x128xf32, #tpu.memory_space<vmem>>
      %dma_wait3A_271 = arith.constant 0 : i32
      %dma_wait3A_272 = tpu.memref_slice %arg6[%dma_wait3A, %dma_wait3A_271] : memref<2x128xi32, #tpu.memory_space<vmem>> -> memref<1x128xi32, #tpu.memory_space<vmem>>
      %dma_wait3A_273 = tpu.memref_squeeze %dma_wait3A_272 : memref<1x128xi32, #tpu.memory_space<vmem>> -> memref<128xi32, #tpu.memory_space<vmem>>
      %dma_wait3A_274 = arith.constant 0 : i32
      %dma_wait3A_275 = arith.constant 0 : i32
      %dma_wait3A_276 = tpu.memref_slice %arg2[%dma_wait3A_274, %dma_wait3A_275] : memref<10240x128xf32, #tpu.memory_space<hbm>> -> memref<10240x128xf32, #tpu.memory_space<hbm>>
      %dma_wait3A_277 = tpu.memref_slice %arg10[%dma_wait3A_266] : memref<2x!tpu.dma_semaphore, #tpu.memory_space<semaphore_mem>> -> memref<1x!tpu.dma_semaphore, #tpu.memory_space<semaphore_mem>>
      %dma_wait3A_278 = tpu.memref_squeeze %dma_wait3A_277 : memref<1x!tpu.dma_semaphore, #tpu.memory_space<semaphore_mem>> -> memref<!tpu.dma_semaphore, #tpu.memory_space<semaphore_mem>>
      tpu.wait_indirect_dma semaphore(%dma_wait3A_278 : memref<!tpu.dma_semaphore, #tpu.memory_space<semaphore_mem>>) src(%dma_wait3A_276 : memref<10240x128xf32, #tpu.memory_space<hbm>>) dst(%dma_wait3A_270 : memref<128x128xf32, #tpu.memory_space<vmem>>)
      %run_scoped3A_279 = arith.constant 0 : i32
      %run_scoped3A_280 = arith.constant 0 : i32
      "tpu.region"() ({
        %run_scoped3A_309 = tpu.sem_alloc : memref<!tpu.dma_semaphore, #tpu.memory_space<semaphore_mem>>
        %dma_start3A_310 = arith.constant 0 : i32
        %dma_start3A_311 = arith.constant 0 : i32
        %dma_start3A_312 = tpu.memref_slice %arg8[%run_scoped3A_279, %dma_start3A_310, %dma_start3A_311] : memref<2x128x128xf32, #tpu.memory_space<vmem>> -> memref<1x128x128xf32, #tpu.memory_space<vmem>>
        %dma_start3A_313 = tpu.memref_squeeze %dma_start3A_312 : memref<1x128x128xf32, #tpu.memory_space<vmem>> -> memref<128x128xf32, #tpu.memory_space<vmem>>
        %dma_start3A_314 = arith.constant 0 : i32
        %dma_start3A_315 = tpu.memref_slice %arg7[%run_scoped3A_280, %dma_start3A_314] : memref<2x128xi32, #tpu.memory_space<vmem>> -> memref<1x128xi32, #tpu.memory_space<vmem>>
        %dma_start3A_316 = tpu.memref_squeeze %dma_start3A_315 : memref<1x128xi32, #tpu.memory_space<vmem>> -> memref<128xi32, #tpu.memory_space<vmem>>
        %dma_start3A_317 = arith.constant 0 : i32
        %dma_start3A_318 = arith.constant 0 : i32
        %dma_start3A_319 = tpu.memref_slice %arg9[%dma_start3A_317, %dma_start3A_318] : memref<10240x128xf32, #tpu.memory_space<vmem_shared>> -> memref<10240x128xf32, #tpu.memory_space<vmem_shared>>
        tpu.enqueue_indirect_dma source(%dma_start3A_313 : memref<128x128xf32, #tpu.memory_space<vmem>>) target(%dma_start3A_319 : memref<10240x128xf32, #tpu.memory_space<vmem_shared>>) offsets(%dma_start3A_316 : memref<128xi32, #tpu.memory_space<vmem>>) semaphore(%run_scoped3A_309 : memref<!tpu.dma_semaphore, #tpu.memory_space<semaphore_mem>>) {add = true}
        %dma_wait3A_320 = arith.constant 0 : i32
        %dma_wait3A_321 = arith.constant 0 : i32
        %dma_wait3A_322 = tpu.memref_slice %arg8[%run_scoped3A_279, %dma_wait3A_320, %dma_wait3A_321] : memref<2x128x128xf32, #tpu.memory_space<vmem>> -> memref<1x128x128xf32, #tpu.memory_space<vmem>>
        %dma_wait3A_323 = tpu.memref_squeeze %dma_wait3A_322 : memref<1x128x128xf32, #tpu.memory_space<vmem>> -> memref<128x128xf32, #tpu.memory_space<vmem>>
        %dma_wait3A_324 = arith.constant 0 : i32
        %dma_wait3A_325 = tpu.memref_slice %arg7[%run_scoped3A_280, %dma_wait3A_324] : memref<2x128xi32, #tpu.memory_space<vmem>> -> memref<1x128xi32, #tpu.memory_space<vmem>>
        %dma_wait3A_326 = tpu.memref_squeeze %dma_wait3A_325 : memref<1x128xi32, #tpu.memory_space<vmem>> -> memref<128xi32, #tpu.memory_space<vmem>>
        %dma_wait3A_327 = arith.constant 0 : i32
        %dma_wait3A_328 = arith.constant 0 : i32
        %dma_wait3A_329 = tpu.memref_slice %arg9[%dma_wait3A_327, %dma_wait3A_328] : memref<10240x128xf32, #tpu.memory_space<vmem_shared>> -> memref<10240x128xf32, #tpu.memory_space<vmem_shared>>
        tpu.wait_indirect_dma semaphore(%run_scoped3A_309 : memref<!tpu.dma_semaphore, #tpu.memory_space<semaphore_mem>>) src(%dma_wait3A_323 : memref<128x128xf32, #tpu.memory_space<vmem>>) dst(%dma_wait3A_329 : memref<10240x128xf32, #tpu.memory_space<vmem_shared>>)
        tpu.yield
      }) : () -> ()
      %mul3A_281 = arith.constant 2 : i32
      %mul3A_282 = arith.muli %scan3A_256, %mul3A_281 : i32
      %add3A_283 = arith.constant 1 : i32
      %add3A_284 = arith.addi %mul3A_282, %add3A_283 : i32
      %add3A_285 = arith.constant 1 : i32
      %add3A_286 = arith.addi %add3A_284, %add3A_285 : i32
      %lt3A_287 = arith.constant 80 : i32
      %lt3A_288 = arith.cmpi slt, %add3A_286, %lt3A_287 : i32
      %convert_element_type3A_289 = arith.extui %lt3A_288 : i1 to i32
      %cond3A_290 = arith.constant 0 : i32
      %cond3A_291 = arith.cmpi ne, %convert_element_type3A_289, %cond3A_290 : i32
      scf.if %cond3A_291 {
        %add3A_309 = arith.constant 1 : i32
        %add3A_310 = arith.addi %add3A_284, %add3A_309 : i32
        %get3A_311 = arith.index_cast %add3A_310 : i32 to index
        %get3A_312 = arith.constant 0 : index
        %get3A_313 = tpu.vector_load %arg5[%get3A_311, %get3A_312] {strides = array<i32>} : memref<80x128xi32, #tpu.memory_space<vmem>>, vector<1x16xi32>,
        %get3A_314 = vector.shape_cast %get3A_313 : vector<1x16xi32> to vector<16xi32>
        %broadcast_in_dim3A_315 = arith.constant 14 : i32
        %broadcast_in_dim3A_316 = vector.broadcast %broadcast_in_dim3A_315 : i32 to vector<16xi32>
        %shift_right_logical3A_317 = arith.shrui %get3A_314, %broadcast_in_dim3A_316 : vector<16xi32>
        %swap3A_318 = arith.constant 0 : i32
        %swap3A_319 = arith.constant 0 : i32
        %swap3A_320 = tpu.memref_slice %arg6[%swap3A_318, %swap3A_319] : memref<2x128xi32, #tpu.memory_space<vmem>> -> memref<1x128xi32, #tpu.memory_space<vmem>>
        %swap3A_321 = tpu.memref_squeeze %swap3A_320 : memref<1x128xi32, #tpu.memory_space<vmem>> -> memref<128xi32, #tpu.memory_space<vmem>>
        %swap3A_322 = arith.constant 0 : index
        %swap3A_323 = tpu.vector_load %swap3A_321[%swap3A_322] {strides = array<i32>} : memref<128xi32, #tpu.memory_space<vmem>>, vector<16xi32>,
        %swap3A_324 = vector.shape_cast %swap3A_323 : vector<16xi32> to vector<16xi32>
        %swap3A_325 = vector.shape_cast %shift_right_logical3A_317 : vector<16xi32> to vector<16xi32>
        tpu.vector_store %swap3A_321[%swap3A_322], %swap3A_325 {strides = array<i32>} : memref<128xi32, #tpu.memory_space<vmem>>, vector<16xi32>,
        %broadcast_in_dim3A_326 = arith.constant 16383 : i32
        %broadcast_in_dim3A_327 = vector.broadcast %broadcast_in_dim3A_326 : i32 to vector<16xi32>
        %and3A_328 = arith.andi %get3A_314, %broadcast_in_dim3A_327 : vector<16xi32>
        %swap3A_329 = arith.constant 0 : i32
        %swap3A_330 = arith.constant 0 : i32
        %swap3A_331 = tpu.memref_slice %arg7[%swap3A_329, %swap3A_330] : memref<2x128xi32, #tpu.memory_space<vmem>> -> memref<1x128xi32, #tpu.memory_space<vmem>>
        %swap3A_332 = tpu.memref_squeeze %swap3A_331 : memref<1x128xi32, #tpu.memory_space<vmem>> -> memref<128xi32, #tpu.memory_space<vmem>>
        %swap3A_333 = arith.constant 0 : index
        %swap3A_334 = tpu.vector_load %swap3A_332[%swap3A_333] {strides = array<i32>} : memref<128xi32, #tpu.memory_space<vmem>>, vector<16xi32>,
        %swap3A_335 = vector.shape_cast %swap3A_334 : vector<16xi32> to vector<16xi32>
        %swap3A_336 = vector.shape_cast %and3A_328 : vector<16xi32> to vector<16xi32>
        tpu.vector_store %swap3A_332[%swap3A_333], %swap3A_336 {strides = array<i32>} : memref<128xi32, #tpu.memory_space<vmem>>, vector<16xi32>,
        %get3A_337 = arith.index_cast %add3A_310 : i32 to index
        %get3A_338 = arith.constant 16 : index
        %get3A_339 = tpu.vector_load %arg5[%get3A_337, %get3A_338] {strides = array<i32>} : memref<80x128xi32, #tpu.memory_space<vmem>>, vector<1x16xi32>,
        %get3A_340 = vector.shape_cast %get3A_339 : vector<1x16xi32> to vector<16xi32>
        %broadcast_in_dim3A_341 = arith.constant 14 : i32
        %broadcast_in_dim3A_342 = vector.broadcast %broadcast_in_dim3A_341 : i32 to vector<16xi32>
        %shift_right_logical3A_343 = arith.shrui %get3A_340, %broadcast_in_dim3A_342 : vector<16xi32>
        %swap3A_344 = arith.constant 0 : i32
        %swap3A_345 = arith.constant 0 : i32
        %swap3A_346 = tpu.memref_slice %arg6[%swap3A_344, %swap3A_345] : memref<2x128xi32, #tpu.memory_space<vmem>> -> memref<1x128xi32, #tpu.memory_space<vmem>>
        %swap3A_347 = tpu.memref_squeeze %swap3A_346 : memref<1x128xi32, #tpu.memory_space<vmem>> -> memref<128xi32, #tpu.memory_space<vmem>>
        %swap3A_348 = arith.constant 16 : index
        %swap3A_349 = tpu.vector_load %swap3A_347[%swap3A_348] {strides = array<i32>} : memref<128xi32, #tpu.memory_space<vmem>>, vector<16xi32>,
        %swap3A_350 = vector.shape_cast %swap3A_349 : vector<16xi32> to vector<16xi32>
        %swap3A_351 = vector.shape_cast %shift_right_logical3A_343 : vector<16xi32> to vector<16xi32>
        tpu.vector_store %swap3A_347[%swap3A_348], %swap3A_351 {strides = array<i32>} : memref<128xi32, #tpu.memory_space<vmem>>, vector<16xi32>,
        %broadcast_in_dim3A_352 = arith.constant 16383 : i32
        %broadcast_in_dim3A_353 = vector.broadcast %broadcast_in_dim3A_352 : i32 to vector<16xi32>
        %and3A_354 = arith.andi %get3A_340, %broadcast_in_dim3A_353 : vector<16xi32>
        %swap3A_355 = arith.constant 0 : i32
        %swap3A_356 = arith.constant 0 : i32
        %swap3A_357 = tpu.memref_slice %arg7[%swap3A_355, %swap3A_356] : memref<2x128xi32, #tpu.memory_space<vmem>> -> memref<1x128xi32, #tpu.memory_space<vmem>>
        %swap3A_358 = tpu.memref_squeeze %swap3A_357 : memref<1x128xi32, #tpu.memory_space<vmem>> -> memref<128xi32, #tpu.memory_space<vmem>>
        %swap3A_359 = arith.constant 16 : index
        %swap3A_360 = tpu.vector_load %swap3A_358[%swap3A_359] {strides = array<i32>} : memref<128xi32, #tpu.memory_space<vmem>>, vector<16xi32>,
        %swap3A_361 = vector.shape_cast %swap3A_360 : vector<16xi32> to vector<16xi32>
        %swap3A_362 = vector.shape_cast %and3A_354 : vector<16xi32> to vector<16xi32>
        tpu.vector_store %swap3A_358[%swap3A_359], %swap3A_362 {strides = array<i32>} : memref<128xi32, #tpu.memory_space<vmem>>, vector<16xi32>,
        %get3A_363 = arith.index_cast %add3A_310 : i32 to index
        %get3A_364 = arith.constant 32 : index
        %get3A_365 = tpu.vector_load %arg5[%get3A_363, %get3A_364] {strides = array<i32>} : memref<80x128xi32, #tpu.memory_space<vmem>>, vector<1x16xi32>,
        %get3A_366 = vector.shape_cast %get3A_365 : vector<1x16xi32> to vector<16xi32>
        %broadcast_in_dim3A_367 = arith.constant 14 : i32
        %broadcast_in_dim3A_368 = vector.broadcast %broadcast_in_dim3A_367 : i32 to vector<16xi32>
        %shift_right_logical3A_369 = arith.shrui %get3A_366, %broadcast_in_dim3A_368 : vector<16xi32>
        %swap3A_370 = arith.constant 0 : i32
        %swap3A_371 = arith.constant 0 : i32
        %swap3A_372 = tpu.memref_slice %arg6[%swap3A_370, %swap3A_371] : memref<2x128xi32, #tpu.memory_space<vmem>> -> memref<1x128xi32, #tpu.memory_space<vmem>>
        %swap3A_373 = tpu.memref_squeeze %swap3A_372 : memref<1x128xi32, #tpu.memory_space<vmem>> -> memref<128xi32, #tpu.memory_space<vmem>>
        %swap3A_374 = arith.constant 32 : index
        %swap3A_375 = tpu.vector_load %swap3A_373[%swap3A_374] {strides = array<i32>} : memref<128xi32, #tpu.memory_space<vmem>>, vector<16xi32>,
        %swap3A_376 = vector.shape_cast %swap3A_375 : vector<16xi32> to vector<16xi32>
        %swap3A_377 = vector.shape_cast %shift_right_logical3A_369 : vector<16xi32> to vector<16xi32>
        tpu.vector_store %swap3A_373[%swap3A_374], %swap3A_377 {strides = array<i32>} : memref<128xi32, #tpu.memory_space<vmem>>, vector<16xi32>,
        %broadcast_in_dim3A_378 = arith.constant 16383 : i32
        %broadcast_in_dim3A_379 = vector.broadcast %broadcast_in_dim3A_378 : i32 to vector<16xi32>
        %and3A_380 = arith.andi %get3A_366, %broadcast_in_dim3A_379 : vector<16xi32>
        %swap3A_381 = arith.constant 0 : i32
        %swap3A_382 = arith.constant 0 : i32
        %swap3A_383 = tpu.memref_slice %arg7[%swap3A_381, %swap3A_382] : memref<2x128xi32, #tpu.memory_space<vmem>> -> memref<1x128xi32, #tpu.memory_space<vmem>>
        %swap3A_384 = tpu.memref_squeeze %swap3A_383 : memref<1x128xi32, #tpu.memory_space<vmem>> -> memref<128xi32, #tpu.memory_space<vmem>>
        %swap3A_385 = arith.constant 32 : index
        %swap3A_386 = tpu.vector_load %swap3A_384[%swap3A_385] {strides = array<i32>} : memref<128xi32, #tpu.memory_space<vmem>>, vector<16xi32>,
        %swap3A_387 = vector.shape_cast %swap3A_386 : vector<16xi32> to vector<16xi32>
        %swap3A_388 = vector.shape_cast %and3A_380 : vector<16xi32> to vector<16xi32>
        tpu.vector_store %swap3A_384[%swap3A_385], %swap3A_388 {strides = array<i32>} : memref<128xi32, #tpu.memory_space<vmem>>, vector<16xi32>,
        %get3A_389 = arith.index_cast %add3A_310 : i32 to index
        %get3A_390 = arith.constant 48 : index
        %get3A_391 = tpu.vector_load %arg5[%get3A_389, %get3A_390] {strides = array<i32>} : memref<80x128xi32, #tpu.memory_space<vmem>>, vector<1x16xi32>,
        %get3A_392 = vector.shape_cast %get3A_391 : vector<1x16xi32> to vector<16xi32>
        %broadcast_in_dim3A_393 = arith.constant 14 : i32
        %broadcast_in_dim3A_394 = vector.broadcast %broadcast_in_dim3A_393 : i32 to vector<16xi32>
        %shift_right_logical3A_395 = arith.shrui %get3A_392, %broadcast_in_dim3A_394 : vector<16xi32>
        %swap3A_396 = arith.constant 0 : i32
        %swap3A_397 = arith.constant 0 : i32
        %swap3A_398 = tpu.memref_slice %arg6[%swap3A_396, %swap3A_397] : memref<2x128xi32, #tpu.memory_space<vmem>> -> memref<1x128xi32, #tpu.memory_space<vmem>>
        %swap3A_399 = tpu.memref_squeeze %swap3A_398 : memref<1x128xi32, #tpu.memory_space<vmem>> -> memref<128xi32, #tpu.memory_space<vmem>>
        %swap3A_400 = arith.constant 48 : index
        %swap3A_401 = tpu.vector_load %swap3A_399[%swap3A_400] {strides = array<i32>} : memref<128xi32, #tpu.memory_space<vmem>>, vector<16xi32>,
        %swap3A_402 = vector.shape_cast %swap3A_401 : vector<16xi32> to vector<16xi32>
        %swap3A_403 = vector.shape_cast %shift_right_logical3A_395 : vector<16xi32> to vector<16xi32>
        tpu.vector_store %swap3A_399[%swap3A_400], %swap3A_403 {strides = array<i32>} : memref<128xi32, #tpu.memory_space<vmem>>, vector<16xi32>,
        %broadcast_in_dim3A_404 = arith.constant 16383 : i32
        %broadcast_in_dim3A_405 = vector.broadcast %broadcast_in_dim3A_404 : i32 to vector<16xi32>
        %and3A_406 = arith.andi %get3A_392, %broadcast_in_dim3A_405 : vector<16xi32>
        %swap3A_407 = arith.constant 0 : i32
        %swap3A_408 = arith.constant 0 : i32
        %swap3A_409 = tpu.memref_slice %arg7[%swap3A_407, %swap3A_408] : memref<2x128xi32, #tpu.memory_space<vmem>> -> memref<1x128xi32, #tpu.memory_space<vmem>>
        %swap3A_410 = tpu.memref_squeeze %swap3A_409 : memref<1x128xi32, #tpu.memory_space<vmem>> -> memref<128xi32, #tpu.memory_space<vmem>>
        %swap3A_411 = arith.constant 48 : index
        %swap3A_412 = tpu.vector_load %swap3A_410[%swap3A_411] {strides = array<i32>} : memref<128xi32, #tpu.memory_space<vmem>>, vector<16xi32>,
        %swap3A_413 = vector.shape_cast %swap3A_412 : vector<16xi32> to vector<16xi32>
        %swap3A_414 = vector.shape_cast %and3A_406 : vector<16xi32> to vector<16xi32>
        tpu.vector_store %swap3A_410[%swap3A_411], %swap3A_414 {strides = array<i32>} : memref<128xi32, #tpu.memory_space<vmem>>, vector<16xi32>,
        %get3A_415 = arith.index_cast %add3A_310 : i32 to index
        %get3A_416 = arith.constant 64 : index
        %get3A_417 = tpu.vector_load %arg5[%get3A_415, %get3A_416] {strides = array<i32>} : memref<80x128xi32, #tpu.memory_space<vmem>>, vector<1x16xi32>,
        %get3A_418 = vector.shape_cast %get3A_417 : vector<1x16xi32> to vector<16xi32>
        %broadcast_in_dim3A_419 = arith.constant 14 : i32
        %broadcast_in_dim3A_420 = vector.broadcast %broadcast_in_dim3A_419 : i32 to vector<16xi32>
        %shift_right_logical3A_421 = arith.shrui %get3A_418, %broadcast_in_dim3A_420 : vector<16xi32>
        %swap3A_422 = arith.constant 0 : i32
        %swap3A_423 = arith.constant 0 : i32
        %swap3A_424 = tpu.memref_slice %arg6[%swap3A_422, %swap3A_423] : memref<2x128xi32, #tpu.memory_space<vmem>> -> memref<1x128xi32, #tpu.memory_space<vmem>>
        %swap3A_425 = tpu.memref_squeeze %swap3A_424 : memref<1x128xi32, #tpu.memory_space<vmem>> -> memref<128xi32, #tpu.memory_space<vmem>>
        %swap3A_426 = arith.constant 64 : index
        %swap3A_427 = tpu.vector_load %swap3A_425[%swap3A_426] {strides = array<i32>} : memref<128xi32, #tpu.memory_space<vmem>>, vector<16xi32>,
        %swap3A_428 = vector.shape_cast %swap3A_427 : vector<16xi32> to vector<16xi32>
        %swap3A_429 = vector.shape_cast %shift_right_logical3A_421 : vector<16xi32> to vector<16xi32>
        tpu.vector_store %swap3A_425[%swap3A_426], %swap3A_429 {strides = array<i32>} : memref<128xi32, #tpu.memory_space<vmem>>, vector<16xi32>,
        %broadcast_in_dim3A_430 = arith.constant 16383 : i32
        %broadcast_in_dim3A_431 = vector.broadcast %broadcast_in_dim3A_430 : i32 to vector<16xi32>
        %and3A_432 = arith.andi %get3A_418, %broadcast_in_dim3A_431 : vector<16xi32>
        %swap3A_433 = arith.constant 0 : i32
        %swap3A_434 = arith.constant 0 : i32
        %swap3A_435 = tpu.memref_slice %arg7[%swap3A_433, %swap3A_434] : memref<2x128xi32, #tpu.memory_space<vmem>> -> memref<1x128xi32, #tpu.memory_space<vmem>>
        %swap3A_436 = tpu.memref_squeeze %swap3A_435 : memref<1x128xi32, #tpu.memory_space<vmem>> -> memref<128xi32, #tpu.memory_space<vmem>>
        %swap3A_437 = arith.constant 64 : index
        %swap3A_438 = tpu.vector_load %swap3A_436[%swap3A_437] {strides = array<i32>} : memref<128xi32, #tpu.memory_space<vmem>>, vector<16xi32>,
        %swap3A_439 = vector.shape_cast %swap3A_438 : vector<16xi32> to vector<16xi32>
        %swap3A_440 = vector.shape_cast %and3A_432 : vector<16xi32> to vector<16xi32>
        tpu.vector_store %swap3A_436[%swap3A_437], %swap3A_440 {strides = array<i32>} : memref<128xi32, #tpu.memory_space<vmem>>, vector<16xi32>,
        %get3A_441 = arith.index_cast %add3A_310 : i32 to index
        %get3A_442 = arith.constant 80 : index
        %get3A_443 = tpu.vector_load %arg5[%get3A_441, %get3A_442] {strides = array<i32>} : memref<80x128xi32, #tpu.memory_space<vmem>>, vector<1x16xi32>,
        %get3A_444 = vector.shape_cast %get3A_443 : vector<1x16xi32> to vector<16xi32>
        %broadcast_in_dim3A_445 = arith.constant 14 : i32
        %broadcast_in_dim3A_446 = vector.broadcast %broadcast_in_dim3A_445 : i32 to vector<16xi32>
        %shift_right_logical3A_447 = arith.shrui %get3A_444, %broadcast_in_dim3A_446 : vector<16xi32>
        %swap3A_448 = arith.constant 0 : i32
        %swap3A_449 = arith.constant 0 : i32
        %swap3A_450 = tpu.memref_slice %arg6[%swap3A_448, %swap3A_449] : memref<2x128xi32, #tpu.memory_space<vmem>> -> memref<1x128xi32, #tpu.memory_space<vmem>>
        %swap3A_451 = tpu.memref_squeeze %swap3A_450 : memref<1x128xi32, #tpu.memory_space<vmem>> -> memref<128xi32, #tpu.memory_space<vmem>>
        %swap3A_452 = arith.constant 80 : index
        %swap3A_453 = tpu.vector_load %swap3A_451[%swap3A_452] {strides = array<i32>} : memref<128xi32, #tpu.memory_space<vmem>>, vector<16xi32>,
        %swap3A_454 = vector.shape_cast %swap3A_453 : vector<16xi32> to vector<16xi32>
        %swap3A_455 = vector.shape_cast %shift_right_logical3A_447 : vector<16xi32> to vector<16xi32>
        tpu.vector_store %swap3A_451[%swap3A_452], %swap3A_455 {strides = array<i32>} : memref<128xi32, #tpu.memory_space<vmem>>, vector<16xi32>,
        %broadcast_in_dim3A_456 = arith.constant 16383 : i32
        %broadcast_in_dim3A_457 = vector.broadcast %broadcast_in_dim3A_456 : i32 to vector<16xi32>
        %and3A_458 = arith.andi %get3A_444, %broadcast_in_dim3A_457 : vector<16xi32>
        %swap3A_459 = arith.constant 0 : i32
        %swap3A_460 = arith.constant 0 : i32
        %swap3A_461 = tpu.memref_slice %arg7[%swap3A_459, %swap3A_460] : memref<2x128xi32, #tpu.memory_space<vmem>> -> memref<1x128xi32, #tpu.memory_space<vmem>>
        %swap3A_462 = tpu.memref_squeeze %swap3A_461 : memref<1x128xi32, #tpu.memory_space<vmem>> -> memref<128xi32, #tpu.memory_space<vmem>>
        %swap3A_463 = arith.constant 80 : index
        %swap3A_464 = tpu.vector_load %swap3A_462[%swap3A_463] {strides = array<i32>} : memref<128xi32, #tpu.memory_space<vmem>>, vector<16xi32>,
        %swap3A_465 = vector.shape_cast %swap3A_464 : vector<16xi32> to vector<16xi32>
        %swap3A_466 = vector.shape_cast %and3A_458 : vector<16xi32> to vector<16xi32>
        tpu.vector_store %swap3A_462[%swap3A_463], %swap3A_466 {strides = array<i32>} : memref<128xi32, #tpu.memory_space<vmem>>, vector<16xi32>,
        %get3A_467 = arith.index_cast %add3A_310 : i32 to index
        %get3A_468 = arith.constant 96 : index
        %get3A_469 = tpu.vector_load %arg5[%get3A_467, %get3A_468] {strides = array<i32>} : memref<80x128xi32, #tpu.memory_space<vmem>>, vector<1x16xi32>,
        %get3A_470 = vector.shape_cast %get3A_469 : vector<1x16xi32> to vector<16xi32>
        %broadcast_in_dim3A_471 = arith.constant 14 : i32
        %broadcast_in_dim3A_472 = vector.broadcast %broadcast_in_dim3A_471 : i32 to vector<16xi32>
        %shift_right_logical3A_473 = arith.shrui %get3A_470, %broadcast_in_dim3A_472 : vector<16xi32>
        %swap3A_474 = arith.constant 0 : i32
        %swap3A_475 = arith.constant 0 : i32
        %swap3A_476 = tpu.memref_slice %arg6[%swap3A_474, %swap3A_475] : memref<2x128xi32, #tpu.memory_space<vmem>> -> memref<1x128xi32, #tpu.memory_space<vmem>>
        %swap3A_477 = tpu.memref_squeeze %swap3A_476 : memref<1x128xi32, #tpu.memory_space<vmem>> -> memref<128xi32, #tpu.memory_space<vmem>>
        %swap3A_478 = arith.constant 96 : index
        %swap3A_479 = tpu.vector_load %swap3A_477[%swap3A_478] {strides = array<i32>} : memref<128xi32, #tpu.memory_space<vmem>>, vector<16xi32>,
        %swap3A_480 = vector.shape_cast %swap3A_479 : vector<16xi32> to vector<16xi32>
        %swap3A_481 = vector.shape_cast %shift_right_logical3A_473 : vector<16xi32> to vector<16xi32>
        tpu.vector_store %swap3A_477[%swap3A_478], %swap3A_481 {strides = array<i32>} : memref<128xi32, #tpu.memory_space<vmem>>, vector<16xi32>,
        %broadcast_in_dim3A_482 = arith.constant 16383 : i32
        %broadcast_in_dim3A_483 = vector.broadcast %broadcast_in_dim3A_482 : i32 to vector<16xi32>
        %and3A_484 = arith.andi %get3A_470, %broadcast_in_dim3A_483 : vector<16xi32>
        %swap3A_485 = arith.constant 0 : i32
        %swap3A_486 = arith.constant 0 : i32
        %swap3A_487 = tpu.memref_slice %arg7[%swap3A_485, %swap3A_486] : memref<2x128xi32, #tpu.memory_space<vmem>> -> memref<1x128xi32, #tpu.memory_space<vmem>>
        %swap3A_488 = tpu.memref_squeeze %swap3A_487 : memref<1x128xi32, #tpu.memory_space<vmem>> -> memref<128xi32, #tpu.memory_space<vmem>>
        %swap3A_489 = arith.constant 96 : index
        %swap3A_490 = tpu.vector_load %swap3A_488[%swap3A_489] {strides = array<i32>} : memref<128xi32, #tpu.memory_space<vmem>>, vector<16xi32>,
        %swap3A_491 = vector.shape_cast %swap3A_490 : vector<16xi32> to vector<16xi32>
        %swap3A_492 = vector.shape_cast %and3A_484 : vector<16xi32> to vector<16xi32>
        tpu.vector_store %swap3A_488[%swap3A_489], %swap3A_492 {strides = array<i32>} : memref<128xi32, #tpu.memory_space<vmem>>, vector<16xi32>,
        %get3A_493 = arith.index_cast %add3A_310 : i32 to index
        %get3A_494 = arith.constant 112 : index
        %get3A_495 = tpu.vector_load %arg5[%get3A_493, %get3A_494] {strides = array<i32>} : memref<80x128xi32, #tpu.memory_space<vmem>>, vector<1x16xi32>,
        %get3A_496 = vector.shape_cast %get3A_495 : vector<1x16xi32> to vector<16xi32>
        %broadcast_in_dim3A_497 = arith.constant 14 : i32
        %broadcast_in_dim3A_498 = vector.broadcast %broadcast_in_dim3A_497 : i32 to vector<16xi32>
        %shift_right_logical3A_499 = arith.shrui %get3A_496, %broadcast_in_dim3A_498 : vector<16xi32>
        %swap3A_500 = arith.constant 0 : i32
        %swap3A_501 = arith.constant 0 : i32
        %swap3A_502 = tpu.memref_slice %arg6[%swap3A_500, %swap3A_501] : memref<2x128xi32, #tpu.memory_space<vmem>> -> memref<1x128xi32, #tpu.memory_space<vmem>>
        %swap3A_503 = tpu.memref_squeeze %swap3A_502 : memref<1x128xi32, #tpu.memory_space<vmem>> -> memref<128xi32, #tpu.memory_space<vmem>>
        %swap3A_504 = arith.constant 112 : index
        %swap3A_505 = tpu.vector_load %swap3A_503[%swap3A_504] {strides = array<i32>} : memref<128xi32, #tpu.memory_space<vmem>>, vector<16xi32>,
        %swap3A_506 = vector.shape_cast %swap3A_505 : vector<16xi32> to vector<16xi32>
        %swap3A_507 = vector.shape_cast %shift_right_logical3A_499 : vector<16xi32> to vector<16xi32>
        tpu.vector_store %swap3A_503[%swap3A_504], %swap3A_507 {strides = array<i32>} : memref<128xi32, #tpu.memory_space<vmem>>, vector<16xi32>,
        %broadcast_in_dim3A_508 = arith.constant 16383 : i32
        %broadcast_in_dim3A_509 = vector.broadcast %broadcast_in_dim3A_508 : i32 to vector<16xi32>
        %and3A_510 = arith.andi %get3A_496, %broadcast_in_dim3A_509 : vector<16xi32>
        %swap3A_511 = arith.constant 0 : i32
        %swap3A_512 = arith.constant 0 : i32
        %swap3A_513 = tpu.memref_slice %arg7[%swap3A_511, %swap3A_512] : memref<2x128xi32, #tpu.memory_space<vmem>> -> memref<1x128xi32, #tpu.memory_space<vmem>>
        %swap3A_514 = tpu.memref_squeeze %swap3A_513 : memref<1x128xi32, #tpu.memory_space<vmem>> -> memref<128xi32, #tpu.memory_space<vmem>>
        %swap3A_515 = arith.constant 112 : index
        %swap3A_516 = tpu.vector_load %swap3A_514[%swap3A_515] {strides = array<i32>} : memref<128xi32, #tpu.memory_space<vmem>>, vector<16xi32>,
        %swap3A_517 = vector.shape_cast %swap3A_516 : vector<16xi32> to vector<16xi32>
        %swap3A_518 = vector.shape_cast %and3A_510 : vector<16xi32> to vector<16xi32>
        tpu.vector_store %swap3A_514[%swap3A_515], %swap3A_518 {strides = array<i32>} : memref<128xi32, #tpu.memory_space<vmem>>, vector<16xi32>,
        %dma_start3A_519 = arith.constant 0 : i32
        %dma_start3A_520 = arith.constant 0 : i32
        %dma_start3A_521 = arith.constant 0 : i32
        %dma_start3A_522 = arith.constant 0 : i32
        %dma_start3A_523 = arith.constant 0 : i32
        %dma_start3A_524 = tpu.memref_slice %arg8[%dma_start3A_520, %dma_start3A_522, %dma_start3A_523] : memref<2x128x128xf32, #tpu.memory_space<vmem>> -> memref<1x128x128xf32, #tpu.memory_space<vmem>>
        %dma_start3A_525 = tpu.memref_squeeze %dma_start3A_524 : memref<1x128x128xf32, #tpu.memory_space<vmem>> -> memref<128x128xf32, #tpu.memory_space<vmem>>
        %dma_start3A_526 = arith.constant 0 : i32
        %dma_start3A_527 = tpu.memref_slice %arg6[%dma_start3A_519, %dma_start3A_526] : memref<2x128xi32, #tpu.memory_space<vmem>> -> memref<1x128xi32, #tpu.memory_space<vmem>>
        %dma_start3A_528 = tpu.memref_squeeze %dma_start3A_527 : memref<1x128xi32, #tpu.memory_space<vmem>> -> memref<128xi32, #tpu.memory_space<vmem>>
        %dma_start3A_529 = arith.constant 0 : i32
        %dma_start3A_530 = arith.constant 0 : i32
        %dma_start3A_531 = tpu.memref_slice %arg2[%dma_start3A_529, %dma_start3A_530] : memref<10240x128xf32, #tpu.memory_space<hbm>> -> memref<10240x128xf32, #tpu.memory_space<hbm>>
        %dma_start3A_532 = tpu.memref_slice %arg10[%dma_start3A_521] : memref<2x!tpu.dma_semaphore, #tpu.memory_space<semaphore_mem>> -> memref<1x!tpu.dma_semaphore, #tpu.memory_space<semaphore_mem>>
        %dma_start3A_533 = tpu.memref_squeeze %dma_start3A_532 : memref<1x!tpu.dma_semaphore, #tpu.memory_space<semaphore_mem>> -> memref<!tpu.dma_semaphore, #tpu.memory_space<semaphore_mem>>
        tpu.enqueue_indirect_dma source(%dma_start3A_531 : memref<10240x128xf32, #tpu.memory_space<hbm>>) target(%dma_start3A_525 : memref<128x128xf32, #tpu.memory_space<vmem>>) offsets(%dma_start3A_528 : memref<128xi32, #tpu.memory_space<vmem>>) semaphore(%dma_start3A_533 : memref<!tpu.dma_semaphore, #tpu.memory_space<semaphore_mem>>)
      } else {
      }
      %dma_wait3A_292 = arith.constant 1 : i32
      %dma_wait3A_293 = arith.constant 1 : i32
      %dma_wait3A_294 = arith.constant 1 : i32
      %dma_wait3A_295 = arith.constant 0 : i32
      %dma_wait3A_296 = arith.constant 0 : i32
      %dma_wait3A_297 = tpu.memref_slice %arg8[%dma_wait3A_293, %dma_wait3A_295, %dma_wait3A_296] : memref<2x128x128xf32, #tpu.memory_space<vmem>> -> memref<1x128x128xf32, #tpu.memory_space<vmem>>
      %dma_wait3A_298 = tpu.memref_squeeze %dma_wait3A_297 : memref<1x128x128xf32, #tpu.memory_space<vmem>> -> memref<128x128xf32, #tpu.memory_space<vmem>>
      %dma_wait3A_299 = arith.constant 0 : i32
      %dma_wait3A_300 = tpu.memref_slice %arg6[%dma_wait3A_292, %dma_wait3A_299] : memref<2x128xi32, #tpu.memory_space<vmem>> -> memref<1x128xi32, #tpu.memory_space<vmem>>
      %dma_wait3A_301 = tpu.memref_squeeze %dma_wait3A_300 : memref<1x128xi32, #tpu.memory_space<vmem>> -> memref<128xi32, #tpu.memory_space<vmem>>
      %dma_wait3A_302 = arith.constant 0 : i32
      %dma_wait3A_303 = arith.constant 0 : i32
      %dma_wait3A_304 = tpu.memref_slice %arg2[%dma_wait3A_302, %dma_wait3A_303] : memref<10240x128xf32, #tpu.memory_space<hbm>> -> memref<10240x128xf32, #tpu.memory_space<hbm>>
      %dma_wait3A_305 = tpu.memref_slice %arg10[%dma_wait3A_294] : memref<2x!tpu.dma_semaphore, #tpu.memory_space<semaphore_mem>> -> memref<1x!tpu.dma_semaphore, #tpu.memory_space<semaphore_mem>>
      %dma_wait3A_306 = tpu.memref_squeeze %dma_wait3A_305 : memref<1x!tpu.dma_semaphore, #tpu.memory_space<semaphore_mem>> -> memref<!tpu.dma_semaphore, #tpu.memory_space<semaphore_mem>>
      tpu.wait_indirect_dma semaphore(%dma_wait3A_306 : memref<!tpu.dma_semaphore, #tpu.memory_space<semaphore_mem>>) src(%dma_wait3A_304 : memref<10240x128xf32, #tpu.memory_space<hbm>>) dst(%dma_wait3A_298 : memref<128x128xf32, #tpu.memory_space<vmem>>)
      %run_scoped3A_307 = arith.constant 1 : i32
      %run_scoped3A_308 = arith.constant 1 : i32
      "tpu.region"() ({
        %run_scoped3A_309 = tpu.sem_alloc : memref<!tpu.dma_semaphore, #tpu.memory_space<semaphore_mem>>
        %dma_start3A_310 = arith.constant 0 : i32
        %dma_start3A_311 = arith.constant 0 : i32
        %dma_start3A_312 = tpu.memref_slice %arg8[%run_scoped3A_307, %dma_start3A_310, %dma_start3A_311] : memref<2x128x128xf32, #tpu.memory_space<vmem>> -> memref<1x128x128xf32, #tpu.memory_space<vmem>>
        %dma_start3A_313 = tpu.memref_squeeze %dma_start3A_312 : memref<1x128x128xf32, #tpu.memory_space<vmem>> -> memref<128x128xf32, #tpu.memory_space<vmem>>
        %dma_start3A_314 = arith.constant 0 : i32
        %dma_start3A_315 = tpu.memref_slice %arg7[%run_scoped3A_308, %dma_start3A_314] : memref<2x128xi32, #tpu.memory_space<vmem>> -> memref<1x128xi32, #tpu.memory_space<vmem>>
        %dma_start3A_316 = tpu.memref_squeeze %dma_start3A_315 : memref<1x128xi32, #tpu.memory_space<vmem>> -> memref<128xi32, #tpu.memory_space<vmem>>
        %dma_start3A_317 = arith.constant 0 : i32
        %dma_start3A_318 = arith.constant 0 : i32
        %dma_start3A_319 = tpu.memref_slice %arg9[%dma_start3A_317, %dma_start3A_318] : memref<10240x128xf32, #tpu.memory_space<vmem_shared>> -> memref<10240x128xf32, #tpu.memory_space<vmem_shared>>
        tpu.enqueue_indirect_dma source(%dma_start3A_313 : memref<128x128xf32, #tpu.memory_space<vmem>>) target(%dma_start3A_319 : memref<10240x128xf32, #tpu.memory_space<vmem_shared>>) offsets(%dma_start3A_316 : memref<128xi32, #tpu.memory_space<vmem>>) semaphore(%run_scoped3A_309 : memref<!tpu.dma_semaphore, #tpu.memory_space<semaphore_mem>>) {add = true}
        %dma_wait3A_320 = arith.constant 0 : i32
        %dma_wait3A_321 = arith.constant 0 : i32
        %dma_wait3A_322 = tpu.memref_slice %arg8[%run_scoped3A_307, %dma_wait3A_320, %dma_wait3A_321] : memref<2x128x128xf32, #tpu.memory_space<vmem>> -> memref<1x128x128xf32, #tpu.memory_space<vmem>>
        %dma_wait3A_323 = tpu.memref_squeeze %dma_wait3A_322 : memref<1x128x128xf32, #tpu.memory_space<vmem>> -> memref<128x128xf32, #tpu.memory_space<vmem>>
        %dma_wait3A_324 = arith.constant 0 : i32
        %dma_wait3A_325 = tpu.memref_slice %arg7[%run_scoped3A_308, %dma_wait3A_324] : memref<2x128xi32, #tpu.memory_space<vmem>> -> memref<1x128xi32, #tpu.memory_space<vmem>>
        %dma_wait3A_326 = tpu.memref_squeeze %dma_wait3A_325 : memref<1x128xi32, #tpu.memory_space<vmem>> -> memref<128xi32, #tpu.memory_space<vmem>>
        %dma_wait3A_327 = arith.constant 0 : i32
        %dma_wait3A_328 = arith.constant 0 : i32
        %dma_wait3A_329 = tpu.memref_slice %arg9[%dma_wait3A_327, %dma_wait3A_328] : memref<10240x128xf32, #tpu.memory_space<vmem_shared>> -> memref<10240x128xf32, #tpu.memory_space<vmem_shared>>
        tpu.wait_indirect_dma semaphore(%run_scoped3A_309 : memref<!tpu.dma_semaphore, #tpu.memory_space<semaphore_mem>>) src(%dma_wait3A_323 : memref<128x128xf32, #tpu.memory_space<vmem>>) dst(%dma_wait3A_329 : memref<10240x128xf32, #tpu.memory_space<vmem_shared>>)
        tpu.yield
      }) : () -> ()
    }
    %scan3A_252 = arith.constant 40 : i32
    %barrier3A_253 = arith.constant 0 : index
    tpu.barrier barrier_id(%barrier3A_253)
    %mul3A_254 = arith.constant 640 : i32
    %mul3A_255 = arith.muli %arg1, %mul3A_254 : i32
    "tpu.region"() ({
      %run_scoped3A_256 = tpu.sem_alloc : memref<!tpu.dma_semaphore, #tpu.memory_space<semaphore_mem>>
      %dma_start3A_257 = arith.constant 0 : i32
      %dma_start3A_258 = tpu.memref_slice %arg4[%arg0, %mul3A_255, %dma_start3A_257] : memref<2x10240x128xf32, #tpu.memory_space<hbm>> -> memref<1x640x128xf32, #tpu.memory_space<hbm>>
      %dma_start3A_259 = tpu.memref_squeeze %dma_start3A_258 : memref<1x640x128xf32, #tpu.memory_space<hbm>> -> memref<640x128xf32, #tpu.memory_space<hbm>>
      %dma_start3A_260 = arith.constant 0 : i32
      %dma_start3A_261 = tpu.memref_slice %arg9[%mul3A_255, %dma_start3A_260] : memref<10240x128xf32, #tpu.memory_space<vmem_shared>> -> memref<640x128xf32, #tpu.memory_space<vmem_shared>>
      tpu.enqueue_dma source(%dma_start3A_261 : memref<640x128xf32, #tpu.memory_space<vmem_shared>>) target(%dma_start3A_259 : memref<640x128xf32, #tpu.memory_space<hbm>>) target_semaphore(%run_scoped3A_256 : memref<!tpu.dma_semaphore, #tpu.memory_space<semaphore_mem>>)
      %dma_wait3A = arith.constant 0 : i32
      %dma_wait3A_262 = tpu.memref_slice %arg4[%arg0, %mul3A_255, %dma_wait3A] : memref<2x10240x128xf32, #tpu.memory_space<hbm>> -> memref<1x640x128xf32, #tpu.memory_space<hbm>>
      %dma_wait3A_263 = tpu.memref_squeeze %dma_wait3A_262 : memref<1x640x128xf32, #tpu.memory_space<hbm>> -> memref<640x128xf32, #tpu.memory_space<hbm>>
      %dma_wait3A_264 = arith.constant 0 : i32
      %dma_wait3A_265 = tpu.memref_slice %arg9[%mul3A_255, %dma_wait3A_264] : memref<10240x128xf32, #tpu.memory_space<vmem_shared>> -> memref<640x128xf32, #tpu.memory_space<vmem_shared>>
      tpu.wait_dma2 semaphore(%run_scoped3A_256 : memref<!tpu.dma_semaphore, #tpu.memory_space<semaphore_mem>>) src(%dma_wait3A_265 : memref<640x128xf32, #tpu.memory_space<vmem_shared>>) dst(%dma_wait3A_263 : memref<640x128xf32, #tpu.memory_space<hbm>>)
      tpu.yield
    }) : () -> ()
    return
  }
}

module attributes {stable_mosaic.version = 14 : i64} {
  func.func @_prescale_body(%arg0: memref<10000x128xf32, #tpu.memory_space<vmem>>, %arg1: memref<10240x2xf32, #tpu.memory_space<vmem>>, %arg2: memref<10240x128xf32, #tpu.memory_space<vmem>>) attributes {dimension_semantics = [], scalar_prefetch = 0 : i64, scratch_operands = 0 : i64, tpu.core_type = #tpu.core_type<tc>} {
    %get3A = arith.constant 0 : index
    %get3A_0 = arith.constant 0 : index
    %get3A_1 = vector.load %arg1[%get3A, %get3A_0] : memref<10240x2xf32, #tpu.memory_space<vmem>>, vector<10240x2xf32>
    %slice3A = vector.extract_strided_slice %get3A_1 {offsets = [0, 0], sizes = [10240, 1], strides = [1, 1]} : vector<10240x2xf32> to vector<10240x1xf32>
    %slice3A_2 = vector.extract_strided_slice %get3A_1 {offsets = [0, 1], sizes = [10240, 1], strides = [1, 1]} : vector<10240x2xf32> to vector<10240x1xf32>
    %add3A = arith.addf %slice3A, %slice3A_2 : vector<10240x1xf32>
    %max3A = arith.constant 1.000000e+00 : f32
    %max3A_3 = vector.broadcast %max3A : f32 to vector<10240x1xf32>
    %max3A_4 = arith.maximumf %add3A, %max3A_3 : vector<10240x1xf32>
    %rsqrt3A = math.rsqrt %max3A_4 : vector<10240x1xf32>
    %get3A_5 = arith.constant 0 : index
    %get3A_6 = arith.constant 0 : index
    %get3A_7 = vector.load %arg0[%get3A_5, %get3A_6] : memref<10000x128xf32, #tpu.memory_space<vmem>>, vector<10000x128xf32>
    %slice3A_8 = vector.extract_strided_slice %rsqrt3A {offsets = [0, 0], sizes = [10000, 1], strides = [1, 1]} : vector<10240x1xf32> to vector<10000x1xf32>
    %mul3A = vector.broadcast %slice3A_8 : vector<10000x1xf32> to vector<10000x128xf32>
    %mul3A_9 = arith.mulf %get3A_7, %mul3A : vector<10000x128xf32>
    %swap3A = arith.constant 0 : index
    %swap3A_10 = arith.constant 0 : index
    %swap3A_11 = vector.load %arg2[%swap3A, %swap3A_10] : memref<10240x128xf32, #tpu.memory_space<vmem>>, vector<10000x128xf32>
    tpu.vector_store %arg2[%swap3A, %swap3A_10], %mul3A_9 {strides = array<i32>} : memref<10240x128xf32, #tpu.memory_space<vmem>>, vector<10000x128xf32>,
    %broadcast_in_dim3A = arith.constant 0.000000e+00 : f32
    %broadcast_in_dim3A_12 = vector.broadcast %broadcast_in_dim3A : f32 to vector<240x128xf32>
    %swap3A_13 = arith.constant 10000 : index
    %swap3A_14 = arith.constant 0 : index
    %swap3A_15 = vector.load %arg2[%swap3A_13, %swap3A_14] : memref<10240x128xf32, #tpu.memory_space<vmem>>, vector<240x128xf32>
    tpu.vector_store %arg2[%swap3A_13, %swap3A_14], %broadcast_in_dim3A_12 {strides = array<i32>} : memref<10240x128xf32, #tpu.memory_space<vmem>>, vector<240x128xf32>,
    return
  }
}

module attributes {stable_mosaic.version = 14 : i64} {
  func.func @_postscale_body(%arg0: memref<2x10240x128xf32, #tpu.memory_space<vmem>>, %arg1: memref<10240x2xf32, #tpu.memory_space<vmem>>, %arg2: memref<10000x128xf32, #tpu.memory_space<vmem>>) attributes {dimension_semantics = [], scalar_prefetch = 0 : i64, scratch_operands = 0 : i64, tpu.core_type = #tpu.core_type<tc>} {
    %get3A = arith.constant 0 : index
    %get3A_0 = arith.constant 0 : index
    %get3A_1 = vector.load %arg1[%get3A, %get3A_0] : memref<10240x2xf32, #tpu.memory_space<vmem>>, vector<10240x2xf32>
    %slice3A = vector.extract_strided_slice %get3A_1 {offsets = [0, 0], sizes = [10240, 1], strides = [1, 1]} : vector<10240x2xf32> to vector<10240x1xf32>
    %slice3A_2 = vector.extract_strided_slice %get3A_1 {offsets = [0, 1], sizes = [10240, 1], strides = [1, 1]} : vector<10240x2xf32> to vector<10240x1xf32>
    %add3A = arith.addf %slice3A, %slice3A_2 : vector<10240x1xf32>
    %max3A = arith.constant 1.000000e+00 : f32
    %max3A_3 = vector.broadcast %max3A : f32 to vector<10240x1xf32>
    %max3A_4 = arith.maximumf %add3A, %max3A_3 : vector<10240x1xf32>
    %rsqrt3A = math.rsqrt %max3A_4 : vector<10240x1xf32>
    %slice3A_5 = vector.extract_strided_slice %rsqrt3A {offsets = [0, 0], sizes = [10000, 1], strides = [1, 1]} : vector<10240x1xf32> to vector<10000x1xf32>
    %get3A_6 = arith.constant 0 : index
    %get3A_7 = arith.constant 0 : index
    %get3A_8 = arith.constant 0 : index
    %get3A_9 = vector.load %arg0[%get3A_6, %get3A_7, %get3A_8] : memref<2x10240x128xf32, #tpu.memory_space<vmem>>, vector<1x10240x128xf32>
    %get3A_10 = vector.shape_cast %get3A_9 : vector<1x10240x128xf32> to vector<10240x128xf32>
    %get3A_11 = arith.constant 1 : index
    %get3A_12 = arith.constant 0 : index
    %get3A_13 = arith.constant 0 : index
    %get3A_14 = vector.load %arg0[%get3A_11, %get3A_12, %get3A_13] : memref<2x10240x128xf32, #tpu.memory_space<vmem>>, vector<1x10240x128xf32>
    %get3A_15 = vector.shape_cast %get3A_14 : vector<1x10240x128xf32> to vector<10240x128xf32>
    %add3A_16 = arith.addf %get3A_10, %get3A_15 : vector<10240x128xf32>
    %slice3A_17 = vector.extract_strided_slice %add3A_16 {offsets = [0, 0], sizes = [10000, 128], strides = [1, 1]} : vector<10240x128xf32> to vector<10000x128xf32>
    %mul3A = vector.broadcast %slice3A_5 : vector<10000x1xf32> to vector<10000x128xf32>
    %mul3A_18 = arith.mulf %mul3A, %slice3A_17 : vector<10000x128xf32>
    %swap3A = arith.constant 0 : index
    %swap3A_19 = arith.constant 0 : index
    %swap3A_20 = vector.load %arg2[%swap3A, %swap3A_19] : memref<10000x128xf32, #tpu.memory_space<vmem>>, vector<10000x128xf32>
    tpu.vector_store %arg2[%swap3A, %swap3A_19], %mul3A_18 {strides = array<i32>} : memref<10000x128xf32, #tpu.memory_space<vmem>>, vector<10000x128xf32>,
    return
  }
}

</mosaic_0001>

<sc_bundles>
// kernel: kernel.6.cloned.1.call-start
scs
__scs_entry_jumppad:
0x0: {  	(pc) =	sbr.rel $0x88, $3  }
0x1: {  	(tag) =	ssettag $0x0;
	lr =	simm.s32 $0x1  }
0x2: {  	[smem:$0x3F9F] =	sst lr;
	_ =	strace $0xD0000000  }
0x3: {  	_ = 	snop  }
0x4: {  	_ = 	snop  }
0x5: {  	_ = 	snop  }
0x6: {  	_ = 	snop  }
0x7: {  	_ = 	snop  }
__scs_overlays_trampoline_lowered:
0x8: {  	[smem:$0x3FAE] =	sst s0  }
0x9: {  	[smem:$0x3FAF] =	sst s1  }
0xa: {  	[smem:$0x3FB0] =	sst s2  }
0xb: {  	[smem:$0x3FB1] =	sst s3  }
0xc: {  	[smem:$0x3FB2] =	sst s4  }
0xd: {  	[smem:$0x3FB3] =	sst s5  }
0xe: {  	[smem:$0x3FB4] =	sst s6  }
0xf: {  	[smem:$0x3FB5] =	sst s7  }
0x10: {  	[smem:$0x3FB6] =	sst s8  }
0x11: {  	[smem:$0x3FB7] =	sst s9;
	s0 =	simm.s32 @!p0 $0x0  }
0x12: {  	s1 =	sld [smem:$0x3F9D];
	s0 =	simm.s32 @p0 $0x1  }
0x13: {  	[smem:$0x3FB8] =	sst s0;
	s0 =	simm.s32 @!p1 $0x0  }
0x14: {  	s2 =	sld [smem:$0x3F9C];
	s0 =	simm.s32 @p1 $0x1  }
0x15: {  	[smem:$0x3FB9] =	sst s0;
	s0 =	simm.s32 @!p2 $0x0  }
0x16: {  	s3 =	sld [smem:$0x3FDB];
	s0 =	simm.s32 @p2 $0x1  }
0x17: {  	s4 =	simm.s32 $0x1BF5;
	[smem:$0x3FBB] =	sst s0  }
0x18: {  	s0 =	sld [smem:$0x3F9E];
	_ =	swait.ge [sflag:s4], $0x0  }
0x19: {  	s7 =	sld [smem:$0x3F9F]  }
0x1a: {  	s8 =	sadd.s32 $0xFFFFE003, lr  }
0x1b: {  	s9 =	sadd.s32 $0xFFFFFEF7, lr;
	s5 =	simm.s32 $0xFFFFFFFF;
	p2 =	slt.u32 s8, $0xFFFFF086  }
0x1c: {  	p1 =	slt.u32 s9, $0xF7A;
	s5 =	simm.s32 @!p2 $0x0  }
0x1d: {  	s5 =	simm.s32 @p1 $0x1;
	p0 =	seq.s32 s7, s2  }
0x1e: {  	s7 =	smul.u32 @!p0 $0xF7A, s2;
	p2 =	seq.s32 @!p0 s5, $0x0  }
0x1f: {  	s9 =	smul.u32 $0xF7A, s1;
	s8 =	simm.s32 @!p0 $0x1BF5;
	p2 =	por !p2, p0  }
0x20: {  	[sflag:s8] =	ssyncset.s32 @!p0 $0xFFFFF086;
	s6 =	sadd.s32 @!p0 s3, s7;
	s7 =	simm.s32 @!p0 $0x108  }
0x21: {  	s3 =	sadd.s32 s3, s9;
	s6 =	sadd.s32 @!p0 $0x88, s6;
	s7 =	simm.s32 @p2 $0x1082  }
0x22: {  	[simem:s7], [sflag:s8] =	dma.local @!p0 [hbm:s6], $0xF7A  }
0x23: {  	s9 =	sor.u32 $0xD0000000, s2;
	s6 =	simm.s32 $0x108;
	_ =	swait.ge @!p0 [sflag:s8], $0x0  }
0x24: {  	s3 =	sadd.s32 $0x88, s3;
	s6 =	simm.s32 @!p1 $0x1082;
	[sflag:s4] =	ssyncset.s32 $0xFFFFF086  }
0x25: {  	[simem:s6], [sflag:s4] =	dma.local [hbm:s3], $0xF7A  }
0x26: {  	[smem:$0x3F9F] =	sst s1;
	(tag) =	ssettag s2;
	_ =	strace s9  }
0x27: {  	s1 =	sld [smem:$0x3FAF]  }
0x28: {  	s2 =	sld [smem:$0x3FB0]  }
0x29: {  	s4 =	sld [smem:$0x3FB2]  }
0x2a: {  	p0 =	seq.s32 s5, $0x0;
	s5 =	sld [smem:$0x3FB3]  }
0x2b: {  	s6 =	sld [smem:$0x3FB4]  }
0x2c: {  	s7 =	sld [smem:$0x3FB5]  }
0x2d: {  	s3 =	simm.s32 $0x108;
	s8 =	sld [smem:$0x3FB6]  }
0x2e: {  	s3 =	simm.s32 @!p0 $0x1082;
	s9 =	sld [smem:$0x3FB7]  }
0x2f: {  	lr =	sadd.s32 s0, s3;
	s0 =	sld [smem:$0x3FAE]  }
0x30: {  	s3 =	sld [smem:$0x3FB1]  }
0x31: {  	[smem:$0x3FBA] =	sst s10  }
0x32: {  	s10 =	sld [smem:$0x3FB8];
	_ =	sdelay $0x3  }
0x33: {  	p0 =	seq.s32 s10, $0x1;
	s10 =	sld [smem:$0x3FBA];
	_ =	sdelay $0x3  }
0x34: {  	[smem:$0x3FBA] =	sst s10  }
0x35: {  	s10 =	sld [smem:$0x3FB9];
	_ =	sdelay $0x3  }
0x36: {  	p1 =	seq.s32 s10, $0x1;
	s10 =	sld [smem:$0x3FBA];
	_ =	sdelay $0x3  }
0x37: {  	[smem:$0x3FBA] =	sst s10  }
0x38: {  	s10 =	sld [smem:$0x3FBB]  }
0x39: {  	_ = 	snop;
	(pc) =	sbr.ind lr, $3  }
0x3a: {  	_ = 	snop  }
0x3b: {  	_ = 	snop  }
0x3c: {  	p2 =	seq.s32 s10, $0x1;
	s10 =	sld [smem:$0x3FBA]  }
0x3d: {  	_ =	shalt  }
0x3e: {  	_ =	shalt  }
0x3f: {  	_ =	shalt  }
0x40: {  	_ =	shalt  }
0x41: {  	_ =	shalt  }
0x42: {  	_ =	shalt  }
0x43: {  	_ =	shalt  }
0x44: {  	_ =	shalt  }
0x45: {  	_ =	shalt  }
0x46: {  	_ =	shalt  }
0x47: {  	_ =	shalt  }
0x48: {  	_ =	shalt  }
0x49: {  	_ =	shalt  }
0x4a: {  	_ =	shalt  }
0x4b: {  	_ =	shalt  }
0x4c: {  	_ =	shalt  }
0x4d: {  	_ =	shalt  }
0x4e: {  	_ =	shalt  }
0x4f: {  	_ =	shalt  }
0x50: {  	_ =	shalt  }
0x51: {  	_ =	shalt  }
0x52: {  	_ =	shalt  }
0x53: {  	_ =	shalt  }
0x54: {  	_ =	shalt  }
0x55: {  	_ =	shalt  }
0x56: {  	_ =	shalt  }
0x57: {  	_ =	shalt  }
0x58: {  	_ =	shalt  }
0x59: {  	_ =	shalt  }
0x5a: {  	_ =	shalt  }
0x5b: {  	_ =	shalt  }
0x5c: {  	_ =	shalt  }
0x5d: {  	_ =	shalt  }
0x5e: {  	_ =	shalt  }
0x5f: {  	_ =	shalt  }
0x60: {  	_ =	shalt  }
0x61: {  	_ =	shalt  }
0x62: {  	_ =	shalt  }
0x63: {  	_ =	shalt  }
0x64: {  	_ =	shalt  }
0x65: {  	_ =	shalt  }
0x66: {  	_ =	shalt  }
0x67: {  	_ =	shalt  }
0x68: {  	_ =	shalt  }
0x69: {  	_ =	shalt  }
0x6a: {  	_ =	shalt  }
0x6b: {  	_ =	shalt  }
0x6c: {  	_ =	shalt  }
0x6d: {  	_ =	shalt  }
0x6e: {  	_ =	shalt  }
0x6f: {  	_ =	shalt  }
0x70: {  	_ =	shalt  }
0x71: {  	_ =	shalt  }
0x72: {  	_ =	shalt  }
0x73: {  	_ =	shalt  }
0x74: {  	_ =	shalt  }
0x75: {  	_ =	shalt  }
0x76: {  	_ =	shalt  }
0x77: {  	_ =	shalt  }
0x78: {  	_ =	shalt  }
0x79: {  	_ =	shalt  }
0x7a: {  	_ =	shalt  }
0x7b: {  	_ =	shalt  }
0x7c: {  	_ =	shalt  }
0x7d: {  	_ =	shalt  }
0x7e: {  	_ =	shalt  }
0x7f: {  	_ =	shalt  }
0x80: {  	_ =	shalt  }
0x81: {  	_ =	shalt  }
0x82: {  	_ =	shalt  }
0x83: {  	_ =	shalt  }
0x84: {  	_ =	shalt  }
0x85: {  	_ =	shalt  }
0x86: {  	_ =	shalt  }
0x87: {  	_ =	shalt  }
.Lfunc_end0:
.L_simem_size_0:
called_computation_lowered:
.L_overlay_start_0:
0x88: {  	s2 =	sld [smem:$0x3FD9]  }
0x89: {  	s3 =	sld [smem:$0x3FFE];
	_ =	sdelay $0x1  }
0x8a: {  	s1 =	srdreg.scid  }
0x8b: {  	s0 =	sand.u32 $0x1, s1  }
0x8c: {  	s17 =	sshll.u32 s0, $0xA;
	s2 =	sadd.s32 s3, s2  }
0x8d: {  	s2 =	sadd.s32 s2, s17  }
0x8e: {  	[smem:$0x3FC6] =	sst s2  }
0x8f: {  	_ = 	snop  }
0x90: {  	s2 =	sld [smem:$0x3FD0];
	(tm) =	ssettm $0x1  }
0x91: {  	s18 =	sld [smem:$0x3FFB];
	_ =	sdelay $0x3  }
0x92: {  	_ =	strace s18  }
0x93: {  	s3 =	sld [smem:$0x3FFC];
	_ =	sdelay $0x3  }
0x94: {  	_ =	strace s3  }
0x95: {  	s3 =	sld [smem:$0x3FFD];
	_ =	sdelay $0x3  }
0x96: {  	_ =	strace s3  }
0x97: {  	_ =	strace $0x8FFFFFFF  }
0x98: {  	s19 =	sld [smem:$0x3FDB];
	_ =	sdelay $0x1  }
0x99: {  	s4 =	simm.s32 $_scs_section_size  }
0x9a: {  	s5 =	simm.s32 $_size__tile_overlayer_lowered;
	s6 =	simm.s32 $_tile_overlayer_lowered  }
0x9b: {  	s22 =	simm.s32 $0x1BFF;
	s21 =	sshll.u32 s6, $0x1;
	s3 =	sadd.s32 s4, s19  }
0x9c: {  	s7 =	simm.s32 $0x0;
	s20 =	sshll.u32 s5, $0x1;
	s5 =	sadd.s32 s21, s3  }
0x9d: {  	[timem:s7], [sflag:s22] =	dma.local [hbm:s5], s20  }
0x9e: {  	_ =	swait.ge [sflag:s22], s20  }
0x9f: {  	s4 =	ssub.s32 $0x0, s20;
	[sflag:s22] =	ssyncset.done $0x0  }
0xa0: {  	[sflag:s22] =	ssyncadd.s32 s4;
	_ =	sdelay $0x1  }
0xa1: {  	s23 =	simm.s32 $0x1B8B  }
0xa2: {  	_ =	swait.ge [sflag:s23], $0x1  }
0xa3: {  	[sflag:s23] =	ssyncset.done $0x0  }
0xa4: {  	s25 =	simm.s32 $0x1B8E;
	s24 =	sld [smem:$0x3FFE];
	[sflag:s23] =	ssyncadd.s32 $0xFFFFFFFF  }
0xa5: {  	s26 =	simm.s32 $execute0_lowered;
	[smem:$0x3FD2] =	sst s25  }
0xa6: {  	s5 =	sshll.u32 s26, $0x1;
	_ =	strace $0x80000046;
	[dreg:$0x1] =	wrdreg $0xFFFFFFFF  }
0xa7: {  	s28 =	simm.s32 $_size_execute0_lowered;
	s3 =	sadd.s32 s3, s5;
	[dreg:$0x0] =	wrdreg $0x0  }
0xa8: {  	s5 =	sshll.u32 s28, $0x1;
	[dreg:$0x2] =	wrdreg s3  }
0xa9: {  	[dreg:$0x3] =	wrdreg s5  }
0xaa: {  	[dreg:$0x4] =	wrdreg $0xC0  }
0xab: {  	_ =	task [dreg:s7], $0x5FFFF  }
0xac: {  	[dreg:$0x1] =	wrdreg $0xFFFFFFFF  }
0xad: {  	[dreg:$0x0] =	wrdreg $0x60  }
0xae: {  	[dreg:$0x2] =	wrdreg s2  }
0xaf: {  	[dreg:$0x3] =	wrdreg s24  }
0xb0: {  	[dreg:$0x4] =	wrdreg $0x2E000  }
0xb1: {  	[dreg:$0x5] =	wrdreg $0x30800  }
0xb2: {  	[dreg:$0x6] =	wrdreg $0x9  }
0xb3: {  	_ =	task.clear_ibuf [dreg:s7], $0x7FFFF;
	_ =	strace $0x90000046  }
0xb4: {  	s29 =	simm.s32 $0x9;
	_ =	strace $0x80000048  }
0xb5: {  	_ =	swait.ge [sflag:s29], $0x1  }
0xb6: {  	[sflag:s29] =	ssyncadd.s32 $0xFFFFFFFF  }
0xb7: {  	_ =	strace $0x90000048  }
0xb8: {  	_ =	sfence  }
0xb9: {  	s30 =	sld [smem:$0x0];
	_ =	sdelay $0x2  }
0xba: {  	s31 =	sshll.u32 s1, $0xD;
	s1 =	sshrl.u32 s1, $0x2  }
0xbb: {  	s3 =	sand.u32 $0x4000, s31;
	s1 =	sadd.s32 s1, s30  }
0xbc: {  	s0 =	sor.u32 s3, s0;
	s1 =	sshll.u32 s1, $0x11  }
0xbd: {  	s0 =	sor.u32 s1, s0  }
0xbe: {  	s0 =	sadd.s32 $0x8F2B, s0  }
0xbf: {  	[sflag:s0] =	ssyncadd.remote.s32 $0x1  }
0xc0: {  	_ =	sfence.sel $0xFFFF  }
0xc1: {  	[dreg:$0x0] =	wrdreg $0xFFFFFFFF;
	(pc) =	sbr.abs _section_cstart, $3  }
0xc2: {  	[dreg:$0x1] =	wrdreg $0xFFFFFFFF  }
0xc3: {  	_ =	task.clear_ibuf [dreg:s7], $0x2FFFF;
	_ =	strace $0x9FFFFFFF  }
0xc4: {  	(tm) =	ssettm $0x7FFFFFFF  }
0xc5: {  	_ =	shalt  }
tec
execute0_lowered:
.L_overlay_start_1:
0x0: {  	(tag) =	ssettag $0x1  }
0x1: {  	s15 =	rddreg [dreg:$0x0]  }
0x2: {  	s5 =	rddreg [dreg:$0x1]  }
0x3: {  	s1 =	srdreg.scid;
	s2 =	rddreg [dreg:$0x2]  }
0x4: {  	s0 =	stileid.u32;
	s3 =	rddreg [dreg:$0x3];
	s4 =	simm.s32 $0x0  }
0x5: {  	s19 =	simm.s32 $0x2C00;
	s20 =	simm.s32 $0x1;
	s21 =	simm.s32 $0x200  }
0x6: {  	s22 =	simm.s32 $0x2A00;
	s23 =	simm.s32 $0x2800;
	s24 =	simm.s32 $0x0  }
0x7: {  	s6 =	sand.u32 $0x1, s1;
	s13 =	smul.u32 $0x280, s0;
	s1 =	rddreg [dreg:$0x4]  }
0x8: {  	[smem:$0x7FF] =	sst s4;
	s7 =	smul.u32 $0x2800, s6;
	s8 =	ssub.s32 $0x2, s6  }
0x9: {  	_ =	strace $0x80000047;
	s6 =	sshll.u32 s6, $0x4;
	s30 =	sshrl.u32 s8, $0x1  }
0xa: {  	s11 =	sor.u32 s0, s6;
	s6 =	sadd.s32 s13, s3;
	s31 =	sadd.s32 $0x80, s13  }
0xb: {  	s10 =	sadd.s32 $0x100, s13;
	s12 =	sadd.s32 $0x180, s13;
	s14 =	sadd.s32 $0x200, s13  }
0xc: {  	s7 =	sadd.s32 s13, s7;
	s18 =	ssub.s32 s8, s30;
	s8 =	sadd.s32 s31, s3  }
0xd: {  	s9 =	sadd.s32 s10, s2;
	s10 =	sadd.s32 s10, s3;
	s16 =	smul.u32 $0x500, s11  }
0xe: {  	s11 =	sadd.s32 s12, s2;
	s12 =	sadd.s32 s12, s3;
	s7 =	sshrl.u32 s7, $0x3  }
0xf: {  	s18 =	smax.u32 s18, $0x1;
	s17 =	sadd.s32 s7, s5;
	s5 =	sadd.s32 s13, s2  }
0x10: {  	s7 =	sadd.s32 s31, s2;
	s13 =	sadd.s32 s14, s2;
	s14 =	sadd.s32 s14, s3  }
0x11: {  	v0 =	vimm.f32 $0.0e+00;
	v1 =	vimm.f32 $1.000000000e+00;
	s15 =	sadd.s32 s15, s16;
	s16 =	sadd.s32 $0x1C00, s17;
	s17 =	sadd.s32 $0x1200, s17  }
.LBB2_1:
0x12: {  	[tilespmem:$0x2C00] =	vst v0  }
0x13: {  	[tilespmem:$0x2C10] =	vst v0  }
0x14: {  	[tilespmem:$0x2C20] =	vst v0  }
0x15: {  	[tilespmem:$0x2C30] =	vst v0  }
0x16: {  	[tilespmem:$0x2C40] =	vst v0  }
0x17: {  	[tilespmem:$0x2C50] =	vst v0  }
0x18: {  	[tilespmem:$0x2C60] =	vst v0  }
0x19: {  	[tilespmem:$0x2C70] =	vst v0  }
0x1a: {  	[tilespmem:$0x2C80] =	vst v0  }
0x1b: {  	[tilespmem:$0x2C90] =	vst v0  }
0x1c: {  	[tilespmem:$0x2CA0] =	vst v0  }
0x1d: {  	[tilespmem:$0x2CB0] =	vst v0  }
0x1e: {  	[tilespmem:$0x2CC0] =	vst v0  }
0x1f: {  	[tilespmem:$0x2CD0] =	vst v0  }
0x20: {  	[tilespmem:$0x2CE0] =	vst v0  }
0x21: {  	[tilespmem:$0x2CF0] =	vst v0  }
0x22: {  	[tilespmem:$0x2D00] =	vst v0  }
0x23: {  	[tilespmem:$0x2D10] =	vst v0  }
0x24: {  	[tilespmem:$0x2D20] =	vst v0  }
0x25: {  	[tilespmem:$0x2D30] =	vst v0  }
0x26: {  	[tilespmem:$0x2D40] =	vst v0  }
0x27: {  	[tilespmem:$0x2D50] =	vst v0  }
0x28: {  	[tilespmem:$0x2D60] =	vst v0  }
0x29: {  	[tilespmem:$0x2D70] =	vst v0  }
0x2a: {  	[tilespmem:$0x2D80] =	vst v0  }
0x2b: {  	[tilespmem:$0x2D90] =	vst v0  }
0x2c: {  	[tilespmem:$0x2DA0] =	vst v0  }
0x2d: {  	[tilespmem:$0x2DB0] =	vst v0  }
0x2e: {  	[tilespmem:$0x2DC0] =	vst v0  }
0x2f: {  	[tilespmem:$0x2DD0] =	vst v0  }
0x30: {  	[tilespmem:$0x2DE0] =	vst v0  }
0x31: {  	[tilespmem:$0x2DF0] =	vst v0  }
0x32: {  	[spmem:s5] =	stream.linear.scatter [tilespmem:s19], [sflag:$0x1], $0x80, $0x38;
	[tilespmem:$0x3300] =	vst v63  }
0x33: {  	_ =	swait.ge [sflag:s20], $0x80  }
0x34: {  	[sflag:s20] =	ssyncset.done $0x0  }
0x35: {  	[sflag:s20] =	ssyncadd.s32 $0xFFFFFF80  }
0x36: {  	[spmem:s6] =	stream.linear.scatter [tilespmem:s19], [sflag:$0x1], $0x80, $0x38;
	[tilespmem:$0x3300] =	vst v63  }
0x37: {  	_ =	swait.ge [sflag:s20], $0x80  }
0x38: {  	[sflag:s20] =	ssyncset.done $0x0  }
0x39: {  	[sflag:s20] =	ssyncadd.s32 $0xFFFFFF80  }
0x3a: {  	[spmem:s7] =	stream.linear.scatter [tilespmem:s19], [sflag:$0x1], $0x80, $0x38;
	[tilespmem:$0x3300] =	vst v63  }
0x3b: {  	_ =	swait.ge [sflag:s20], $0x80  }
0x3c: {  	[sflag:s20] =	ssyncset.done $0x0  }
0x3d: {  	[sflag:s20] =	ssyncadd.s32 $0xFFFFFF80  }
0x3e: {  	[spmem:s8] =	stream.linear.scatter [tilespmem:s19], [sflag:$0x1], $0x80, $0x38;
	[tilespmem:$0x3300] =	vst v63  }
0x3f: {  	_ =	swait.ge [sflag:s20], $0x80  }
0x40: {  	[sflag:s20] =	ssyncset.done $0x0  }
0x41: {  	[sflag:s20] =	ssyncadd.s32 $0xFFFFFF80  }
0x42: {  	[spmem:s9] =	stream.linear.scatter [tilespmem:s19], [sflag:$0x1], $0x80, $0x38;
	[tilespmem:$0x3300] =	vst v63  }
0x43: {  	_ =	swait.ge [sflag:s20], $0x80  }
0x44: {  	[sflag:s20] =	ssyncset.done $0x0  }
0x45: {  	[sflag:s20] =	ssyncadd.s32 $0xFFFFFF80  }
0x46: {  	[spmem:s10] =	stream.linear.scatter [tilespmem:s19], [sflag:$0x1], $0x80, $0x38;
	[tilespmem:$0x3300] =	vst v63  }
0x47: {  	_ =	swait.ge [sflag:s20], $0x80  }
0x48: {  	[sflag:s20] =	ssyncset.done $0x0  }
0x49: {  	[sflag:s20] =	ssyncadd.s32 $0xFFFFFF80  }
0x4a: {  	[spmem:s11] =	stream.linear.scatter [tilespmem:s19], [sflag:$0x1], $0x80, $0x38;
	[tilespmem:$0x3300] =	vst v63  }
0x4b: {  	_ =	swait.ge [sflag:s20], $0x80  }
0x4c: {  	[sflag:s20] =	ssyncset.done $0x0  }
0x4d: {  	[sflag:s20] =	ssyncadd.s32 $0xFFFFFF80  }
0x4e: {  	[spmem:s12] =	stream.linear.scatter [tilespmem:s19], [sflag:$0x1], $0x80, $0x38;
	[tilespmem:$0x3300] =	vst v63  }
0x4f: {  	_ =	swait.ge [sflag:s20], $0x80  }
0x50: {  	[sflag:s20] =	ssyncset.done $0x0  }
0x51: {  	[sflag:s20] =	ssyncadd.s32 $0xFFFFFF80  }
0x52: {  	[spmem:s13] =	stream.linear.scatter [tilespmem:s19], [sflag:$0x1], $0x80, $0x38;
	[tilespmem:$0x3300] =	vst v63  }
0x53: {  	_ =	swait.ge [sflag:s20], $0x80  }
0x54: {  	[sflag:s20] =	ssyncset.done $0x0  }
0x55: {  	[sflag:s20] =	ssyncadd.s32 $0xFFFFFF80  }
0x56: {  	[spmem:s14] =	stream.linear.scatter [tilespmem:s19], [sflag:$0x1], $0x80, $0x38;
	[tilespmem:$0x3300] =	vst v63  }
0x57: {  	_ =	swait.ge [sflag:s20], $0x80  }
0x58: {  	[sflag:s20] =	ssyncset.done $0x0  }
0x59: {  	[sflag:s20] =	ssyncadd.s32 $0xFFFFFF80  }
0x5a: {  	[tilespmem:$0x2C00] =	vst v1  }
0x5b: {  	[tilespmem:$0x2C10] =	vst v1  }
0x5c: {  	[tilespmem:$0x2C20] =	vst v1  }
0x5d: {  	[tilespmem:$0x2C30] =	vst v1  }
0x5e: {  	[tilespmem:$0x2C40] =	vst v1  }
0x5f: {  	[tilespmem:$0x2C50] =	vst v1  }
0x60: {  	[tilespmem:$0x2C60] =	vst v1  }
0x61: {  	[tilespmem:$0x2C70] =	vst v1  }
0x62: {  	[tilespmem:$0x2C80] =	vst v1  }
0x63: {  	[tilespmem:$0x2C90] =	vst v1  }
0x64: {  	[tilespmem:$0x2CA0] =	vst v1  }
0x65: {  	[tilespmem:$0x2CB0] =	vst v1  }
0x66: {  	[tilespmem:$0x2CC0] =	vst v1  }
0x67: {  	[tilespmem:$0x2CD0] =	vst v1  }
0x68: {  	[tilespmem:$0x2CE0] =	vst v1  }
0x69: {  	[tilespmem:$0x2CF0] =	vst v1  }
0x6a: {  	[tilespmem:$0x2D00] =	vst v1  }
0x6b: {  	[tilespmem:$0x2D10] =	vst v1  }
0x6c: {  	[tilespmem:$0x2D20] =	vst v1  }
0x6d: {  	[tilespmem:$0x2D30] =	vst v1  }
0x6e: {  	[tilespmem:$0x2D40] =	vst v1  }
0x6f: {  	[tilespmem:$0x2D50] =	vst v1  }
0x70: {  	[tilespmem:$0x2D60] =	vst v1  }
0x71: {  	[tilespmem:$0x2D70] =	vst v1  }
0x72: {  	[tilespmem:$0x2D80] =	vst v1  }
0x73: {  	[tilespmem:$0x2D90] =	vst v1  }
0x74: {  	[tilespmem:$0x2DA0] =	vst v1  }
0x75: {  	[tilespmem:$0x2DB0] =	vst v1  }
0x76: {  	[tilespmem:$0x2DC0] =	vst v1  }
0x77: {  	[tilespmem:$0x2DD0] =	vst v1  }
0x78: {  	[tilespmem:$0x2DE0] =	vst v1  }
0x79: {  	[tilespmem:$0x2DF0] =	vst v1  }
0x7a: {  	[tilespmem:s4], [sflag:$0x1] =	stream.linear.gather [hbm4b:s15+s4], $0x2800, $0x38;
	[tilespmem:$0x3300] =	vst v63  }
0x7b: {  	_ =	swait.ge [sflag:s20], $0x2800  }
0x7c: {  	[sflag:s20] =	ssyncset.done $0x0  }
0x7d: {  	[sflag:s20] =	ssyncadd.s32 $0xFFFFD800  }
0x7e: {  	s25 =	simm.s32 $0x0;
	[bflag:$0x0] =	sbarrier.arrive $0xFFFF  }
0x7f: {  	v2 =	vld [tilespmem:s25+$0x0];
	_ =	sdelay $0x4  }
0x80: {  	v3 =	vshrl.u32 v2, $0xE  }
0x81: {  	v2 =	vand.u32 $0x3FFF, v2;
	[tilespmem:$0x2800] =	vst v3  }
0x82: {  	[tilespmem:$0x2A00] =	vst v2  }
0x83: {  	v2 =	vld [tilespmem:s25+$0x10];
	_ =	sdelay $0x4  }
0x84: {  	v3 =	vshrl.u32 v2, $0xE  }
0x85: {  	v2 =	vand.u32 $0x3FFF, v2;
	[tilespmem:$0x2810] =	vst v3  }
0x86: {  	[tilespmem:$0x2A10] =	vst v2  }
0x87: {  	v2 =	vld [tilespmem:s25+$0x20];
	_ =	sdelay $0x4  }
0x88: {  	v3 =	vshrl.u32 v2, $0xE  }
0x89: {  	v2 =	vand.u32 $0x3FFF, v2;
	[tilespmem:$0x2820] =	vst v3  }
0x8a: {  	[tilespmem:$0x2A20] =	vst v2  }
0x8b: {  	v2 =	vld [tilespmem:s25+$0x30];
	_ =	sdelay $0x4  }
0x8c: {  	v3 =	vshrl.u32 v2, $0xE  }
0x8d: {  	v2 =	vand.u32 $0x3FFF, v2;
	[tilespmem:$0x2830] =	vst v3  }
0x8e: {  	[tilespmem:$0x2A30] =	vst v2  }
0x8f: {  	v2 =	vld [tilespmem:s25+$0x40];
	_ =	sdelay $0x4  }
0x90: {  	v3 =	vshrl.u32 v2, $0xE  }
0x91: {  	v2 =	vand.u32 $0x3FFF, v2;
	[tilespmem:$0x2840] =	vst v3  }
0x92: {  	[tilespmem:$0x2A40] =	vst v2  }
0x93: {  	v2 =	vld [tilespmem:s25+$0x50];
	_ =	sdelay $0x4  }
0x94: {  	v3 =	vshrl.u32 v2, $0xE  }
0x95: {  	v2 =	vand.u32 $0x3FFF, v2;
	[tilespmem:$0x2850] =	vst v3  }
0x96: {  	[tilespmem:$0x2A50] =	vst v2  }
0x97: {  	v2 =	vld [tilespmem:s25+$0x60];
	_ =	sdelay $0x4  }
0x98: {  	v3 =	vshrl.u32 v2, $0xE  }
0x99: {  	v2 =	vand.u32 $0x3FFF, v2;
	[tilespmem:$0x2860] =	vst v3  }
0x9a: {  	[tilespmem:$0x2A60] =	vst v2  }
0x9b: {  	v2 =	vld [tilespmem:s25+$0x70];
	_ =	sdelay $0x4  }
0x9c: {  	v3 =	vshrl.u32 v2, $0xE  }
0x9d: {  	v2 =	vand.u32 $0x3FFF, v2;
	[tilespmem:$0x2870] =	vst v3  }
0x9e: {  	[tilespmem:$0x2A70] =	vst v2  }
0x9f: {  	v2 =	vld [tilespmem:s25+$0x80];
	_ =	sdelay $0x4  }
0xa0: {  	v3 =	vshrl.u32 v2, $0xE  }
0xa1: {  	v2 =	vand.u32 $0x3FFF, v2;
	[tilespmem:$0x2880] =	vst v3  }
0xa2: {  	[tilespmem:$0x2A80] =	vst v2  }
0xa3: {  	v2 =	vld [tilespmem:s25+$0x90];
	_ =	sdelay $0x4  }
0xa4: {  	v3 =	vshrl.u32 v2, $0xE  }
0xa5: {  	v2 =	vand.u32 $0x3FFF, v2;
	[tilespmem:$0x2890] =	vst v3  }
0xa6: {  	[tilespmem:$0x2A90] =	vst v2  }
0xa7: {  	v2 =	vld [tilespmem:s25+$0xA0];
	_ =	sdelay $0x4  }
0xa8: {  	v3 =	vshrl.u32 v2, $0xE  }
0xa9: {  	v2 =	vand.u32 $0x3FFF, v2;
	[tilespmem:$0x28A0] =	vst v3  }
0xaa: {  	[tilespmem:$0x2AA0] =	vst v2  }
0xab: {  	v2 =	vld [tilespmem:s25+$0xB0];
	_ =	sdelay $0x4  }
0xac: {  	v3 =	vshrl.u32 v2, $0xE  }
0xad: {  	v2 =	vand.u32 $0x3FFF, v2;
	[tilespmem:$0x28B0] =	vst v3  }
0xae: {  	[tilespmem:$0x2AB0] =	vst v2  }
0xaf: {  	v2 =	vld [tilespmem:s25+$0xC0];
	_ =	sdelay $0x4  }
0xb0: {  	v3 =	vshrl.u32 v2, $0xE  }
0xb1: {  	v2 =	vand.u32 $0x3FFF, v2;
	[tilespmem:$0x28C0] =	vst v3  }
0xb2: {  	[tilespmem:$0x2AC0] =	vst v2  }
0xb3: {  	v2 =	vld [tilespmem:s25+$0xD0];
	_ =	sdelay $0x4  }
0xb4: {  	v3 =	vshrl.u32 v2, $0xE  }
0xb5: {  	v2 =	vand.u32 $0x3FFF, v2;
	[tilespmem:$0x28D0] =	vst v3  }
0xb6: {  	[tilespmem:$0x2AD0] =	vst v2  }
0xb7: {  	v2 =	vld [tilespmem:s25+$0xE0];
	_ =	sdelay $0x4  }
0xb8: {  	v3 =	vshrl.u32 v2, $0xE  }
0xb9: {  	v2 =	vand.u32 $0x3FFF, v2;
	[tilespmem:$0x28E0] =	vst v3  }
0xba: {  	[tilespmem:$0x2AE0] =	vst v2  }
0xbb: {  	v2 =	vld [tilespmem:s25+$0xF0];
	_ =	sdelay $0x4  }
0xbc: {  	v3 =	vshrl.u32 v2, $0xE  }
0xbd: {  	v2 =	vand.u32 $0x3FFF, v2;
	[tilespmem:$0x28F0] =	vst v3  }
0xbe: {  	[tilespmem:$0x2AF0] =	vst v2  }
0xbf: {  	v2 =	vld [tilespmem:s25+$0x100];
	_ =	sdelay $0x4  }
0xc0: {  	v3 =	vshrl.u32 v2, $0xE  }
0xc1: {  	v2 =	vand.u32 $0x3FFF, v2;
	[tilespmem:$0x2900] =	vst v3  }
0xc2: {  	[tilespmem:$0x2B00] =	vst v2  }
0xc3: {  	v2 =	vld [tilespmem:s25+$0x110];
	_ =	sdelay $0x4  }
0xc4: {  	v3 =	vshrl.u32 v2, $0xE  }
0xc5: {  	v2 =	vand.u32 $0x3FFF, v2;
	[tilespmem:$0x2910] =	vst v3  }
0xc6: {  	[tilespmem:$0x2B10] =	vst v2  }
0xc7: {  	v2 =	vld [tilespmem:s25+$0x120];
	_ =	sdelay $0x4  }
0xc8: {  	v3 =	vshrl.u32 v2, $0xE  }
0xc9: {  	v2 =	vand.u32 $0x3FFF, v2;
	[tilespmem:$0x2920] =	vst v3  }
0xca: {  	[tilespmem:$0x2B20] =	vst v2  }
0xcb: {  	v2 =	vld [tilespmem:s25+$0x130];
	_ =	sdelay $0x4  }
0xcc: {  	v3 =	vshrl.u32 v2, $0xE  }
0xcd: {  	v2 =	vand.u32 $0x3FFF, v2;
	[tilespmem:$0x2930] =	vst v3  }
0xce: {  	[tilespmem:$0x2B30] =	vst v2  }
0xcf: {  	v2 =	vld [tilespmem:s25+$0x140];
	_ =	sdelay $0x4  }
0xd0: {  	v3 =	vshrl.u32 v2, $0xE  }
0xd1: {  	v2 =	vand.u32 $0x3FFF, v2;
	[tilespmem:$0x2940] =	vst v3  }
0xd2: {  	[tilespmem:$0x2B40] =	vst v2  }
0xd3: {  	v2 =	vld [tilespmem:s25+$0x150];
	_ =	sdelay $0x4  }
0xd4: {  	v3 =	vshrl.u32 v2, $0xE  }
0xd5: {  	v2 =	vand.u32 $0x3FFF, v2;
	[tilespmem:$0x2950] =	vst v3  }
0xd6: {  	[tilespmem:$0x2B50] =	vst v2  }
0xd7: {  	v2 =	vld [tilespmem:s25+$0x160];
	_ =	sdelay $0x4  }
0xd8: {  	v3 =	vshrl.u32 v2, $0xE  }
0xd9: {  	v2 =	vand.u32 $0x3FFF, v2;
	[tilespmem:$0x2960] =	vst v3  }
0xda: {  	[tilespmem:$0x2B60] =	vst v2  }
0xdb: {  	v2 =	vld [tilespmem:s25+$0x170];
	_ =	sdelay $0x4  }
0xdc: {  	v3 =	vshrl.u32 v2, $0xE  }
0xdd: {  	v2 =	vand.u32 $0x3FFF, v2;
	[tilespmem:$0x2970] =	vst v3  }
0xde: {  	[tilespmem:$0x2B70] =	vst v2  }
0xdf: {  	v2 =	vld [tilespmem:s25+$0x180];
	_ =	sdelay $0x4  }
0xe0: {  	v3 =	vshrl.u32 v2, $0xE  }
0xe1: {  	v2 =	vand.u32 $0x3FFF, v2;
	[tilespmem:$0x2980] =	vst v3  }
0xe2: {  	[tilespmem:$0x2B80] =	vst v2  }
0xe3: {  	v2 =	vld [tilespmem:s25+$0x190];
	_ =	sdelay $0x4  }
0xe4: {  	v3 =	vshrl.u32 v2, $0xE  }
0xe5: {  	v2 =	vand.u32 $0x3FFF, v2;
	[tilespmem:$0x2990] =	vst v3  }
0xe6: {  	[tilespmem:$0x2B90] =	vst v2  }
0xe7: {  	v2 =	vld [tilespmem:s25+$0x1A0];
	_ =	sdelay $0x4  }
0xe8: {  	v3 =	vshrl.u32 v2, $0xE  }
0xe9: {  	v2 =	vand.u32 $0x3FFF, v2;
	[tilespmem:$0x29A0] =	vst v3  }
0xea: {  	[tilespmem:$0x2BA0] =	vst v2  }
0xeb: {  	v2 =	vld [tilespmem:s25+$0x1B0];
	_ =	sdelay $0x4  }
0xec: {  	v3 =	vshrl.u32 v2, $0xE  }
0xed: {  	v2 =	vand.u32 $0x3FFF, v2;
	[tilespmem:$0x29B0] =	vst v3  }
0xee: {  	[tilespmem:$0x2BB0] =	vst v2  }
0xef: {  	v2 =	vld [tilespmem:s25+$0x1C0];
	_ =	sdelay $0x4  }
0xf0: {  	v3 =	vshrl.u32 v2, $0xE  }
0xf1: {  	s26 =	simm.s32 $0x800;
	v2 =	vand.u32 $0x3FFF, v2;
	[tilespmem:$0x29C0] =	vst v3  }
.LBB2_2:
0xf2: {  	p0 =	sne.s32 s26, $0x9800;
	[tilespmem:$0x2BC0] =	vst v2;
	s28 =	smov.u32 s26;
	s26 =	sadd.s32 $0x800, s26  }
0xf3: {  	v2 =	vld [tilespmem:s25+$0x1D0];
	_ =	sdelay $0x4  }
0xf4: {  	v3 =	vshrl.u32 v2, $0xE;
	v2 =	vand.u32 $0x3FFF, v2  }
0xf5: {  	[tilespmem:$0x29D0] =	vst v3  }
0xf6: {  	[tilespmem:$0x2BD0] =	vst v2  }
0xf7: {  	v2 =	vld [tilespmem:s25+$0x1E0];
	_ =	sdelay $0x4  }
0xf8: {  	v3 =	vshrl.u32 v2, $0xE;
	v2 =	vand.u32 $0x3FFF, v2  }
0xf9: {  	[tilespmem:$0x29E0] =	vst v3  }
0xfa: {  	[tilespmem:$0x2BE0] =	vst v2  }
0xfb: {  	v2 =	vld [tilespmem:s25+$0x1F0];
	_ =	sdelay $0x4  }
0xfc: {  	v3 =	vshrl.u32 v2, $0xE;
	v2 =	vand.u32 $0x3FFF, v2  }
0xfd: {  	[tilespmem:$0x29F0] =	vst v3  }
0xfe: {  	[tilespmem:$0x2BF0] =	vst v2  }
0xff: {  	[spmem:s2] =	stream.indirect.scatter.add.f32 [tilespmem:s19], [sflag:$0x1], $0x1, s22, s21, $0xb8;
	[tilespmem:$0x3300] =	vst v63  }
0x100: {  	_ =	swait.ge [sflag:s20], $0x200  }
0x101: {  	[sflag:s20] =	ssyncset.done $0x0  }
0x102: {  	[sflag:s20] =	ssyncadd.s32 $0xFFFFFE00  }
0x103: {  	[spmem:s3] =	stream.indirect.scatter.add.f32 [tilespmem:s19], [sflag:$0x1], $0x1, s23, s21, $0xb8;
	[tilespmem:$0x3300] =	vst v63  }
0x104: {  	_ =	swait.ge [sflag:s20], $0x200  }
0x105: {  	[sflag:s20] =	ssyncset.done $0x0  }
0x106: {  	s25 =	sshra.s32 s28, $0x2;
	[sflag:s20] =	ssyncadd.s32 $0xFFFFFE00  }
0x107: {  	v2 =	vld [tilespmem:s25+$0x0];
	_ =	sdelay $0x4  }
0x108: {  	v3 =	vshrl.u32 v2, $0xE;
	v2 =	vand.u32 $0x3FFF, v2  }
0x109: {  	[tilespmem:$0x2800] =	vst v3  }
0x10a: {  	[tilespmem:$0x2A00] =	vst v2  }
0x10b: {  	v2 =	vld [tilespmem:s25+$0x10];
	_ =	sdelay $0x4  }
0x10c: {  	v3 =	vshrl.u32 v2, $0xE;
	v2 =	vand.u32 $0x3FFF, v2  }
0x10d: {  	[tilespmem:$0x2810] =	vst v3  }
0x10e: {  	[tilespmem:$0x2A10] =	vst v2  }
0x10f: {  	v2 =	vld [tilespmem:s25+$0x20];
	_ =	sdelay $0x4  }
0x110: {  	v3 =	vshrl.u32 v2, $0xE;
	v2 =	vand.u32 $0x3FFF, v2  }
0x111: {  	[tilespmem:$0x2820] =	vst v3  }
0x112: {  	[tilespmem:$0x2A20] =	vst v2  }
0x113: {  	v2 =	vld [tilespmem:s25+$0x30];
	_ =	sdelay $0x4  }
0x114: {  	v3 =	vshrl.u32 v2, $0xE;
	v2 =	vand.u32 $0x3FFF, v2  }
0x115: {  	[tilespmem:$0x2830] =	vst v3  }
0x116: {  	[tilespmem:$0x2A30] =	vst v2  }
0x117: {  	v2 =	vld [tilespmem:s25+$0x40];
	_ =	sdelay $0x4  }
0x118: {  	v3 =	vshrl.u32 v2, $0xE;
	v2 =	vand.u32 $0x3FFF, v2  }
0x119: {  	[tilespmem:$0x2840] =	vst v3  }
0x11a: {  	[tilespmem:$0x2A40] =	vst v2  }
0x11b: {  	v2 =	vld [tilespmem:s25+$0x50];
	_ =	sdelay $0x4  }
0x11c: {  	v3 =	vshrl.u32 v2, $0xE;
	v2 =	vand.u32 $0x3FFF, v2  }
0x11d: {  	[tilespmem:$0x2850] =	vst v3  }
0x11e: {  	[tilespmem:$0x2A50] =	vst v2  }
0x11f: {  	v2 =	vld [tilespmem:s25+$0x60];
	_ =	sdelay $0x4  }
0x120: {  	v3 =	vshrl.u32 v2, $0xE;
	v2 =	vand.u32 $0x3FFF, v2  }
0x121: {  	[tilespmem:$0x2860] =	vst v3  }
0x122: {  	[tilespmem:$0x2A60] =	vst v2  }
0x123: {  	v2 =	vld [tilespmem:s25+$0x70];
	_ =	sdelay $0x4  }
0x124: {  	v3 =	vshrl.u32 v2, $0xE;
	v2 =	vand.u32 $0x3FFF, v2  }
0x125: {  	[tilespmem:$0x2870] =	vst v3  }
0x126: {  	[tilespmem:$0x2A70] =	vst v2  }
0x127: {  	v2 =	vld [tilespmem:s25+$0x80];
	_ =	sdelay $0x4  }
0x128: {  	v3 =	vshrl.u32 v2, $0xE;
	v2 =	vand.u32 $0x3FFF, v2  }
0x129: {  	[tilespmem:$0x2880] =	vst v3  }
0x12a: {  	[tilespmem:$0x2A80] =	vst v2  }
0x12b: {  	v2 =	vld [tilespmem:s25+$0x90];
	_ =	sdelay $0x4  }
0x12c: {  	v3 =	vshrl.u32 v2, $0xE;
	v2 =	vand.u32 $0x3FFF, v2  }
0x12d: {  	[tilespmem:$0x2890] =	vst v3  }
0x12e: {  	[tilespmem:$0x2A90] =	vst v2  }
0x12f: {  	v2 =	vld [tilespmem:s25+$0xA0];
	_ =	sdelay $0x4  }
0x130: {  	v3 =	vshrl.u32 v2, $0xE;
	v2 =	vand.u32 $0x3FFF, v2  }
0x131: {  	[tilespmem:$0x28A0] =	vst v3  }
0x132: {  	[tilespmem:$0x2AA0] =	vst v2  }
0x133: {  	v2 =	vld [tilespmem:s25+$0xB0];
	_ =	sdelay $0x4  }
0x134: {  	v3 =	vshrl.u32 v2, $0xE;
	v2 =	vand.u32 $0x3FFF, v2  }
0x135: {  	[tilespmem:$0x28B0] =	vst v3  }
0x136: {  	[tilespmem:$0x2AB0] =	vst v2  }
0x137: {  	v2 =	vld [tilespmem:s25+$0xC0];
	_ =	sdelay $0x4  }
0x138: {  	v3 =	vshrl.u32 v2, $0xE;
	v2 =	vand.u32 $0x3FFF, v2  }
0x139: {  	[tilespmem:$0x28C0] =	vst v3  }
0x13a: {  	[tilespmem:$0x2AC0] =	vst v2  }
0x13b: {  	v2 =	vld [tilespmem:s25+$0xD0];
	_ =	sdelay $0x4  }
0x13c: {  	v3 =	vshrl.u32 v2, $0xE;
	v2 =	vand.u32 $0x3FFF, v2  }
0x13d: {  	[tilespmem:$0x28D0] =	vst v3  }
0x13e: {  	[tilespmem:$0x2AD0] =	vst v2  }
0x13f: {  	v2 =	vld [tilespmem:s25+$0xE0];
	_ =	sdelay $0x4  }
0x140: {  	v3 =	vshrl.u32 v2, $0xE;
	v2 =	vand.u32 $0x3FFF, v2  }
0x141: {  	[tilespmem:$0x28E0] =	vst v3  }
0x142: {  	[tilespmem:$0x2AE0] =	vst v2  }
0x143: {  	v2 =	vld [tilespmem:s25+$0xF0];
	_ =	sdelay $0x4  }
0x144: {  	v3 =	vshrl.u32 v2, $0xE;
	v2 =	vand.u32 $0x3FFF, v2  }
0x145: {  	[tilespmem:$0x28F0] =	vst v3  }
0x146: {  	[tilespmem:$0x2AF0] =	vst v2  }
0x147: {  	v2 =	vld [tilespmem:s25+$0x100];
	_ =	sdelay $0x4  }
0x148: {  	v3 =	vshrl.u32 v2, $0xE;
	v2 =	vand.u32 $0x3FFF, v2  }
0x149: {  	[tilespmem:$0x2900] =	vst v3  }
0x14a: {  	[tilespmem:$0x2B00] =	vst v2  }
0x14b: {  	v2 =	vld [tilespmem:s25+$0x110];
	_ =	sdelay $0x4  }
0x14c: {  	v3 =	vshrl.u32 v2, $0xE;
	v2 =	vand.u32 $0x3FFF, v2  }
0x14d: {  	[tilespmem:$0x2910] =	vst v3  }
0x14e: {  	[tilespmem:$0x2B10] =	vst v2  }
0x14f: {  	v2 =	vld [tilespmem:s25+$0x120];
	_ =	sdelay $0x4  }
0x150: {  	v3 =	vshrl.u32 v2, $0xE;
	v2 =	vand.u32 $0x3FFF, v2  }
0x151: {  	[tilespmem:$0x2920] =	vst v3  }
0x152: {  	[tilespmem:$0x2B20] =	vst v2  }
0x153: {  	v2 =	vld [tilespmem:s25+$0x130];
	_ =	sdelay $0x4  }
0x154: {  	v3 =	vshrl.u32 v2, $0xE;
	v2 =	vand.u32 $0x3FFF, v2  }
0x155: {  	[tilespmem:$0x2930] =	vst v3  }
0x156: {  	[tilespmem:$0x2B30] =	vst v2  }
0x157: {  	v2 =	vld [tilespmem:s25+$0x140];
	_ =	sdelay $0x4  }
0x158: {  	v3 =	vshrl.u32 v2, $0xE;
	v2 =	vand.u32 $0x3FFF, v2  }
0x159: {  	[tilespmem:$0x2940] =	vst v3  }
0x15a: {  	[tilespmem:$0x2B40] =	vst v2  }
0x15b: {  	v2 =	vld [tilespmem:s25+$0x150];
	_ =	sdelay $0x4  }
0x15c: {  	v3 =	vshrl.u32 v2, $0xE;
	v2 =	vand.u32 $0x3FFF, v2  }
0x15d: {  	[tilespmem:$0x2950] =	vst v3  }
0x15e: {  	[tilespmem:$0x2B50] =	vst v2  }
0x15f: {  	v2 =	vld [tilespmem:s25+$0x160];
	_ =	sdelay $0x4  }
0x160: {  	v3 =	vshrl.u32 v2, $0xE;
	v2 =	vand.u32 $0x3FFF, v2  }
0x161: {  	[tilespmem:$0x2960] =	vst v3  }
0x162: {  	[tilespmem:$0x2B60] =	vst v2  }
0x163: {  	v2 =	vld [tilespmem:s25+$0x170];
	_ =	sdelay $0x4  }
0x164: {  	v3 =	vshrl.u32 v2, $0xE;
	v2 =	vand.u32 $0x3FFF, v2  }
0x165: {  	[tilespmem:$0x2970] =	vst v3  }
0x166: {  	[tilespmem:$0x2B70] =	vst v2  }
0x167: {  	v2 =	vld [tilespmem:s25+$0x180];
	_ =	sdelay $0x4  }
0x168: {  	v3 =	vshrl.u32 v2, $0xE;
	v2 =	vand.u32 $0x3FFF, v2  }
0x169: {  	[tilespmem:$0x2980] =	vst v3  }
0x16a: {  	[tilespmem:$0x2B80] =	vst v2  }
0x16b: {  	v2 =	vld [tilespmem:s25+$0x190];
	_ =	sdelay $0x4  }
0x16c: {  	v3 =	vshrl.u32 v2, $0xE;
	v2 =	vand.u32 $0x3FFF, v2  }
0x16d: {  	[tilespmem:$0x2990] =	vst v3  }
0x16e: {  	[tilespmem:$0x2B90] =	vst v2  }
0x16f: {  	v2 =	vld [tilespmem:s25+$0x1A0];
	_ =	sdelay $0x4  }
0x170: {  	v3 =	vshrl.u32 v2, $0xE;
	v2 =	vand.u32 $0x3FFF, v2  }
0x171: {  	[tilespmem:$0x29A0] =	vst v3  }
0x172: {  	[tilespmem:$0x2BA0] =	vst v2  }
0x173: {  	v2 =	vld [tilespmem:s25+$0x1B0];
	_ =	sdelay $0x4  }
0x174: {  	v3 =	vshrl.u32 v2, $0xE;
	v2 =	vand.u32 $0x3FFF, v2  }
0x175: {  	[tilespmem:$0x29B0] =	vst v3  }
0x176: {  	[tilespmem:$0x2BB0] =	vst v2  }
0x177: {  	v2 =	vld [tilespmem:s25+$0x1C0];
	_ =	sdelay $0x1  }
.Ltmp0:
0x178: {  	(pc) =	sbr.rel @p0 .LBB2_2-.Ltmp0, $3  }
0x179: {  	_ =	sdelay $0x1  }
0x17a: {  	v3 =	vshrl.u32 v2, $0xE;
	v2 =	vand.u32 $0x3FFF, v2  }
0x17b: {  	[tilespmem:$0x29C0] =	vst v3  }
0x17c: {  	[tilespmem:$0x2BC0] =	vst v2  }
0x17d: {  	v2 =	vld [tilespmem:s25+$0x1D0];
	_ =	sdelay $0x4  }
0x17e: {  	v3 =	vshrl.u32 v2, $0xE  }
0x17f: {  	v2 =	vand.u32 $0x3FFF, v2;
	[tilespmem:$0x29D0] =	vst v3  }
0x180: {  	[tilespmem:$0x2BD0] =	vst v2  }
0x181: {  	v2 =	vld [tilespmem:s25+$0x1E0];
	_ =	sdelay $0x4  }
0x182: {  	v3 =	vshrl.u32 v2, $0xE  }
0x183: {  	v2 =	vand.u32 $0x3FFF, v2;
	[tilespmem:$0x29E0] =	vst v3  }
0x184: {  	[tilespmem:$0x2BE0] =	vst v2  }
0x185: {  	v2 =	vld [tilespmem:s25+$0x1F0];
	_ =	sdelay $0x4  }
0x186: {  	v3 =	vshrl.u32 v2, $0xE  }
0x187: {  	v2 =	vand.u32 $0x3FFF, v2;
	[tilespmem:$0x29F0] =	vst v3  }
0x188: {  	[tilespmem:$0x2BF0] =	vst v2  }
0x189: {  	[spmem:s2] =	stream.indirect.scatter.add.f32 [tilespmem:s19], [sflag:$0x1], $0x1, s22, s21, $0xb8;
	[tilespmem:$0x3300] =	vst v63  }
0x18a: {  	_ =	swait.ge [sflag:s20], $0x200  }
0x18b: {  	[sflag:s20] =	ssyncset.done $0x0  }
0x18c: {  	[sflag:s20] =	ssyncadd.s32 $0xFFFFFE00  }
0x18d: {  	[spmem:s3] =	stream.indirect.scatter.add.f32 [tilespmem:s19], [sflag:$0x1], $0x1, s23, s21, $0xb8;
	[tilespmem:$0x3300] =	vst v63  }
0x18e: {  	_ =	swait.ge [sflag:s20], $0x200  }
0x18f: {  	[sflag:s20] =	ssyncset.done $0x0  }
0x190: {  	s30 =	sshll.u32 s0, $0x6;
	[sflag:s20] =	ssyncadd.s32 $0xFFFFFE00  }
0x191: {  	s26 =	sshrl.u32 s5, $0x3;
	s25 =	sor.u32 $0x1C01, s30;
	[bflag:$0x0] =	sbarrier.arrive $0xFFFF  }
0x192: {  	[hbm:s16], [sflag:s25] =	dma.local [spmem:s26], $0x50  }
0x193: {  	s24 =	sadd.s32 $0x1, s24;
	_ =	swait.ge [sflag:s20], $0x50  }
0x194: {  	p0 =	sne.s32 s24, s18;
	[sflag:s20] =	ssyncset.done $0x0  }
.Ltmp1:
0x195: {  	s31 =	sshrl.u32 s6, $0x3;
	[sflag:s20] =	ssyncadd.s32 $0xFFFFFFB0;
	(pc) =	sbr.rel @p0 .LBB2_1-.Ltmp1, $4  }
0x196: {  	[hbm:s17], [sflag:s25] =	dma.local [spmem:s31], $0x50  }
0x197: {  	_ =	swait.ge [sflag:s20], $0x50  }
0x198: {  	[sflag:s20] =	ssyncset.done $0x0  }
0x199: {  	[sflag:s20] =	ssyncadd.s32 $0xFFFFFFB0  }
0x19a: {  	_ =	sfence.sel $0x180000  }
0x19b: {  	[bflag:$0x0] =	sbarrier.arrive $0xFFFF  }
0x19c: {  	p0 =	sne.s32 s0, $0x0;
	_ =	strace $0x90000047  }
0x19d: {  	s0 =	sadd.s32 @!p0 $0x100000, s1;
	[bflag:$0x2] =	sbarrier.arrive $0xFFFF  }
0x19e: {  	[sflag:s0] =	ssyncadd.tile.s32 @!p0 $0x1;
	_ =	shalt  }
.Lfunc_end2:
_tile_overlayer_lowered:
.L_overlay_start_2:
0x19f: {  	(tag) =	ssettag $0x2  }
0x1a0: {  	s0 =	rddreg [dreg:$0x0];
	s2 =	stileid.u32  }
0x1a1: {  	s1 =	rddreg [dreg:$0x1];
	p0 =	sne.s32 s2, $0x0  }
0x1a2: {  	s3 =	rddreg [dreg:$0x2];
	[bflag:$0x3] =	sbarrier.arrive $0xFFFF;
	s2 =	simm.s32 @!p0 $0x1C01  }
0x1a3: {  	[timem:s3], [sflag:s2] =	dma.local @!p0 [hbm:s0], s1  }
0x1a4: {  	s0 =	simm.s32 @!p0 $0x1  }
0x1a5: {  	_ =	swait.ge @!p0 [sflag:s0], s1  }
0x1a6: {  	s1 =	ssub.s32 @!p0 $0x0, s1;
	[sflag:s0] =	ssyncset.done @!p0 $0x0  }
0x1a7: {  	[sflag:s0] =	ssyncadd.s32 @!p0 s1  }
0x1a8: {  	[bflag:$0x3] =	sbarrier.arrive $0xFFFF  }
0x1a9: {  	_ =	shalt  }

// kernel: kernel.9.cloned.1.call-start
scs
__scs_entry_jumppad:
0x0: {  	(pc) =	sbr.rel $0x88, $3  }
0x1: {  	(tag) =	ssettag $0x0;
	lr =	simm.s32 $0x1  }
0x2: {  	[smem:$0x3F9F] =	sst lr;
	_ =	strace $0xD0000000  }
0x3: {  	_ = 	snop  }
0x4: {  	_ = 	snop  }
0x5: {  	_ = 	snop  }
0x6: {  	_ = 	snop  }
0x7: {  	_ = 	snop  }
__scs_overlays_trampoline_lowered:
0x8: {  	[smem:$0x3FAE] =	sst s0  }
0x9: {  	[smem:$0x3FAF] =	sst s1  }
0xa: {  	[smem:$0x3FB0] =	sst s2  }
0xb: {  	[smem:$0x3FB1] =	sst s3  }
0xc: {  	[smem:$0x3FB2] =	sst s4  }
0xd: {  	[smem:$0x3FB3] =	sst s5  }
0xe: {  	[smem:$0x3FB4] =	sst s6  }
0xf: {  	[smem:$0x3FB5] =	sst s7  }
0x10: {  	[smem:$0x3FB6] =	sst s8  }
0x11: {  	[smem:$0x3FB7] =	sst s9;
	s0 =	simm.s32 @!p0 $0x0  }
0x12: {  	s1 =	sld [smem:$0x3F9D];
	s0 =	simm.s32 @p0 $0x1  }
0x13: {  	[smem:$0x3FB8] =	sst s0;
	s0 =	simm.s32 @!p1 $0x0  }
0x14: {  	s2 =	sld [smem:$0x3F9C];
	s0 =	simm.s32 @p1 $0x1  }
0x15: {  	[smem:$0x3FB9] =	sst s0;
	s0 =	simm.s32 @!p2 $0x0  }
0x16: {  	s3 =	sld [smem:$0x3FDB];
	s0 =	simm.s32 @p2 $0x1  }
0x17: {  	s4 =	simm.s32 $0x1BF5;
	[smem:$0x3FBB] =	sst s0  }
0x18: {  	s0 =	sld [smem:$0x3F9E];
	_ =	swait.ge [sflag:s4], $0x0  }
0x19: {  	s7 =	sld [smem:$0x3F9F]  }
0x1a: {  	s8 =	sadd.s32 $0xFFFFE003, lr  }
0x1b: {  	s9 =	sadd.s32 $0xFFFFFEF7, lr;
	s5 =	simm.s32 $0xFFFFFFFF;
	p2 =	slt.u32 s8, $0xFFFFF086  }
0x1c: {  	p1 =	slt.u32 s9, $0xF7A;
	s5 =	simm.s32 @!p2 $0x0  }
0x1d: {  	s5 =	simm.s32 @p1 $0x1;
	p0 =	seq.s32 s7, s2  }
0x1e: {  	s7 =	smul.u32 @!p0 $0xF7A, s2;
	p2 =	seq.s32 @!p0 s5, $0x0  }
0x1f: {  	s9 =	smul.u32 $0xF7A, s1;
	s8 =	simm.s32 @!p0 $0x1BF5;
	p2 =	por !p2, p0  }
0x20: {  	[sflag:s8] =	ssyncset.s32 @!p0 $0xFFFFF086;
	s6 =	sadd.s32 @!p0 s3, s7;
	s7 =	simm.s32 @!p0 $0x108  }
0x21: {  	s3 =	sadd.s32 s3, s9;
	s6 =	sadd.s32 @!p0 $0x88, s6;
	s7 =	simm.s32 @p2 $0x1082  }
0x22: {  	[simem:s7], [sflag:s8] =	dma.local @!p0 [hbm:s6], $0xF7A  }
0x23: {  	s9 =	sor.u32 $0xD0000000, s2;
	s6 =	simm.s32 $0x108;
	_ =	swait.ge @!p0 [sflag:s8], $0x0  }
0x24: {  	s3 =	sadd.s32 $0x88, s3;
	s6 =	simm.s32 @!p1 $0x1082;
	[sflag:s4] =	ssyncset.s32 $0xFFFFF086  }
0x25: {  	[simem:s6], [sflag:s4] =	dma.local [hbm:s3], $0xF7A  }
0x26: {  	[smem:$0x3F9F] =	sst s1;
	(tag) =	ssettag s2;
	_ =	strace s9  }
0x27: {  	s1 =	sld [smem:$0x3FAF]  }
0x28: {  	s2 =	sld [smem:$0x3FB0]  }
0x29: {  	s4 =	sld [smem:$0x3FB2]  }
0x2a: {  	p0 =	seq.s32 s5, $0x0;
	s5 =	sld [smem:$0x3FB3]  }
0x2b: {  	s6 =	sld [smem:$0x3FB4]  }
0x2c: {  	s7 =	sld [smem:$0x3FB5]  }
0x2d: {  	s3 =	simm.s32 $0x108;
	s8 =	sld [smem:$0x3FB6]  }
0x2e: {  	s3 =	simm.s32 @!p0 $0x1082;
	s9 =	sld [smem:$0x3FB7]  }
0x2f: {  	lr =	sadd.s32 s0, s3;
	s0 =	sld [smem:$0x3FAE]  }
0x30: {  	s3 =	sld [smem:$0x3FB1]  }
0x31: {  	[smem:$0x3FBA] =	sst s10  }
0x32: {  	s10 =	sld [smem:$0x3FB8];
	_ =	sdelay $0x3  }
0x33: {  	p0 =	seq.s32 s10, $0x1;
	s10 =	sld [smem:$0x3FBA];
	_ =	sdelay $0x3  }
0x34: {  	[smem:$0x3FBA] =	sst s10  }
0x35: {  	s10 =	sld [smem:$0x3FB9];
	_ =	sdelay $0x3  }
0x36: {  	p1 =	seq.s32 s10, $0x1;
	s10 =	sld [smem:$0x3FBA];
	_ =	sdelay $0x3  }
0x37: {  	[smem:$0x3FBA] =	sst s10  }
0x38: {  	s10 =	sld [smem:$0x3FBB]  }
0x39: {  	_ = 	snop;
	(pc) =	sbr.ind lr, $3  }
0x3a: {  	_ = 	snop  }
0x3b: {  	_ = 	snop  }
0x3c: {  	p2 =	seq.s32 s10, $0x1;
	s10 =	sld [smem:$0x3FBA]  }
0x3d: {  	_ =	shalt  }
0x3e: {  	_ =	shalt  }
0x3f: {  	_ =	shalt  }
0x40: {  	_ =	shalt  }
0x41: {  	_ =	shalt  }
0x42: {  	_ =	shalt  }
0x43: {  	_ =	shalt  }
0x44: {  	_ =	shalt  }
0x45: {  	_ =	shalt  }
0x46: {  	_ =	shalt  }
0x47: {  	_ =	shalt  }
0x48: {  	_ =	shalt  }
0x49: {  	_ =	shalt  }
0x4a: {  	_ =	shalt  }
0x4b: {  	_ =	shalt  }
0x4c: {  	_ =	shalt  }
0x4d: {  	_ =	shalt  }
0x4e: {  	_ =	shalt  }
0x4f: {  	_ =	shalt  }
0x50: {  	_ =	shalt  }
0x51: {  	_ =	shalt  }
0x52: {  	_ =	shalt  }
0x53: {  	_ =	shalt  }
0x54: {  	_ =	shalt  }
0x55: {  	_ =	shalt  }
0x56: {  	_ =	shalt  }
0x57: {  	_ =	shalt  }
0x58: {  	_ =	shalt  }
0x59: {  	_ =	shalt  }
0x5a: {  	_ =	shalt  }
0x5b: {  	_ =	shalt  }
0x5c: {  	_ =	shalt  }
0x5d: {  	_ =	shalt  }
0x5e: {  	_ =	shalt  }
0x5f: {  	_ =	shalt  }
0x60: {  	_ =	shalt  }
0x61: {  	_ =	shalt  }
0x62: {  	_ =	shalt  }
0x63: {  	_ =	shalt  }
0x64: {  	_ =	shalt  }
0x65: {  	_ =	shalt  }
0x66: {  	_ =	shalt  }
0x67: {  	_ =	shalt  }
0x68: {  	_ =	shalt  }
0x69: {  	_ =	shalt  }
0x6a: {  	_ =	shalt  }
0x6b: {  	_ =	shalt  }
0x6c: {  	_ =	shalt  }
0x6d: {  	_ =	shalt  }
0x6e: {  	_ =	shalt  }
0x6f: {  	_ =	shalt  }
0x70: {  	_ =	shalt  }
0x71: {  	_ =	shalt  }
0x72: {  	_ =	shalt  }
0x73: {  	_ =	shalt  }
0x74: {  	_ =	shalt  }
0x75: {  	_ =	shalt  }
0x76: {  	_ =	shalt  }
0x77: {  	_ =	shalt  }
0x78: {  	_ =	shalt  }
0x79: {  	_ =	shalt  }
0x7a: {  	_ =	shalt  }
0x7b: {  	_ =	shalt  }
0x7c: {  	_ =	shalt  }
0x7d: {  	_ =	shalt  }
0x7e: {  	_ =	shalt  }
0x7f: {  	_ =	shalt  }
0x80: {  	_ =	shalt  }
0x81: {  	_ =	shalt  }
0x82: {  	_ =	shalt  }
0x83: {  	_ =	shalt  }
0x84: {  	_ =	shalt  }
0x85: {  	_ =	shalt  }
0x86: {  	_ =	shalt  }
0x87: {  	_ =	shalt  }
.Lfunc_end0:
.L_simem_size_0:
called_computation.1_lowered:
.L_overlay_start_0:
0x88: {  	s2 =	sld [smem:$0x3FD9]  }
0x89: {  	s3 =	sld [smem:$0x3FFE];
	_ =	sdelay $0x1  }
0x8a: {  	s1 =	srdreg.scid  }
0x8b: {  	s0 =	sand.u32 $0x1, s1  }
0x8c: {  	s17 =	sshll.u32 s0, $0xA;
	s2 =	sadd.s32 s3, s2  }
0x8d: {  	s2 =	sadd.s32 s2, s17  }
0x8e: {  	[smem:$0x3FC6] =	sst s2  }
0x8f: {  	_ = 	snop  }
0x90: {  	s2 =	sld [smem:$0x3FD0];
	(tm) =	ssettm $0x1  }
0x91: {  	s18 =	sld [smem:$0x3FFB];
	_ =	sdelay $0x3  }
0x92: {  	_ =	strace s18  }
0x93: {  	s3 =	sld [smem:$0x3FFC];
	_ =	sdelay $0x3  }
0x94: {  	_ =	strace s3  }
0x95: {  	s3 =	sld [smem:$0x3FFD];
	_ =	sdelay $0x3  }
0x96: {  	_ =	strace s3  }
0x97: {  	_ =	strace $0x8FFFFFFF  }
0x98: {  	s19 =	sld [smem:$0x3FDB];
	_ =	sdelay $0x1  }
0x99: {  	s4 =	simm.s32 $_scs_section_size  }
0x9a: {  	s5 =	simm.s32 $_size__tile_overlayer_lowered;
	s6 =	simm.s32 $_tile_overlayer_lowered  }
0x9b: {  	s22 =	simm.s32 $0x1BFF;
	s21 =	sshll.u32 s6, $0x1;
	s3 =	sadd.s32 s4, s19  }
0x9c: {  	s7 =	simm.s32 $0x0;
	s20 =	sshll.u32 s5, $0x1;
	s5 =	sadd.s32 s21, s3  }
0x9d: {  	[timem:s7], [sflag:s22] =	dma.local [hbm:s5], s20  }
0x9e: {  	_ =	swait.ge [sflag:s22], s20  }
0x9f: {  	s4 =	ssub.s32 $0x0, s20;
	[sflag:s22] =	ssyncset.done $0x0  }
0xa0: {  	[sflag:s22] =	ssyncadd.s32 s4;
	_ =	sdelay $0x1  }
0xa1: {  	s23 =	simm.s32 $0x1B8B  }
0xa2: {  	_ =	swait.ge [sflag:s23], $0x1  }
0xa3: {  	[sflag:s23] =	ssyncset.done $0x0  }
0xa4: {  	s25 =	simm.s32 $0x1B8E;
	s24 =	sld [smem:$0x3FFE];
	[sflag:s23] =	ssyncadd.s32 $0xFFFFFFFF  }
0xa5: {  	s26 =	simm.s32 $execute0_lowered;
	[smem:$0x3FD2] =	sst s25  }
0xa6: {  	s5 =	sshll.u32 s26, $0x1;
	_ =	strace $0x80000049;
	[dreg:$0x1] =	wrdreg $0xFFFFFFFF  }
0xa7: {  	s28 =	simm.s32 $_size_execute0_lowered;
	s3 =	sadd.s32 s3, s5;
	[dreg:$0x0] =	wrdreg $0x0  }
0xa8: {  	s5 =	sshll.u32 s28, $0x1;
	[dreg:$0x2] =	wrdreg s3  }
0xa9: {  	[dreg:$0x3] =	wrdreg s5  }
0xaa: {  	[dreg:$0x4] =	wrdreg $0xC0  }
0xab: {  	_ =	task [dreg:s7], $0x5FFFF  }
0xac: {  	[dreg:$0x1] =	wrdreg $0xFFFFFFFF  }
0xad: {  	[dreg:$0x0] =	wrdreg $0x60  }
0xae: {  	[dreg:$0x2] =	wrdreg s24  }
0xaf: {  	[dreg:$0x3] =	wrdreg s2  }
0xb0: {  	[dreg:$0x4] =	wrdreg $0xAA000  }
0xb1: {  	[dreg:$0x5] =	wrdreg $0x9  }
0xb2: {  	_ =	task.clear_ibuf [dreg:s7], $0x6FFFF;
	_ =	strace $0x90000049  }
0xb3: {  	s29 =	simm.s32 $0x9;
	_ =	strace $0x8000004B  }
0xb4: {  	_ =	swait.ge [sflag:s29], $0x1  }
0xb5: {  	[sflag:s29] =	ssyncadd.s32 $0xFFFFFFFF  }
0xb6: {  	_ =	strace $0x9000004B  }
0xb7: {  	_ =	sfence  }
0xb8: {  	s30 =	sld [smem:$0x0];
	_ =	sdelay $0x2  }
0xb9: {  	s31 =	sshll.u32 s1, $0xD;
	s1 =	sshrl.u32 s1, $0x2  }
0xba: {  	s3 =	sand.u32 $0x4000, s31;
	s1 =	sadd.s32 s1, s30  }
0xbb: {  	s0 =	sor.u32 s3, s0;
	s1 =	sshll.u32 s1, $0x11  }
0xbc: {  	s0 =	sor.u32 s1, s0  }
0xbd: {  	s0 =	sadd.s32 $0x8F2B, s0  }
0xbe: {  	[sflag:s0] =	ssyncadd.remote.s32 $0x1  }
0xbf: {  	_ =	sfence.sel $0xFFFF  }
0xc0: {  	[dreg:$0x0] =	wrdreg $0xFFFFFFFF;
	(pc) =	sbr.abs _section_cstart, $3  }
0xc1: {  	[dreg:$0x1] =	wrdreg $0xFFFFFFFF  }
0xc2: {  	_ =	task.clear_ibuf [dreg:s7], $0x2FFFF;
	_ =	strace $0x9FFFFFFF  }
0xc3: {  	(tm) =	ssettm $0x7FFFFFFF  }
tec
execute0_lowered:
.L_overlay_start_1:
0x0: {  	(tag) =	ssettag $0x1  }
0x1: {  	s5 =	rddreg [dreg:$0x0]  }
0x2: {  	s10 =	rddreg [dreg:$0x1]  }
0x3: {  	s2 =	rddreg [dreg:$0x2]  }
0x4: {  	s0 =	srdreg.scid;
	s1 =	rddreg [dreg:$0x3];
	s3 =	simm.s32 $0x0  }
0x5: {  	s14 =	simm.s32 $0x3;
	s15 =	simm.s32 $0x80;
	s16 =	simm.s32 $0x2800  }
0x6: {  	s17 =	simm.s32 $0x2880;
	s18 =	simm.s32 $0x6A00;
	s19 =	simm.s32 $0x1  }
0x7: {  	s20 =	simm.s32 $0x2900;
	s6 =	sand.u32 $0x1, s0;
	s0 =	stileid.u32  }
0x8: {  	s21 =	simm.s32 $0x2;
	[smem:$0x7FF] =	sst s3;
	s4 =	smul.u32 $0x140000, s6  }
0x9: {  	s22 =	simm.s32 $0x2980;
	s7 =	smul.u32 $0x14000, s0;
	_ =	strace $0x8000004A  }
0xa: {  	s8 =	smul.u32 $0x50000, s0;
	s28 =	sshll.u32 s6, $0x4;
	s6 =	ssub.s32 $0x2, s6  }
0xb: {  	s29 =	sor.u32 s0, s28;
	s31 =	sshrl.u32 s6, $0x1;
	s4 =	sadd.s32 s7, s4  }
0xc: {  	s30 =	sshrl.u32 s8, $0x2;
	s12 =	smul.u32 $0x500, s29;
	s7 =	sshrl.u32 s4, $0x3  }
0xd: {  	s13 =	ssub.s32 s6, s31;
	s4 =	sadd.s32 $0x2600, s5;
	s11 =	sadd.s32 s7, s5  }
0xe: {  	s5 =	sadd.s32 s30, s2;
	s10 =	sadd.s32 s10, s12;
	s12 =	smax.u32 s13, $0x1  }
0xf: {  	s13 =	simm.s32 $0x2A00;
	s6 =	sadd.s32 $0x4000, s5;
	s7 =	sadd.s32 $0x8000, s5  }
0x10: {  	v0 =	vimm.f32 $0.0e+00;
	s8 =	sadd.s32 $0xC000, s5;
	s9 =	sadd.s32 $0x10000, s5;
	s11 =	sadd.s32 $0x2A600, s11  }
.LBB2_1:
0x11: {  	s23 =	simm.s32 $0x0;
	s24 =	simm.s32 $0x200  }
.LBB2_2:
0x12: {  	p0 =	sne.s32 s24, $0xFE00;
	[tilespmem:s23+$0x2A70] =	vst v0  }
0x13: {  	[tilespmem:s23+$0x2A00] =	vst v0  }
0x14: {  	[tilespmem:s23+$0x2A10] =	vst v0  }
.Ltmp0:
0x15: {  	[tilespmem:s23+$0x2A20] =	vst v0;
	(pc) =	sbr.rel @p0 .LBB2_2-.Ltmp0, $4  }
0x16: {  	[tilespmem:s23+$0x2A30] =	vst v0  }
0x17: {  	[tilespmem:s23+$0x2A40] =	vst v0  }
0x18: {  	[tilespmem:s23+$0x2A50] =	vst v0  }
0x19: {  	[tilespmem:s23+$0x2A60] =	vst v0;
	s23 =	sshra.s32 s24, $0x2;
	s24 =	sadd.s32 $0x200, s24  }
0x1a: {  	[tilespmem:s23+$0x2A70] =	vst v0  }
0x1b: {  	[tilespmem:s23+$0x2A00] =	vst v0  }
0x1c: {  	[tilespmem:s23+$0x2A10] =	vst v0  }
0x1d: {  	[tilespmem:s23+$0x2A20] =	vst v0  }
0x1e: {  	[tilespmem:s23+$0x2A30] =	vst v0  }
0x1f: {  	[tilespmem:s23+$0x2A40] =	vst v0  }
0x20: {  	[tilespmem:s23+$0x2A50] =	vst v0  }
0x21: {  	[tilespmem:s23+$0x2A60] =	vst v0  }
0x22: {  	[spmem:s5] =	stream.linear.scatter [tilespmem:s13], [sflag:$0x3], $0x4000, $0x38;
	[tilespmem:$0x1EA00] =	vst v63  }
0x23: {  	_ =	swait.ge [sflag:s14], $0x4000  }
0x24: {  	[sflag:s14] =	ssyncset.done $0x0  }
0x25: {  	[sflag:s14] =	ssyncadd.s32 $0xFFFFC000  }
0x26: {  	[spmem:s6] =	stream.linear.scatter [tilespmem:s13], [sflag:$0x3], $0x4000, $0x38;
	[tilespmem:$0x1EA00] =	vst v63  }
0x27: {  	_ =	swait.ge [sflag:s14], $0x4000  }
0x28: {  	[sflag:s14] =	ssyncset.done $0x0  }
0x29: {  	[sflag:s14] =	ssyncadd.s32 $0xFFFFC000  }
0x2a: {  	[spmem:s7] =	stream.linear.scatter [tilespmem:s13], [sflag:$0x3], $0x4000, $0x38;
	[tilespmem:$0x1EA00] =	vst v63  }
0x2b: {  	_ =	swait.ge [sflag:s14], $0x4000  }
0x2c: {  	[sflag:s14] =	ssyncset.done $0x0  }
0x2d: {  	[sflag:s14] =	ssyncadd.s32 $0xFFFFC000  }
0x2e: {  	[spmem:s8] =	stream.linear.scatter [tilespmem:s13], [sflag:$0x3], $0x4000, $0x38;
	[tilespmem:$0x1EA00] =	vst v63  }
0x2f: {  	_ =	swait.ge [sflag:s14], $0x4000  }
0x30: {  	[sflag:s14] =	ssyncset.done $0x0  }
0x31: {  	[sflag:s14] =	ssyncadd.s32 $0xFFFFC000  }
0x32: {  	[spmem:s9] =	stream.linear.scatter [tilespmem:s13], [sflag:$0x3], $0x4000, $0x38;
	[tilespmem:$0x1EA00] =	vst v63  }
0x33: {  	_ =	swait.ge [sflag:s14], $0x4000  }
0x34: {  	[sflag:s14] =	ssyncset.done $0x0  }
0x35: {  	s30 =	simm.s32 $0x0;
	[sflag:s14] =	ssyncadd.s32 $0xFFFFC000  }
0x36: {  	[tilespmem:s30], [sflag:$0x3] =	stream.linear.gather [hbm4b:s10+s30], $0x2800, $0x38;
	[tilespmem:$0x1EA00] =	vst v63  }
0x37: {  	_ =	swait.ge [sflag:s14], $0x2800  }
0x38: {  	[sflag:s14] =	ssyncset.done $0x0  }
0x39: {  	[sflag:s14] =	ssyncadd.s32 $0xFFFFD800  }
0x3a: {  	[bflag:$0x0] =	sbarrier.arrive $0xFFFF  }
0x3b: {  	v1 =	vld [tilespmem:$0x0];
	_ =	sdelay $0x1  }
0x3c: {  	v2 =	vld [tilespmem:$0x10];
	_ =	sdelay $0x1  }
0x3d: {  	v3 =	vld [tilespmem:$0x20]  }
0x3e: {  	v4 =	vshrl.u32 v1, $0xE  }
0x3f: {  	v62 =	vld [tilespmem:$0x30];
	v1 =	vand.u32 $0x3FFF, v1;
	[tilespmem:$0x2800] =	vst v4  }
0x40: {  	[tilespmem:$0x2900] =	vst v1;
	v1 =	vshrl.u32 v2, $0xE  }
0x41: {  	[tilespmem:$0x2810] =	vst v1;
	v1 =	vand.u32 $0x3FFF, v2;
	v2 =	vld [tilespmem:$0x40]  }
0x42: {  	[tilespmem:$0x2910] =	vst v1;
	v1 =	vshrl.u32 v3, $0xE  }
0x43: {  	[tilespmem:$0x2820] =	vst v1;
	v1 =	vand.u32 $0x3FFF, v3;
	v3 =	vld [tilespmem:$0x50]  }
0x44: {  	[tilespmem:$0x2920] =	vst v1;
	v1 =	vshrl.u32 v62, $0xE  }
0x45: {  	v63 =	vld [tilespmem:$0x60];
	[tilespmem:$0x2830] =	vst v1;
	v1 =	vand.u32 $0x3FFF, v62  }
0x46: {  	[tilespmem:$0x2930] =	vst v1;
	v1 =	vshrl.u32 v2, $0xE  }
0x47: {  	[tilespmem:$0x2840] =	vst v1;
	v1 =	vand.u32 $0x3FFF, v2;
	v2 =	vld [tilespmem:$0x70]  }
0x48: {  	[tilespmem:$0x2940] =	vst v1;
	v1 =	vshrl.u32 v3, $0xE  }
0x49: {  	[tilespmem:$0x2850] =	vst v1;
	v1 =	vand.u32 $0x3FFF, v3  }
0x4a: {  	[tilespmem:$0x2950] =	vst v1;
	v1 =	vshrl.u32 v63, $0xE  }
0x4b: {  	[tilespmem:$0x2860] =	vst v1;
	v1 =	vand.u32 $0x3FFF, v63  }
0x4c: {  	[tilespmem:$0x2960] =	vst v1;
	v1 =	vshrl.u32 v2, $0xE  }
0x4d: {  	[tilespmem:$0x2870] =	vst v1;
	v1 =	vand.u32 $0x3FFF, v2  }
0x4e: {  	s31 =	simm.s32 $0x0;
	[tilespmem:$0x2970] =	vst v1  }
0x4f: {  	[tilespmem:s13], [sflag:$0x1] =	stream.indirect.gather [hbm4b:s4+s15], $0x80, s16, s15, $0xb8;
	[tilespmem:$0x1EA00] =	vst v63  }
0x50: {  	v1 =	vld [tilespmem:s31+$0x80];
	_ =	sdelay $0x4  }
0x51: {  	v2 =	vshrl.u32 v1, $0xE  }
0x52: {  	v1 =	vand.u32 $0x3FFF, v1;
	[tilespmem:$0x2880] =	vst v2  }
0x53: {  	[tilespmem:$0x2980] =	vst v1  }
0x54: {  	v1 =	vld [tilespmem:s31+$0x90];
	_ =	sdelay $0x4  }
0x55: {  	v2 =	vshrl.u32 v1, $0xE  }
0x56: {  	v1 =	vand.u32 $0x3FFF, v1;
	[tilespmem:$0x2890] =	vst v2  }
0x57: {  	[tilespmem:$0x2990] =	vst v1  }
0x58: {  	v1 =	vld [tilespmem:s31+$0xA0];
	_ =	sdelay $0x4  }
0x59: {  	v2 =	vshrl.u32 v1, $0xE  }
0x5a: {  	v1 =	vand.u32 $0x3FFF, v1;
	[tilespmem:$0x28A0] =	vst v2  }
0x5b: {  	[tilespmem:$0x29A0] =	vst v1  }
0x5c: {  	v1 =	vld [tilespmem:s31+$0xB0];
	_ =	sdelay $0x4  }
0x5d: {  	v2 =	vshrl.u32 v1, $0xE  }
0x5e: {  	v1 =	vand.u32 $0x3FFF, v1;
	[tilespmem:$0x28B0] =	vst v2  }
0x5f: {  	[tilespmem:$0x29B0] =	vst v1  }
0x60: {  	v1 =	vld [tilespmem:s31+$0xC0];
	_ =	sdelay $0x4  }
0x61: {  	v2 =	vshrl.u32 v1, $0xE  }
0x62: {  	v1 =	vand.u32 $0x3FFF, v1;
	[tilespmem:$0x28C0] =	vst v2  }
0x63: {  	[tilespmem:$0x29C0] =	vst v1  }
0x64: {  	v1 =	vld [tilespmem:s31+$0xD0];
	_ =	sdelay $0x4  }
0x65: {  	v2 =	vshrl.u32 v1, $0xE  }
0x66: {  	v1 =	vand.u32 $0x3FFF, v1;
	[tilespmem:$0x28D0] =	vst v2  }
0x67: {  	[tilespmem:$0x29D0] =	vst v1  }
0x68: {  	v1 =	vld [tilespmem:s31+$0xE0];
	_ =	sdelay $0x4  }
0x69: {  	v2 =	vshrl.u32 v1, $0xE  }
0x6a: {  	v1 =	vand.u32 $0x3FFF, v1;
	[tilespmem:$0x28E0] =	vst v2  }
0x6b: {  	[tilespmem:$0x29E0] =	vst v1  }
0x6c: {  	v1 =	vld [tilespmem:s31+$0xF0];
	_ =	sdelay $0x4  }
0x6d: {  	v2 =	vshrl.u32 v1, $0xE  }
0x6e: {  	v1 =	vand.u32 $0x3FFF, v1;
	[tilespmem:$0x28F0] =	vst v2  }
0x6f: {  	[tilespmem:$0x29F0] =	vst v1  }
0x70: {  	[tilespmem:s18], [sflag:$0x2] =	stream.indirect.gather [hbm4b:s4+s15], $0x80, s17, s15, $0xb8;
	[tilespmem:$0x1EA00] =	vst v63  }
0x71: {  	_ =	swait.ge [sflag:s19], $0x4000  }
0x72: {  	[sflag:s19] =	ssyncset.done $0x0  }
0x73: {  	[sflag:s19] =	ssyncadd.s32 $0xFFFFC000  }
0x74: {  	[spmem:s2] =	stream.indirect.scatter.add.f32 [tilespmem:s13], [sflag:$0x3], $0x80, s20, s15, $0xb8;
	[tilespmem:$0x1EA00] =	vst v63  }
0x75: {  	_ =	swait.ge [sflag:s14], $0x4000  }
0x76: {  	p1 =	por $0x0, $0x0;
	[sflag:s14] =	ssyncset.done $0x0  }
0x77: {  	s24 =	simm.s32 @!p1 $0x0;
	[sflag:s14] =	ssyncadd.s32 $0xFFFFC000  }
0x78: {  	v1 =	vld @!p1 [tilespmem:s24+$0x100];
	_ =	sdelay $0x4  }
0x79: {  	v2 =	vshrl.u32 @!p1 v1, $0xE  }
0x7a: {  	v1 =	vand.u32 @!p1 $0x3FFF, v1;
	[tilespmem:$0x2800] =	vst @!p1 v2  }
0x7b: {  	[tilespmem:$0x2900] =	vst @!p1 v1  }
0x7c: {  	v1 =	vld @!p1 [tilespmem:s24+$0x110];
	_ =	sdelay $0x4  }
0x7d: {  	v2 =	vshrl.u32 @!p1 v1, $0xE  }
0x7e: {  	v1 =	vand.u32 @!p1 $0x3FFF, v1;
	[tilespmem:$0x2810] =	vst @!p1 v2  }
0x7f: {  	[tilespmem:$0x2910] =	vst @!p1 v1  }
0x80: {  	v1 =	vld @!p1 [tilespmem:s24+$0x120];
	_ =	sdelay $0x4  }
0x81: {  	v2 =	vshrl.u32 @!p1 v1, $0xE  }
0x82: {  	v1 =	vand.u32 @!p1 $0x3FFF, v1;
	[tilespmem:$0x2820] =	vst @!p1 v2  }
0x83: {  	[tilespmem:$0x2920] =	vst @!p1 v1  }
0x84: {  	v1 =	vld @!p1 [tilespmem:s24+$0x130];
	_ =	sdelay $0x4  }
0x85: {  	v2 =	vshrl.u32 @!p1 v1, $0xE  }
0x86: {  	v1 =	vand.u32 @!p1 $0x3FFF, v1;
	[tilespmem:$0x2830] =	vst @!p1 v2  }
0x87: {  	[tilespmem:$0x2930] =	vst @!p1 v1  }
0x88: {  	v1 =	vld @!p1 [tilespmem:s24+$0x140];
	_ =	sdelay $0x4  }
0x89: {  	v2 =	vshrl.u32 @!p1 v1, $0xE  }
0x8a: {  	v1 =	vand.u32 @!p1 $0x3FFF, v1;
	[tilespmem:$0x2840] =	vst @!p1 v2  }
0x8b: {  	[tilespmem:$0x2940] =	vst @!p1 v1  }
0x8c: {  	v1 =	vld @!p1 [tilespmem:s24+$0x150];
	_ =	sdelay $0x4  }
0x8d: {  	v2 =	vshrl.u32 @!p1 v1, $0xE  }
0x8e: {  	v1 =	vand.u32 @!p1 $0x3FFF, v1;
	[tilespmem:$0x2850] =	vst @!p1 v2  }
0x8f: {  	[tilespmem:$0x2950] =	vst @!p1 v1  }
0x90: {  	v1 =	vld @!p1 [tilespmem:s24+$0x160];
	_ =	sdelay $0x4  }
0x91: {  	s23 =	simm.s32 $0x400;
	v2 =	vshrl.u32 @!p1 v1, $0xE  }
0x92: {  	s26 =	simm.s32 @!p1 $0x80;
	s28 =	simm.s32 @!p1 $0x2800;
	s29 =	simm.s32 @!p1 $0x2A00;
	v1 =	vand.u32 @!p1 $0x3FFF, v1;
	[tilespmem:$0x2860] =	vst @!p1 v2  }
.LBB2_4:
0x93: {  	[tilespmem:$0x2960] =	vst @!p1 v1;
	s25 =	smov.u32 s23;
	s23 =	sadd.s32 $0x400, s23  }
0x94: {  	p0 =	sne.s32 s23, $0xA000;
	v1 =	vld @!p1 [tilespmem:s24+$0x170];
	_ =	sdelay $0x4  }
0x95: {  	v2 =	vshrl.u32 @!p1 v1, $0xE;
	v1 =	vand.u32 @!p1 $0x3FFF, v1  }
0x96: {  	[tilespmem:$0x2870] =	vst @!p1 v2  }
0x97: {  	[tilespmem:$0x2970] =	vst @!p1 v1  }
0x98: {  	[tilespmem:s29], [sflag:$0x1] =	stream.indirect.gather @!p1 [hbm4b:s4+s26], $0x80, s28, s26, $0xb8;
	[tilespmem:$0x1EA00] =	vst v63  }
0x99: {  	_ =	swait.ge [sflag:s21], $0x4000  }
0x9a: {  	[sflag:s21] =	ssyncset.done $0x0  }
0x9b: {  	[sflag:s21] =	ssyncadd.s32 $0xFFFFC000  }
0x9c: {  	[spmem:s2] =	stream.indirect.scatter.add.f32 [tilespmem:s18], [sflag:$0x3], $0x80, s22, s15, $0xb8;
	[tilespmem:$0x1EA00] =	vst v63  }
0x9d: {  	_ =	swait.ge [sflag:s14], $0x4000  }
0x9e: {  	[sflag:s14] =	ssyncset.done $0x0  }
0x9f: {  	s24 =	sshra.s32 s25, $0x2;
	[sflag:s14] =	ssyncadd.s32 $0xFFFFC000  }
0xa0: {  	v1 =	vld [tilespmem:s24+$0x80];
	_ =	sdelay $0x4  }
0xa1: {  	v2 =	vshrl.u32 v1, $0xE;
	v1 =	vand.u32 $0x3FFF, v1  }
0xa2: {  	[tilespmem:$0x2880] =	vst v2  }
0xa3: {  	[tilespmem:$0x2980] =	vst v1  }
0xa4: {  	v1 =	vld [tilespmem:s24+$0x90];
	_ =	sdelay $0x4  }
0xa5: {  	v2 =	vshrl.u32 v1, $0xE;
	v1 =	vand.u32 $0x3FFF, v1  }
0xa6: {  	[tilespmem:$0x2890] =	vst v2  }
0xa7: {  	[tilespmem:$0x2990] =	vst v1  }
0xa8: {  	v1 =	vld [tilespmem:s24+$0xA0];
	_ =	sdelay $0x4  }
0xa9: {  	v2 =	vshrl.u32 v1, $0xE;
	v1 =	vand.u32 $0x3FFF, v1  }
0xaa: {  	[tilespmem:$0x28A0] =	vst v2  }
0xab: {  	[tilespmem:$0x29A0] =	vst v1  }
0xac: {  	v1 =	vld [tilespmem:s24+$0xB0];
	_ =	sdelay $0x4  }
0xad: {  	v2 =	vshrl.u32 v1, $0xE;
	v1 =	vand.u32 $0x3FFF, v1  }
0xae: {  	[tilespmem:$0x28B0] =	vst v2  }
0xaf: {  	[tilespmem:$0x29B0] =	vst v1  }
0xb0: {  	v1 =	vld [tilespmem:s24+$0xC0];
	_ =	sdelay $0x4  }
0xb1: {  	v2 =	vshrl.u32 v1, $0xE;
	v1 =	vand.u32 $0x3FFF, v1  }
0xb2: {  	[tilespmem:$0x28C0] =	vst v2  }
0xb3: {  	[tilespmem:$0x29C0] =	vst v1  }
0xb4: {  	v1 =	vld [tilespmem:s24+$0xD0];
	_ =	sdelay $0x4  }
0xb5: {  	v2 =	vshrl.u32 v1, $0xE;
	v1 =	vand.u32 $0x3FFF, v1  }
0xb6: {  	[tilespmem:$0x28D0] =	vst v2  }
0xb7: {  	[tilespmem:$0x29D0] =	vst v1  }
0xb8: {  	v1 =	vld [tilespmem:s24+$0xE0];
	_ =	sdelay $0x4  }
0xb9: {  	v2 =	vshrl.u32 v1, $0xE;
	v1 =	vand.u32 $0x3FFF, v1  }
0xba: {  	[tilespmem:$0x28E0] =	vst v2  }
0xbb: {  	[tilespmem:$0x29E0] =	vst v1  }
0xbc: {  	v1 =	vld [tilespmem:s24+$0xF0];
	_ =	sdelay $0x4  }
0xbd: {  	v2 =	vshrl.u32 v1, $0xE;
	v1 =	vand.u32 $0x3FFF, v1  }
0xbe: {  	p1 =	seq.s32 s25, $0x9C00;
	[tilespmem:$0x28F0] =	vst v2  }
0xbf: {  	s24 =	sshra.s32 @!p1 s25, $0x2;
	[tilespmem:$0x29F0] =	vst v1  }
0xc0: {  	[tilespmem:s18], [sflag:$0x2] =	stream.indirect.gather [hbm4b:s4+s15], $0x80, s17, s15, $0xb8;
	[tilespmem:$0x1EA00] =	vst v63  }
0xc1: {  	_ =	swait.ge [sflag:s19], $0x4000  }
0xc2: {  	[sflag:s19] =	ssyncset.done $0x0  }
0xc3: {  	[sflag:s19] =	ssyncadd.s32 $0xFFFFC000  }
0xc4: {  	[spmem:s2] =	stream.indirect.scatter.add.f32 [tilespmem:s13], [sflag:$0x3], $0x80, s20, s15, $0xb8;
	[tilespmem:$0x1EA00] =	vst v63  }
0xc5: {  	_ =	swait.ge [sflag:s14], $0x4000  }
0xc6: {  	[sflag:s14] =	ssyncset.done $0x0  }
0xc7: {  	[sflag:s14] =	ssyncadd.s32 $0xFFFFC000  }
0xc8: {  	v1 =	vld @!p1 [tilespmem:s24+$0x100];
	_ =	sdelay $0x4  }
0xc9: {  	v2 =	vshrl.u32 @!p1 v1, $0xE;
	v1 =	vand.u32 @!p1 $0x3FFF, v1  }
0xca: {  	[tilespmem:$0x2800] =	vst @!p1 v2  }
0xcb: {  	[tilespmem:$0x2900] =	vst @!p1 v1  }
0xcc: {  	v1 =	vld @!p1 [tilespmem:s24+$0x110];
	_ =	sdelay $0x4  }
0xcd: {  	v2 =	vshrl.u32 @!p1 v1, $0xE;
	v1 =	vand.u32 @!p1 $0x3FFF, v1  }
0xce: {  	[tilespmem:$0x2810] =	vst @!p1 v2  }
0xcf: {  	[tilespmem:$0x2910] =	vst @!p1 v1  }
0xd0: {  	v1 =	vld @!p1 [tilespmem:s24+$0x120];
	_ =	sdelay $0x4  }
0xd1: {  	v2 =	vshrl.u32 @!p1 v1, $0xE;
	v1 =	vand.u32 @!p1 $0x3FFF, v1  }
0xd2: {  	[tilespmem:$0x2820] =	vst @!p1 v2  }
0xd3: {  	[tilespmem:$0x2920] =	vst @!p1 v1  }
0xd4: {  	v1 =	vld @!p1 [tilespmem:s24+$0x130];
	_ =	sdelay $0x4  }
0xd5: {  	v2 =	vshrl.u32 @!p1 v1, $0xE;
	v1 =	vand.u32 @!p1 $0x3FFF, v1  }
0xd6: {  	[tilespmem:$0x2830] =	vst @!p1 v2  }
0xd7: {  	[tilespmem:$0x2930] =	vst @!p1 v1  }
0xd8: {  	v1 =	vld @!p1 [tilespmem:s24+$0x140];
	_ =	sdelay $0x4  }
0xd9: {  	v2 =	vshrl.u32 @!p1 v1, $0xE;
	v1 =	vand.u32 @!p1 $0x3FFF, v1  }
0xda: {  	[tilespmem:$0x2840] =	vst @!p1 v2  }
0xdb: {  	[tilespmem:$0x2940] =	vst @!p1 v1  }
0xdc: {  	v1 =	vld @!p1 [tilespmem:s24+$0x150];
	_ =	sdelay $0x4  }
0xdd: {  	v2 =	vshrl.u32 @!p1 v1, $0xE;
	v1 =	vand.u32 @!p1 $0x3FFF, v1  }
0xde: {  	[tilespmem:$0x2850] =	vst @!p1 v2  }
0xdf: {  	s26 =	simm.s32 @!p1 $0x80;
	s28 =	simm.s32 @!p1 $0x2800;
	s29 =	simm.s32 @!p1 $0x2A00;
	[tilespmem:$0x2950] =	vst @!p1 v1  }
0xe0: {  	v1 =	vld @!p1 [tilespmem:s24+$0x160];
	_ =	sdelay $0x1  }
.Ltmp1:
0xe1: {  	(pc) =	sbr.rel @p0 .LBB2_4-.Ltmp1, $3  }
0xe2: {  	_ =	sdelay $0x1  }
0xe3: {  	v2 =	vshrl.u32 @!p1 v1, $0xE;
	v1 =	vand.u32 @!p1 $0x3FFF, v1  }
0xe4: {  	[tilespmem:$0x2860] =	vst @!p1 v2  }
0xe5: {  	[tilespmem:$0x2960] =	vst @!p1 v1  }
0xe6: {  	v1 =	vld @!p1 [tilespmem:s24+$0x170];
	_ =	sdelay $0x4  }
0xe7: {  	v2 =	vshrl.u32 @!p1 v1, $0xE  }
0xe8: {  	v1 =	vand.u32 @!p1 $0x3FFF, v1;
	[tilespmem:$0x2870] =	vst @!p1 v2  }
0xe9: {  	[tilespmem:$0x2970] =	vst @!p1 v1  }
0xea: {  	[tilespmem:s29], [sflag:$0x1] =	stream.indirect.gather @!p1 [hbm4b:s4+s26], $0x80, s28, s26, $0xb8;
	[tilespmem:$0x1EA00] =	vst v63  }
0xeb: {  	_ =	swait.ge [sflag:s21], $0x4000  }
0xec: {  	[sflag:s21] =	ssyncset.done $0x0  }
0xed: {  	[sflag:s21] =	ssyncadd.s32 $0xFFFFC000  }
0xee: {  	[spmem:s2] =	stream.indirect.scatter.add.f32 [tilespmem:s18], [sflag:$0x3], $0x80, s22, s15, $0xb8;
	[tilespmem:$0x1EA00] =	vst v63  }
0xef: {  	_ =	swait.ge [sflag:s14], $0x4000  }
0xf0: {  	s23 =	sshll.u32 s0, $0x6;
	s3 =	sadd.s32 $0x1, s3;
	[sflag:s14] =	ssyncset.done $0x0  }
0xf1: {  	s31 =	sshrl.u32 s5, $0x3;
	p0 =	sne.s32 s3, s12;
	[sflag:s14] =	ssyncadd.s32 $0xFFFFC000  }
.Ltmp2:
0xf2: {  	s23 =	sor.u32 $0x1C03, s23;
	[bflag:$0x0] =	sbarrier.arrive $0xFFFF;
	(pc) =	sbr.rel @p0 .LBB2_1-.Ltmp2, $4  }
0xf3: {  	[hbm:s11], [sflag:s23] =	dma.local [spmem:s31], $0x2800  }
0xf4: {  	_ =	swait.ge [sflag:s14], $0x2800  }
0xf5: {  	[sflag:s14] =	ssyncset.done $0x0  }
0xf6: {  	[sflag:s14] =	ssyncadd.s32 $0xFFFFD800  }
0xf7: {  	_ =	sfence.sel $0x180000  }
0xf8: {  	[bflag:$0x0] =	sbarrier.arrive $0xFFFF  }
0xf9: {  	p0 =	sne.s32 s0, $0x0;
	_ =	strace $0x9000004A  }
0xfa: {  	s0 =	sadd.s32 @!p0 $0x100000, s1;
	[bflag:$0x2] =	sbarrier.arrive $0xFFFF  }
0xfb: {  	[sflag:s0] =	ssyncadd.tile.s32 @!p0 $0x1;
	_ =	shalt  }
.Lfunc_end2:
_tile_overlayer_lowered:
.L_overlay_start_2:
0xfc: {  	(tag) =	ssettag $0x2  }
0xfd: {  	s0 =	rddreg [dreg:$0x0];
	s2 =	stileid.u32  }
0xfe: {  	s1 =	rddreg [dreg:$0x1];
	p0 =	sne.s32 s2, $0x0  }
0xff: {  	s3 =	rddreg [dreg:$0x2];
	[bflag:$0x3] =	sbarrier.arrive $0xFFFF;
	s2 =	simm.s32 @!p0 $0x1C03  }
0x100: {  	[timem:s3], [sflag:s2] =	dma.local @!p0 [hbm:s0], s1  }
0x101: {  	s0 =	simm.s32 @!p0 $0x3  }
0x102: {  	_ =	swait.ge @!p0 [sflag:s0], s1  }
0x103: {  	s1 =	ssub.s32 @!p0 $0x0, s1;
	[sflag:s0] =	ssyncset.done @!p0 $0x0  }
0x104: {  	[sflag:s0] =	ssyncadd.s32 @!p0 s1  }
0x105: {  	[bflag:$0x3] =	sbarrier.arrive $0xFFFF  }
0x106: {  	_ =	shalt  }

</sc_bundles>
